<compile_context>
chip_gen: v7x
topology: tpu7x:2x2x1
jax: 0.10.2.dev20260603
libtpu: 0.0.44.dev20260713+nightly
codegen_flags: <defaults>
</compile_context>

<pallas_src>
import dataclasses
import functools

import jax
import jax.numpy as jnp
from jax import lax
from jax.experimental import pallas as pl
from jax.experimental.pallas import tpu as pltpu
from jax.experimental.pallas import tpu_sc as plsc

N = 10000
M = 320000
AF = 128
NF = 16

NC, NS = 2, 16
NWORK = NC * NS
GW = 80
SW1 = 2000

HALF = 5120
YW = 144
EB = 512
NEB = M // EB

_mesh = plsc.VectorSubcoreMesh(core_axis_name="c", subcore_axis_name="s")

_sc_params = pltpu.CompilerParams()
if "needs_layout_passes" in pltpu.CompilerParams.__dataclass_fields__:
    _sc_params = dataclasses.replace(_sc_params, needs_layout_passes=False)


def _k0_body(a_ref, wnode_ref, ps_ref, pn_ref):
    a = a_ref[...]
    ps_ref[...] = jnp.dot(a, wnode_ref[...][:, :256],
                          preferred_element_type=jnp.float32)
    pn_ref[...] = jnp.dot(a, wnode_ref[...][:, 256:],
                          preferred_element_type=jnp.float32)


def _make_tables(atom_in_fea, w_node):
    R = 400
    return pl.pallas_call(
        _k0_body,
        grid=(N // R,),
        in_specs=[
            pl.BlockSpec((R, AF), lambda i: (i, 0)),
            pl.BlockSpec((AF, 512), lambda i: (0, 0)),
        ],
        out_specs=[
            pl.BlockSpec((R, 256), lambda i: (i, 0)),
            pl.BlockSpec((R, 256), lambda i: (i, 0)),
        ],
        out_shape=[
            jax.ShapeDtypeStruct((N, 256), jnp.float32),
            jax.ShapeDtypeStruct((N, 256), jnp.float32),
        ],
    )(atom_in_fea, w_node)


@functools.partial(
    pl.kernel,
    mesh=_mesh,
    compiler_params=_sc_params,
    out_type=[
        jax.ShapeDtypeStruct((M, 256), jnp.float32),
        jax.ShapeDtypeStruct((M,), jnp.float32),
    ],
    scratch_types=[
        pltpu.VMEM((SW1,), jnp.int32),
        pltpu.VMEM((SW1,), jnp.int32),
        pltpu.VMEM((GW, 256), jnp.float32),
        pltpu.VMEM((GW, 256), jnp.float32),
        pltpu.VMEM((GW, 256), jnp.float32),
        pltpu.VMEM((GW, 256), jnp.float32),
        pltpu.VMEM((SW1,), jnp.float32),
        pltpu.VMEM((N,), jnp.float32),
        pltpu.SemaphoreType.DMA,
        pltpu.SemaphoreType.DMA,
        pltpu.SemaphoreType.DMA,
        pltpu.SemaphoreType.DMA,
    ],
)
def _k1_gather(ps_hbm, pn_hbm, si_hbm, ni_hbm, aw_hbm, xpre_hbm, wg_hbm,
               si_v, ni_v, a0_v, b0_v, a1_v, b1_v, w_v, wtab_v,
               sa0, sb0, sa1, sb1):
    wid = lax.axis_index("s") * NC + lax.axis_index("c")
    per_w = M // NWORK
    base = wid * per_w
    nwin = SW1 // GW

    pltpu.sync_copy(aw_hbm, wtab_v)

    @pl.loop(0, per_w // SW1)
    def _sup(u):
        off0 = base + u * SW1
        pltpu.sync_copy(si_hbm.at[pl.ds(off0, SW1)], si_v)
        pltpu.sync_copy(ni_hbm.at[pl.ds(off0, SW1)], ni_v)

        def _issue(sw, a_v, b_v, sem_a, sem_b):
            pltpu.async_copy(ps_hbm.at[si_v.at[pl.ds(sw, GW)]], a_v, sem_a)
            pltpu.async_copy(pn_hbm.at[ni_v.at[pl.ds(sw, GW)]], b_v, sem_b)

        def _wait(a_v, b_v, sem_a, sem_b):
            pltpu.make_async_copy(ps_hbm.at[si_v.at[pl.ds(0, GW)]], a_v,
                                  sem_a).wait()
            pltpu.make_async_copy(pn_hbm.at[ni_v.at[pl.ds(0, GW)]], b_v,
                                  sem_b).wait()

        def _consume(sw, a_v, b_v):
            @pl.loop(0, GW)
            def _row(r):
                @pl.loop(0, 256, step=16)
                def _chunk(cc):
                    b_v[r, pl.ds(cc, 16)] = (b_v[r, pl.ds(cc, 16)]
                                             + a_v[r, pl.ds(cc, 16)])

            @pl.loop(0, GW, step=16)
            def _wchunk(cc):
                idx = ni_v[pl.ds(sw + cc, 16)]
                w_v[pl.ds(sw + cc, 16)] = plsc.load_gather(wtab_v, [idx])

            pltpu.sync_copy(b_v, xpre_hbm.at[pl.ds(off0 + sw, GW)])

        _issue(0, a0_v, b0_v, sa0, sb0)

        @pl.loop(0, (nwin - 1) // 2)
        def _dw(i):
            sw0 = i * (2 * GW)
            _issue(sw0 + GW, a1_v, b1_v, sa1, sb1)
            _wait(a0_v, b0_v, sa0, sb0)
            _consume(sw0, a0_v, b0_v)
            _issue(sw0 + 2 * GW, a0_v, b0_v, sa0, sb0)
            _wait(a1_v, b1_v, sa1, sb1)
            _consume(sw0 + GW, a1_v, b1_v)

        _wait(a0_v, b0_v, sa0, sb0)
        _consume(SW1 - GW, a0_v, b0_v)

        pltpu.sync_copy(w_v, wg_hbm.at[pl.ds(off0, SW1)])


def _k2_body(xpre_ref, bond_ref, wb_ref, acc_ref):
    @pl.when(pl.program_id(0) == 0)
    def _init():
        acc_ref[...] = jnp.zeros_like(acc_ref)

    x = xpre_ref[...] + jnp.dot(
        bond_ref[...], wb_ref[...], preferred_element_type=jnp.float32)
    acc_ref[0:1, :] += jnp.sum(x, axis=0, keepdims=True)
    acc_ref[1:2, :] += jnp.sum(x * x, axis=0, keepdims=True)


def _bn_stats(xpre, bond, wb_cat):
    return pl.pallas_call(
        _k2_body,
        grid=(NEB,),
        in_specs=[
            pl.BlockSpec((EB, 256), lambda i: (i, 0)),
            pl.BlockSpec((EB, NF), lambda i: (i, 0)),
            pl.BlockSpec((NF, 256), lambda i: (0, 0)),
        ],
        out_specs=pl.BlockSpec((8, 256), lambda i: (0, 0)),
        out_shape=jax.ShapeDtypeStruct((8, 256), jnp.float32),
    )(xpre, bond, wb_cat)


def _k3_body(xpre_ref, bond_ref, wcol_ref, wb_ref, stats_ref, gb_ref, wg_ref,
             y_ref):
    inv_m = 1.0 / M
    mu = stats_ref[0:1, :] * inv_m
    ex2 = stats_ref[1:2, :] * inv_m
    var = ex2 - mu * mu
    rstd = lax.rsqrt(var + 1e-5)
    a_aff = rstd * gb_ref[0:1, :]
    c_aff = gb_ref[1:2, :] - mu * a_aff

    x = xpre_ref[...] + jnp.dot(
        bond_ref[...], wb_ref[...], preferred_element_type=jnp.float32)
    xn = x * a_aff + c_aff
    xf = xn[:, :AF]
    xc = xn[:, AF:]
    f = jax.nn.sigmoid(xf)
    e = jnp.where(xc > 0, xc, jnp.exp(jnp.minimum(xc, 0.0)) - 1.0)
    msg = f * e

    g = jnp.dot(msg, wg_ref[...], preferred_element_type=jnp.float32)
    g = g[:, 0:1] + gb_ref[2:3, 0:1]
    t = wcol_ref[...] * jnp.exp(jnp.minimum(g, 50.0))
    pad = jnp.zeros((msg.shape[0], YW - AF - 1), jnp.float32)
    y_ref[...] = jnp.concatenate([t * msg, t, pad], axis=1)


def _messages(xpre, bond, wcol, wb_cat, stats, gb, wg):
    return pl.pallas_call(
        _k3_body,
        grid=(NEB,),
        in_specs=[
            pl.BlockSpec((EB, 256), lambda i: (i, 0)),
            pl.BlockSpec((EB, NF), lambda i: (i, 0)),
            pl.BlockSpec((EB, 1), lambda i: (i, 0)),
            pl.BlockSpec((NF, 256), lambda i: (0, 0)),
            pl.BlockSpec((8, 256), lambda i: (0, 0)),
            pl.BlockSpec((8, 256), lambda i: (0, 0)),
            pl.BlockSpec((AF, 1), lambda i: (0, 0)),
        ],
        out_specs=pl.BlockSpec((EB, YW), lambda i: (i, 0)),
        out_shape=jax.ShapeDtypeStruct((M, YW), jnp.float32),
    )(xpre, bond, wcol, wb_cat, stats, gb, wg)


NPAD = 2 * HALF
NODES_PER_W = NPAD // NWORK
ACCTOT = NPAD
SW4 = 1600


@functools.partial(
    pl.kernel,
    mesh=_mesh,
    compiler_params=_sc_params,
    out_type=jax.ShapeDtypeStruct((NPAD, YW), jnp.float32),
    scratch_types=[
        pltpu.VMEM((GW, YW), jnp.float32),
        pltpu.VMEM((SW4,), jnp.int32),
        pltpu.VMEM((NODES_PER_W + 8, YW), jnp.float32),
    ],
)
def _k4_scatter(y_hbm, si_hbm, out_hbm, y_v, si_v, acc_v):
    cid = lax.axis_index("c")
    sid = lax.axis_index("s")
    wid = cid * NS + sid
    nlo = wid * NODES_PER_W
    nhi = nlo + NODES_PER_W
    ii16 = lax.iota(jnp.int32, 16)

    @pl.loop(0, NODES_PER_W + 8)
    def _zr(r):
        @pl.loop(0, YW, step=16)
        def _zc(cc):
            acc_v[r, pl.ds(cc, 16)] = jnp.zeros((16,), jnp.float32)

    @pl.loop(0, M // SW4)
    def _scan(s):
        soff = s * SW4
        pltpu.sync_copy(si_hbm.at[pl.ds(soff, SW4)], si_v)
        first = jnp.min(si_v[pl.ds(0, 16)])
        last = jnp.max(si_v[pl.ds(SW4 - 16, 16)])

        @pl.when(jnp.logical_and(last >= nlo, first < nhi))
        def _block():
            @pl.loop(0, SW4, step=GW)
            def _sub(sw):
                f2 = jnp.min(si_v[pl.ds(sw, 16)])
                l2 = jnp.max(si_v[pl.ds(sw + GW - 16, 16)])

                @pl.when(jnp.logical_and(l2 >= nlo, f2 < nhi))
                def _accum():
                    pltpu.sync_copy(y_hbm.at[pl.ds(soff + sw, GW)], y_v)

                    @pl.loop(0, GW, step=16)
                    def _ec(ec):
                        sic = si_v[pl.ds(sw + ec, 16)]
                        loc = sic - nlo
                        inr = jnp.logical_and(loc >= 0, loc < NODES_PER_W)
                        rowc = jnp.where(inr, loc, NODES_PER_W)
                        for e in range(16):
                            row_e = jnp.sum(jnp.where(ii16 == e, rowc, 0))
                            rows = jnp.broadcast_to(row_e, (16,))

                            @pl.loop(0, YW, step=16)
                            def _ck(k):
                                v = y_v[ec + e, pl.ds(k, 16)]
                                plsc.addupdate_scatter(
                                    acc_v, [rows, k + ii16], v)

    @pl.loop(0, NODES_PER_W // GW)
    def _dump(k):
        pltpu.sync_copy(acc_v.at[pl.ds(k * GW, GW)],
                        out_hbm.at[pl.ds(nlo + k * GW, GW)])


def _k5_body(parts_ref, out_ref):
    s = parts_ref[...]
    out_ref[...] = s[:, :AF] / (s[:, AF:AF + 1] + 1e-13)


def _finalize(parts):
    R = 80
    return pl.pallas_call(
        _k5_body,
        grid=(N // R,),
        in_specs=[pl.BlockSpec((R, YW), lambda i: (i, 0))],
        out_specs=pl.BlockSpec((R, AF), lambda i: (i, 0)),
        out_shape=jax.ShapeDtypeStruct((N, AF), jnp.float32),
    )(parts)


def kernel(atom_weights, atom_in_fea, bond_nbr_fea, self_fea_idx, nbr_fea_idx,
           W_filter, b_filter, gamma_filter, beta_filter,
           W_core, b_core, gamma_core, beta_core,
           W_gate, b_gate):
    f32 = jnp.float32
    w_node = jnp.concatenate(
        [W_filter[:AF], W_core[:AF], W_filter[AF:2 * AF], W_core[AF:2 * AF]],
        axis=1).astype(f32)
    wb_cat = jnp.concatenate(
        [W_filter[2 * AF:], W_core[2 * AF:]], axis=1).astype(f32)
    gamma_cat = jnp.concatenate([gamma_filter, gamma_core])[None, :]
    beta_cat = jnp.concatenate([beta_filter, beta_core])[None, :]
    bg_row = jnp.broadcast_to(b_gate.reshape(1, 1), (1, 256))
    gb = jnp.concatenate(
        [gamma_cat, beta_cat, bg_row,
         jnp.zeros((5, 256), f32)], axis=0).astype(f32)

    ps, pn = _make_tables(atom_in_fea.astype(f32), w_node)
    xpre, wg = _k1_gather(ps, pn, self_fea_idx, nbr_fea_idx,
                          atom_weights.reshape(N).astype(f32))
    bond = bond_nbr_fea.astype(f32)
    stats = _bn_stats(xpre, bond, wb_cat)
    y = _messages(xpre, bond, wg.reshape(M, 1), wb_cat, stats, gb,
                  W_gate.astype(f32))
    parts = _k4_scatter(y, self_fea_idx)
    return _finalize(parts)

# --- scband reference (transcript-rebuilt; emitter-appended) ---
"""Pipeline reference for scband-message-layer-48241072668742 (READ-ONLY COPY).

The authoritative reference and input builder live on the scoring server;
editing this copy changes nothing except your own understanding.
"""

import jax, jax.numpy as jnp
import numpy as np

N = 10000
M = 320000
AF = 128
NF = 16


def setup_inputs(seed: int = 0) -> dict:
    key = jax.random.key(seed)
    ks = jax.random.split(key, 10)
    fin = 2 * AF + NF
    inp = {}
    inp["atom_weights"] = jax.random.uniform(ks[0], (N, 1), dtype=jnp.float32)
    inp["atom_in_fea"] = jax.random.normal(ks[1], (N, AF), dtype=jnp.float32)
    inp["bond_nbr_fea"] = jax.random.normal(ks[2], (M, NF), dtype=jnp.float32)
    inp["self_fea_idx"] = jnp.sort(jax.random.randint(ks[3], (M,), 0, N, dtype=jnp.int32))
    inp["nbr_fea_idx"] = jax.random.randint(ks[4], (M,), 0, N, dtype=jnp.int32)
    inp["W_filter"] = jax.random.normal(ks[5], (fin, AF), dtype=jnp.float32) * (1.0 / np.sqrt(fin))
    inp["b_filter"] = jnp.zeros((AF,), jnp.float32)
    inp["gamma_filter"] = jnp.ones((AF,), jnp.float32)
    inp["beta_filter"] = jnp.zeros((AF,), jnp.float32)
    inp["W_core"] = jax.random.normal(ks[6], (fin, AF), dtype=jnp.float32) * (1.0 / np.sqrt(fin))
    inp["b_core"] = jnp.zeros((AF,), jnp.float32)
    inp["gamma_core"] = jnp.ones((AF,), jnp.float32)
    inp["beta_core"] = jnp.zeros((AF,), jnp.float32)
    inp["W_gate"] = jax.random.normal(ks[7], (AF, 1), dtype=jnp.float32) * (1.0 / np.sqrt(AF))
    inp["b_gate"] = jnp.zeros((1,), jnp.float32)
    return inp


def _batchnorm(x, gamma, beta, eps=1e-5):
    # training-mode BatchNorm1d: batch statistics, biased variance
    mu = jnp.mean(x, axis=0)
    var = jnp.var(x, axis=0)
    return (x - mu) / jnp.sqrt(var + eps) * gamma + beta


def reference(atom_weights, atom_in_fea, bond_nbr_fea, self_fea_idx, nbr_fea_idx,
              W_filter, b_filter, gamma_filter, beta_filter,
              W_core, b_core, gamma_core, beta_core,
              W_gate, b_gate):
    # gather
    atom_nbr_weights = atom_weights[nbr_fea_idx, :]
    atom_nbr_fea = atom_in_fea[nbr_fea_idx, :]
    atom_self_fea = atom_in_fea[self_fea_idx, :]
    total_fea = jnp.concatenate([atom_self_fea, atom_nbr_fea, bond_nbr_fea], axis=1)
    # filter branch
    filter_fea = total_fea @ W_filter + b_filter
    filter_fea = _batchnorm(filter_fea, gamma_filter, beta_filter)
    filter_fea = jax.nn.sigmoid(filter_fea)
    # core branch
    core_fea = total_fea @ W_core + b_core
    core_fea = _batchnorm(core_fea, gamma_core, beta_core)
    core_fea = jax.nn.elu(core_fea)
    nbr_message = filter_fea * core_fea
    # GlobalAttention pooling over self_fea_idx segments
    gate = (nbr_message @ W_gate + b_gate).reshape(-1, 1)
    gmax = jax.ops.segment_max(gate, self_fea_idx, num_segments=N)
    gate = gate - gmax[self_fea_idx]
    gate = atom_nbr_weights * jnp.exp(gate)
    gsum = jax.ops.segment_sum(gate, self_fea_idx, num_segments=N)
    gate = gate / (gsum[self_fea_idx] + 1e-13)
    out = jax.ops.segment_sum(gate * nbr_message, self_fea_idx, num_segments=N)
    return out

if __name__ == "__main__":
    import jax
    _d = setup_inputs()
    print(jax.jit(kernel)(*tuple(_d.values())))

</pallas_src>

<mosaic_0001>
#map = affine_map<(d0, d1) -> (0, 0)>
#map1 = affine_map<(d0, d1) -> (0)>
module attributes {stable_mosaic.version = 14 : i64} {
  func.func @_k4_scatter(%arg0: i32, %arg1: i32, %arg2: memref<320000x144xf32, #tpu.memory_space<hbm>>, %arg3: memref<320000xi32, #tpu.memory_space<hbm>>, %arg4: memref<10240x144xf32, #tpu.memory_space<hbm>>, %arg5: memref<80x144xf32, #tpu.memory_space<vmem>>, %arg6: memref<1600xi32, #tpu.memory_space<vmem>>, %arg7: memref<328x144xf32, #tpu.memory_space<vmem>>) attributes {dimension_semantics = [#tpu.dimension_semantics<core_parallel>, #tpu.dimension_semantics<subcore_parallel>], iteration_bounds = array<i64: 2, 16>, scalar_prefetch = 0 : i64, scratch_operands = 3 : i64, tpu.core_type = #tpu.core_type<sc_vector_subcore>, window_params = [{transform_indices = #map}, {transform_indices = #map1}, {transform_indices = #map}]} {
    %mul3A = arith.constant 16 : i32
    %mul3A_0 = arith.muli %arg0, %mul3A : i32
    %add3A = arith.addi %mul3A_0, %arg1 : i32
    %mul3A_1 = arith.constant 320 : i32
    %mul3A_2 = arith.muli %add3A, %mul3A_1 : i32
    %add3A_3 = arith.constant 320 : i32
    %add3A_4 = arith.addi %mul3A_2, %add3A_3 : i32
    %iota3A = tpu.iota {dimensions = array<i32: 0>} : vector<16xi32>
    %scan3A = arith.constant 0 : i32
    %scan3A_5 = arith.constant 328 : i32
    %scan3A_6 = arith.addi %scan3A, %scan3A_5 : i32
    %scan3A_7 = arith.constant 1 : i32
    scf.for %scan3A_19 = %scan3A to %scan3A_6 step %scan3A_7  : i32 {
      %mul3A_20 = arith.constant 1 : i32
      %mul3A_21 = arith.muli %scan3A_19, %mul3A_20 : i32
      %add3A_22 = arith.constant 0 : i32
      %add3A_23 = arith.addi %add3A_22, %mul3A_21 : i32
      %scan3A_24 = arith.constant 0 : i32
      %scan3A_25 = arith.constant 9 : i32
      %scan3A_26 = arith.addi %scan3A_24, %scan3A_25 : i32
      %scan3A_27 = arith.constant 1 : i32
      scf.for %scan3A_29 = %scan3A_24 to %scan3A_26 step %scan3A_27  : i32 {
        %mul3A_30 = arith.constant 16 : i32
        %mul3A_31 = arith.muli %scan3A_29, %mul3A_30 : i32
        %add3A_32 = arith.constant 0 : i32
        %add3A_33 = arith.addi %add3A_32, %mul3A_31 : i32
        %broadcast_in_dim3A = arith.constant 0.000000e+00 : f32
        %broadcast_in_dim3A_34 = vector.broadcast %broadcast_in_dim3A : f32 to vector<16xf32>
        %swap3A = arith.index_cast %add3A_23 : i32 to index
        %swap3A_35 = arith.index_cast %add3A_33 : i32 to index
        %swap3A_36 = tpu.vector_load %arg7[%swap3A, %swap3A_35] {strides = array<i32>} : memref<328x144xf32, #tpu.memory_space<vmem>>, vector<16xf32>,
        tpu.vector_store %arg7[%swap3A, %swap3A_35], %broadcast_in_dim3A_34 {strides = array<i32>} : memref<328x144xf32, #tpu.memory_space<vmem>>, vector<16xf32>,
      }
      %scan3A_28 = arith.constant 9 : i32
    }
    %scan3A_8 = arith.constant 328 : i32
    %scan3A_9 = arith.constant 0 : i32
    %scan3A_10 = arith.constant 200 : i32
    %scan3A_11 = arith.addi %scan3A_9, %scan3A_10 : i32
    %scan3A_12 = arith.constant 1 : i32
    scf.for %scan3A_19 = %scan3A_9 to %scan3A_11 step %scan3A_12  : i32 {
      %mul3A_20 = arith.constant 1 : i32
      %mul3A_21 = arith.muli %scan3A_19, %mul3A_20 : i32
      %add3A_22 = arith.constant 0 : i32
      %add3A_23 = arith.addi %add3A_22, %mul3A_21 : i32
      %mul3A_24 = arith.constant 1600 : i32
      %mul3A_25 = arith.muli %add3A_23, %mul3A_24 : i32
      "tpu.region"() ({
        %run_scoped3A = tpu.sem_alloc : memref<!tpu.dma_semaphore, #tpu.memory_space<semaphore_mem>>
        %dma_start3A = tpu.memref_slice %arg3[%mul3A_25] : memref<320000xi32, #tpu.memory_space<hbm>> -> memref<1600xi32, #tpu.memory_space<hbm>>
        %dma_start3A_44 = tpu.memref_slice %arg3[%mul3A_25] : memref<320000xi32, #tpu.memory_space<hbm>> -> memref<1600xi32, #tpu.memory_space<hbm>>
        tpu.enqueue_dma source(%dma_start3A_44 : memref<1600xi32, #tpu.memory_space<hbm>>) target(%arg6 : memref<1600xi32, #tpu.memory_space<vmem>>) target_semaphore(%run_scoped3A : memref<!tpu.dma_semaphore, #tpu.memory_space<semaphore_mem>>)
        %dma_wait3A = tpu.memref_slice %arg3[%mul3A_25] : memref<320000xi32, #tpu.memory_space<hbm>> -> memref<1600xi32, #tpu.memory_space<hbm>>
        %dma_wait3A_45 = tpu.memref_slice %arg3[%mul3A_25] : memref<320000xi32, #tpu.memory_space<hbm>> -> memref<1600xi32, #tpu.memory_space<hbm>>
        tpu.wait_dma2 semaphore(%run_scoped3A : memref<!tpu.dma_semaphore, #tpu.memory_space<semaphore_mem>>) src(%dma_wait3A_45 : memref<1600xi32, #tpu.memory_space<hbm>>) dst(%arg6 : memref<1600xi32, #tpu.memory_space<vmem>>)
        tpu.yield
      }) : () -> ()
      %get3A = arith.constant 0 : index
      %get3A_26 = tpu.vector_load %arg6[%get3A] {strides = array<i32>} : memref<1600xi32, #tpu.memory_space<vmem>>, vector<16xi32>,
      %reduce_min3A = arith.constant true
      %reduce_min3A_27 = vector.broadcast %reduce_min3A : i1 to vector<16xi1>
      %reduce_min3A_28 = arith.constant -2147483648 : i32
      %reduce_min3A_29 = vector.broadcast %reduce_min3A_28 : i32 to vector<16xi32>
      %reduce_min3A_30 = arith.xori %get3A_26, %reduce_min3A_29 : vector<16xi32>
      %reduce_min3A_31 = tpu.scan <min>, %reduce_min3A_30 masked %reduce_min3A_27 : vector<16xi32>, vector<16xi1> -> vector<16xi32>
      %reduce_min3A_32 = arith.xori %reduce_min3A_31, %reduce_min3A_29 : vector<16xi32>
      %reduce_min3A_33 = vector.extract %reduce_min3A_32[15] : i32 from vector<16xi32>
      %get3A_34 = arith.constant 1584 : index
      %get3A_35 = tpu.vector_load %arg6[%get3A_34] {strides = array<i32>} : memref<1600xi32, #tpu.memory_space<vmem>>, vector<16xi32>,
      %reduce_max3A = arith.constant true
      %reduce_max3A_36 = vector.broadcast %reduce_max3A : i1 to vector<16xi1>
      %reduce_max3A_37 = arith.constant -2147483648 : i32
      %reduce_max3A_38 = vector.broadcast %reduce_max3A_37 : i32 to vector<16xi32>
      %reduce_max3A_39 = arith.xori %get3A_35, %reduce_max3A_38 : vector<16xi32>
      %reduce_max3A_40 = tpu.scan <max>, %reduce_max3A_39 masked %reduce_max3A_36 : vector<16xi32>, vector<16xi1> -> vector<16xi32>
      %reduce_max3A_41 = arith.xori %reduce_max3A_40, %reduce_max3A_38 : vector<16xi32>
      %reduce_max3A_42 = vector.extract %reduce_max3A_41[15] : i32 from vector<16xi32>
      %ge3A = arith.cmpi sge, %reduce_max3A_42, %mul3A_2 : i32
      %lt3A = arith.cmpi slt, %reduce_min3A_33, %add3A_4 : i32
      %and3A = arith.andi %ge3A, %lt3A : i1
      %convert_element_type3A = arith.extui %and3A : i1 to i32
      %cond3A = arith.constant 0 : i32
      %cond3A_43 = arith.cmpi ne, %convert_element_type3A, %cond3A : i32
      scf.if %cond3A_43 {
        %scan3A_44 = arith.constant 0 : i32
        %scan3A_45 = arith.constant 20 : i32
        %scan3A_46 = arith.addi %scan3A_44, %scan3A_45 : i32
        %scan3A_47 = arith.constant 1 : i32
        scf.for %scan3A_49 = %scan3A_44 to %scan3A_46 step %scan3A_47  : i32 {
          %mul3A_50 = arith.constant 80 : i32
          %mul3A_51 = arith.muli %scan3A_49, %mul3A_50 : i32
          %add3A_52 = arith.constant 0 : i32
          %add3A_53 = arith.addi %add3A_52, %mul3A_51 : i32
          %get3A_54 = arith.index_cast %add3A_53 : i32 to index
          %get3A_55 = tpu.vector_load %arg6[%get3A_54] {strides = array<i32>} : memref<1600xi32, #tpu.memory_space<vmem>>, vector<16xi32>,
          %reduce_min3A_56 = arith.constant true
          %reduce_min3A_57 = vector.broadcast %reduce_min3A_56 : i1 to vector<16xi1>
          %reduce_min3A_58 = arith.constant -2147483648 : i32
          %reduce_min3A_59 = vector.broadcast %reduce_min3A_58 : i32 to vector<16xi32>
          %reduce_min3A_60 = arith.xori %get3A_55, %reduce_min3A_59 : vector<16xi32>
          %reduce_min3A_61 = tpu.scan <min>, %reduce_min3A_60 masked %reduce_min3A_57 : vector<16xi32>, vector<16xi1> -> vector<16xi32>
          %reduce_min3A_62 = arith.xori %reduce_min3A_61, %reduce_min3A_59 : vector<16xi32>
          %reduce_min3A_63 = vector.extract %reduce_min3A_62[15] : i32 from vector<16xi32>
          %add3A_64 = arith.constant 80 : i32
          %add3A_65 = arith.addi %add3A_53, %add3A_64 : i32
          %sub3A = arith.constant 16 : i32
          %sub3A_66 = arith.subi %add3A_65, %sub3A : i32
          %get3A_67 = arith.index_cast %sub3A_66 : i32 to index
          %get3A_68 = tpu.vector_load %arg6[%get3A_67] {strides = array<i32>} : memref<1600xi32, #tpu.memory_space<vmem>>, vector<16xi32>,
          %reduce_max3A_69 = arith.constant true
          %reduce_max3A_70 = vector.broadcast %reduce_max3A_69 : i1 to vector<16xi1>
          %reduce_max3A_71 = arith.constant -2147483648 : i32
          %reduce_max3A_72 = vector.broadcast %reduce_max3A_71 : i32 to vector<16xi32>
          %reduce_max3A_73 = arith.xori %get3A_68, %reduce_max3A_72 : vector<16xi32>
          %reduce_max3A_74 = tpu.scan <max>, %reduce_max3A_73 masked %reduce_max3A_70 : vector<16xi32>, vector<16xi1> -> vector<16xi32>
          %reduce_max3A_75 = arith.xori %reduce_max3A_74, %reduce_max3A_72 : vector<16xi32>
          %reduce_max3A_76 = vector.extract %reduce_max3A_75[15] : i32 from vector<16xi32>
          %ge3A_77 = arith.cmpi sge, %reduce_max3A_76, %mul3A_2 : i32
          %lt3A_78 = arith.cmpi slt, %reduce_min3A_63, %add3A_4 : i32
          %and3A_79 = arith.andi %ge3A_77, %lt3A_78 : i1
          %convert_element_type3A_80 = arith.extui %and3A_79 : i1 to i32
          %cond3A_81 = arith.constant 0 : i32
          %cond3A_82 = arith.cmpi ne, %convert_element_type3A_80, %cond3A_81 : i32
          scf.if %cond3A_82 {
            %add3A_83 = arith.addi %mul3A_25, %add3A_53 : i32
            "tpu.region"() ({
              %run_scoped3A = tpu.sem_alloc : memref<!tpu.dma_semaphore, #tpu.memory_space<semaphore_mem>>
              %dma_start3A = arith.constant 0 : i32
              %dma_start3A_89 = tpu.memref_slice %arg2[%add3A_83, %dma_start3A] : memref<320000x144xf32, #tpu.memory_space<hbm>> -> memref<80x144xf32, #tpu.memory_space<hbm>>
              %dma_start3A_90 = arith.constant 0 : i32
              %dma_start3A_91 = tpu.memref_slice %arg2[%add3A_83, %dma_start3A_90] : memref<320000x144xf32, #tpu.memory_space<hbm>> -> memref<80x144xf32, #tpu.memory_space<hbm>>
              tpu.enqueue_dma source(%dma_start3A_91 : memref<80x144xf32, #tpu.memory_space<hbm>>) target(%arg5 : memref<80x144xf32, #tpu.memory_space<vmem>>) target_semaphore(%run_scoped3A : memref<!tpu.dma_semaphore, #tpu.memory_space<semaphore_mem>>)
              %dma_wait3A = arith.constant 0 : i32
              %dma_wait3A_92 = tpu.memref_slice %arg2[%add3A_83, %dma_wait3A] : memref<320000x144xf32, #tpu.memory_space<hbm>> -> memref<80x144xf32, #tpu.memory_space<hbm>>
              %dma_wait3A_93 = arith.constant 0 : i32
              %dma_wait3A_94 = tpu.memref_slice %arg2[%add3A_83, %dma_wait3A_93] : memref<320000x144xf32, #tpu.memory_space<hbm>> -> memref<80x144xf32, #tpu.memory_space<hbm>>
              tpu.wait_dma2 semaphore(%run_scoped3A : memref<!tpu.dma_semaphore, #tpu.memory_space<semaphore_mem>>) src(%dma_wait3A_94 : memref<80x144xf32, #tpu.memory_space<hbm>>) dst(%arg5 : memref<80x144xf32, #tpu.memory_space<vmem>>)
              tpu.yield
            }) : () -> ()
            %scan3A_84 = arith.constant 0 : i32
            %scan3A_85 = arith.constant 5 : i32
            %scan3A_86 = arith.addi %scan3A_84, %scan3A_85 : i32
            %scan3A_87 = arith.constant 1 : i32
            scf.for %scan3A_89 = %scan3A_84 to %scan3A_86 step %scan3A_87  : i32 {
              %mul3A_90 = arith.constant 16 : i32
              %mul3A_91 = arith.muli %scan3A_89, %mul3A_90 : i32
              %add3A_92 = arith.constant 0 : i32
              %add3A_93 = arith.addi %add3A_92, %mul3A_91 : i32
              %add3A_94 = arith.addi %add3A_53, %add3A_93 : i32
              %get3A_95 = arith.index_cast %add3A_94 : i32 to index
              %get3A_96 = tpu.vector_load %arg6[%get3A_95] {strides = array<i32>} : memref<1600xi32, #tpu.memory_space<vmem>>, vector<16xi32>,
              %sub3A_97 = vector.broadcast %mul3A_2 : i32 to vector<16xi32>
              %sub3A_98 = arith.subi %get3A_96, %sub3A_97 : vector<16xi32>
              %ge3A_99 = arith.constant 0 : i32
              %ge3A_100 = vector.broadcast %ge3A_99 : i32 to vector<16xi32>
              %ge3A_101 = arith.cmpi sge, %sub3A_98, %ge3A_100 : vector<16xi32>
              %lt3A_102 = arith.constant 320 : i32
              %lt3A_103 = vector.broadcast %lt3A_102 : i32 to vector<16xi32>
              %lt3A_104 = arith.cmpi slt, %sub3A_98, %lt3A_103 : vector<16xi32>
              %and3A_105 = arith.andi %ge3A_101, %lt3A_104 : vector<16xi1>
              %jit3A = arith.constant 320 : i32
              %broadcast_in_dim3A = vector.broadcast %jit3A : i32 to vector<16xi32>
              %select_n3A = arith.select %and3A_105, %sub3A_98, %broadcast_in_dim3A : vector<16xi1>, vector<16xi32>
              %eq3A = arith.constant 0 : i32
              %eq3A_106 = vector.broadcast %eq3A : i32 to vector<16xi32>
              %eq3A_107 = arith.cmpi eq, %iota3A, %eq3A_106 : vector<16xi32>
              %jit3A_108 = arith.constant 0 : i32
              %broadcast_in_dim3A_109 = vector.broadcast %jit3A_108 : i32 to vector<16xi32>
              %select_n3A_110 = arith.select %eq3A_107, %select_n3A, %broadcast_in_dim3A_109 : vector<16xi1>, vector<16xi32>
              %reduce_sum3A = arith.constant true
              %reduce_sum3A_111 = vector.broadcast %reduce_sum3A : i1 to vector<16xi1>
              %reduce_sum3A_112 = tpu.scan <sum>, %select_n3A_110 masked %reduce_sum3A_111 : vector<16xi32>, vector<16xi1> -> vector<16xi32>
              %reduce_sum3A_113 = vector.extract %reduce_sum3A_112[15] : i32 from vector<16xi32>
              %broadcast_in_dim3A_114 = vector.broadcast %reduce_sum3A_113 : i32 to vector<16xi32>
              %scan3A_115 = arith.constant 0 : i32
              %scan3A_116 = arith.constant 9 : i32
              %scan3A_117 = arith.addi %scan3A_115, %scan3A_116 : i32
              %scan3A_118 = arith.constant 1 : i32
              scf.for %scan3A_360 = %scan3A_115 to %scan3A_117 step %scan3A_118  : i32 {
                %mul3A_361 = arith.constant 16 : i32
                %mul3A_362 = arith.muli %scan3A_360, %mul3A_361 : i32
                %add3A_363 = arith.constant 0 : i32
                %add3A_364 = arith.addi %add3A_363, %mul3A_362 : i32
                %add3A_365 = arith.constant 0 : i32
                %add3A_366 = arith.addi %add3A_93, %add3A_365 : i32
                %get3A_367 = arith.index_cast %add3A_366 : i32 to index
                %get3A_368 = arith.index_cast %add3A_364 : i32 to index
                %get3A_369 = tpu.vector_load %arg5[%get3A_367, %get3A_368] {strides = array<i32>} : memref<80x144xf32, #tpu.memory_space<vmem>>, vector<16xf32>,
                %add3A_370 = vector.broadcast %add3A_364 : i32 to vector<16xi32>
                %add3A_371 = arith.addi %add3A_370, %iota3A : vector<16xi32>
                tpu.vector_store_idx %arg7[%broadcast_in_dim3A_114, %add3A_371], %get3A_369 {add = true} : memref<328x144xf32, #tpu.memory_space<vmem>>[vector<16xi32>, vector<16xi32>], vector<16xf32>,
              }
              %scan3A_119 = arith.constant 9 : i32
              %eq3A_120 = arith.constant 1 : i32
              %eq3A_121 = vector.broadcast %eq3A_120 : i32 to vector<16xi32>
              %eq3A_122 = arith.cmpi eq, %iota3A, %eq3A_121 : vector<16xi32>
              %jit3A_123 = arith.constant 0 : i32
              %broadcast_in_dim3A_124 = vector.broadcast %jit3A_123 : i32 to vector<16xi32>
              %select_n3A_125 = arith.select %eq3A_122, %select_n3A, %broadcast_in_dim3A_124 : vector<16xi1>, vector<16xi32>
              %reduce_sum3A_126 = arith.constant true
              %reduce_sum3A_127 = vector.broadcast %reduce_sum3A_126 : i1 to vector<16xi1>
              %reduce_sum3A_128 = tpu.scan <sum>, %select_n3A_125 masked %reduce_sum3A_127 : vector<16xi32>, vector<16xi1> -> vector<16xi32>
              %reduce_sum3A_129 = vector.extract %reduce_sum3A_128[15] : i32 from vector<16xi32>
              %broadcast_in_dim3A_130 = vector.broadcast %reduce_sum3A_129 : i32 to vector<16xi32>
              %scan3A_131 = arith.constant 0 : i32
              %scan3A_132 = arith.constant 9 : i32
              %scan3A_133 = arith.addi %scan3A_131, %scan3A_132 : i32
              %scan3A_134 = arith.constant 1 : i32
              scf.for %scan3A_360 = %scan3A_131 to %scan3A_133 step %scan3A_134  : i32 {
                %mul3A_361 = arith.constant 16 : i32
                %mul3A_362 = arith.muli %scan3A_360, %mul3A_361 : i32
                %add3A_363 = arith.constant 0 : i32
                %add3A_364 = arith.addi %add3A_363, %mul3A_362 : i32
                %add3A_365 = arith.constant 1 : i32
                %add3A_366 = arith.addi %add3A_93, %add3A_365 : i32
                %get3A_367 = arith.index_cast %add3A_366 : i32 to index
                %get3A_368 = arith.index_cast %add3A_364 : i32 to index
                %get3A_369 = tpu.vector_load %arg5[%get3A_367, %get3A_368] {strides = array<i32>} : memref<80x144xf32, #tpu.memory_space<vmem>>, vector<16xf32>,
                %add3A_370 = vector.broadcast %add3A_364 : i32 to vector<16xi32>
                %add3A_371 = arith.addi %add3A_370, %iota3A : vector<16xi32>
                tpu.vector_store_idx %arg7[%broadcast_in_dim3A_130, %add3A_371], %get3A_369 {add = true} : memref<328x144xf32, #tpu.memory_space<vmem>>[vector<16xi32>, vector<16xi32>], vector<16xf32>,
              }
              %scan3A_135 = arith.constant 9 : i32
              %eq3A_136 = arith.constant 2 : i32
              %eq3A_137 = vector.broadcast %eq3A_136 : i32 to vector<16xi32>
              %eq3A_138 = arith.cmpi eq, %iota3A, %eq3A_137 : vector<16xi32>
              %jit3A_139 = arith.constant 0 : i32
              %broadcast_in_dim3A_140 = vector.broadcast %jit3A_139 : i32 to vector<16xi32>
              %select_n3A_141 = arith.select %eq3A_138, %select_n3A, %broadcast_in_dim3A_140 : vector<16xi1>, vector<16xi32>
              %reduce_sum3A_142 = arith.constant true
              %reduce_sum3A_143 = vector.broadcast %reduce_sum3A_142 : i1 to vector<16xi1>
              %reduce_sum3A_144 = tpu.scan <sum>, %select_n3A_141 masked %reduce_sum3A_143 : vector<16xi32>, vector<16xi1> -> vector<16xi32>
              %reduce_sum3A_145 = vector.extract %reduce_sum3A_144[15] : i32 from vector<16xi32>
              %broadcast_in_dim3A_146 = vector.broadcast %reduce_sum3A_145 : i32 to vector<16xi32>
              %scan3A_147 = arith.constant 0 : i32
              %scan3A_148 = arith.constant 9 : i32
              %scan3A_149 = arith.addi %scan3A_147, %scan3A_148 : i32
              %scan3A_150 = arith.constant 1 : i32
              scf.for %scan3A_360 = %scan3A_147 to %scan3A_149 step %scan3A_150  : i32 {
                %mul3A_361 = arith.constant 16 : i32
                %mul3A_362 = arith.muli %scan3A_360, %mul3A_361 : i32
                %add3A_363 = arith.constant 0 : i32
                %add3A_364 = arith.addi %add3A_363, %mul3A_362 : i32
                %add3A_365 = arith.constant 2 : i32
                %add3A_366 = arith.addi %add3A_93, %add3A_365 : i32
                %get3A_367 = arith.index_cast %add3A_366 : i32 to index
                %get3A_368 = arith.index_cast %add3A_364 : i32 to index
                %get3A_369 = tpu.vector_load %arg5[%get3A_367, %get3A_368] {strides = array<i32>} : memref<80x144xf32, #tpu.memory_space<vmem>>, vector<16xf32>,
                %add3A_370 = vector.broadcast %add3A_364 : i32 to vector<16xi32>
                %add3A_371 = arith.addi %add3A_370, %iota3A : vector<16xi32>
                tpu.vector_store_idx %arg7[%broadcast_in_dim3A_146, %add3A_371], %get3A_369 {add = true} : memref<328x144xf32, #tpu.memory_space<vmem>>[vector<16xi32>, vector<16xi32>], vector<16xf32>,
              }
              %scan3A_151 = arith.constant 9 : i32
              %eq3A_152 = arith.constant 3 : i32
              %eq3A_153 = vector.broadcast %eq3A_152 : i32 to vector<16xi32>
              %eq3A_154 = arith.cmpi eq, %iota3A, %eq3A_153 : vector<16xi32>
              %jit3A_155 = arith.constant 0 : i32
              %broadcast_in_dim3A_156 = vector.broadcast %jit3A_155 : i32 to vector<16xi32>
              %select_n3A_157 = arith.select %eq3A_154, %select_n3A, %broadcast_in_dim3A_156 : vector<16xi1>, vector<16xi32>
              %reduce_sum3A_158 = arith.constant true
              %reduce_sum3A_159 = vector.broadcast %reduce_sum3A_158 : i1 to vector<16xi1>
              %reduce_sum3A_160 = tpu.scan <sum>, %select_n3A_157 masked %reduce_sum3A_159 : vector<16xi32>, vector<16xi1> -> vector<16xi32>
              %reduce_sum3A_161 = vector.extract %reduce_sum3A_160[15] : i32 from vector<16xi32>
              %broadcast_in_dim3A_162 = vector.broadcast %reduce_sum3A_161 : i32 to vector<16xi32>
              %scan3A_163 = arith.constant 0 : i32
              %scan3A_164 = arith.constant 9 : i32
              %scan3A_165 = arith.addi %scan3A_163, %scan3A_164 : i32
              %scan3A_166 = arith.constant 1 : i32
              scf.for %scan3A_360 = %scan3A_163 to %scan3A_165 step %scan3A_166  : i32 {
                %mul3A_361 = arith.constant 16 : i32
                %mul3A_362 = arith.muli %scan3A_360, %mul3A_361 : i32
                %add3A_363 = arith.constant 0 : i32
                %add3A_364 = arith.addi %add3A_363, %mul3A_362 : i32
                %add3A_365 = arith.constant 3 : i32
                %add3A_366 = arith.addi %add3A_93, %add3A_365 : i32
                %get3A_367 = arith.index_cast %add3A_366 : i32 to index
                %get3A_368 = arith.index_cast %add3A_364 : i32 to index
                %get3A_369 = tpu.vector_load %arg5[%get3A_367, %get3A_368] {strides = array<i32>} : memref<80x144xf32, #tpu.memory_space<vmem>>, vector<16xf32>,
                %add3A_370 = vector.broadcast %add3A_364 : i32 to vector<16xi32>
                %add3A_371 = arith.addi %add3A_370, %iota3A : vector<16xi32>
                tpu.vector_store_idx %arg7[%broadcast_in_dim3A_162, %add3A_371], %get3A_369 {add = true} : memref<328x144xf32, #tpu.memory_space<vmem>>[vector<16xi32>, vector<16xi32>], vector<16xf32>,
              }
              %scan3A_167 = arith.constant 9 : i32
              %eq3A_168 = arith.constant 4 : i32
              %eq3A_169 = vector.broadcast %eq3A_168 : i32 to vector<16xi32>
              %eq3A_170 = arith.cmpi eq, %iota3A, %eq3A_169 : vector<16xi32>
              %jit3A_171 = arith.constant 0 : i32
              %broadcast_in_dim3A_172 = vector.broadcast %jit3A_171 : i32 to vector<16xi32>
              %select_n3A_173 = arith.select %eq3A_170, %select_n3A, %broadcast_in_dim3A_172 : vector<16xi1>, vector<16xi32>
              %reduce_sum3A_174 = arith.constant true
              %reduce_sum3A_175 = vector.broadcast %reduce_sum3A_174 : i1 to vector<16xi1>
              %reduce_sum3A_176 = tpu.scan <sum>, %select_n3A_173 masked %reduce_sum3A_175 : vector<16xi32>, vector<16xi1> -> vector<16xi32>
              %reduce_sum3A_177 = vector.extract %reduce_sum3A_176[15] : i32 from vector<16xi32>
              %broadcast_in_dim3A_178 = vector.broadcast %reduce_sum3A_177 : i32 to vector<16xi32>
              %scan3A_179 = arith.constant 0 : i32
              %scan3A_180 = arith.constant 9 : i32
              %scan3A_181 = arith.addi %scan3A_179, %scan3A_180 : i32
              %scan3A_182 = arith.constant 1 : i32
              scf.for %scan3A_360 = %scan3A_179 to %scan3A_181 step %scan3A_182  : i32 {
                %mul3A_361 = arith.constant 16 : i32
                %mul3A_362 = arith.muli %scan3A_360, %mul3A_361 : i32
                %add3A_363 = arith.constant 0 : i32
                %add3A_364 = arith.addi %add3A_363, %mul3A_362 : i32
                %add3A_365 = arith.constant 4 : i32
                %add3A_366 = arith.addi %add3A_93, %add3A_365 : i32
                %get3A_367 = arith.index_cast %add3A_366 : i32 to index
                %get3A_368 = arith.index_cast %add3A_364 : i32 to index
                %get3A_369 = tpu.vector_load %arg5[%get3A_367, %get3A_368] {strides = array<i32>} : memref<80x144xf32, #tpu.memory_space<vmem>>, vector<16xf32>,
                %add3A_370 = vector.broadcast %add3A_364 : i32 to vector<16xi32>
                %add3A_371 = arith.addi %add3A_370, %iota3A : vector<16xi32>
                tpu.vector_store_idx %arg7[%broadcast_in_dim3A_178, %add3A_371], %get3A_369 {add = true} : memref<328x144xf32, #tpu.memory_space<vmem>>[vector<16xi32>, vector<16xi32>], vector<16xf32>,
              }
              %scan3A_183 = arith.constant 9 : i32
              %eq3A_184 = arith.constant 5 : i32
              %eq3A_185 = vector.broadcast %eq3A_184 : i32 to vector<16xi32>
              %eq3A_186 = arith.cmpi eq, %iota3A, %eq3A_185 : vector<16xi32>
              %jit3A_187 = arith.constant 0 : i32
              %broadcast_in_dim3A_188 = vector.broadcast %jit3A_187 : i32 to vector<16xi32>
              %select_n3A_189 = arith.select %eq3A_186, %select_n3A, %broadcast_in_dim3A_188 : vector<16xi1>, vector<16xi32>
              %reduce_sum3A_190 = arith.constant true
              %reduce_sum3A_191 = vector.broadcast %reduce_sum3A_190 : i1 to vector<16xi1>
              %reduce_sum3A_192 = tpu.scan <sum>, %select_n3A_189 masked %reduce_sum3A_191 : vector<16xi32>, vector<16xi1> -> vector<16xi32>
              %reduce_sum3A_193 = vector.extract %reduce_sum3A_192[15] : i32 from vector<16xi32>
              %broadcast_in_dim3A_194 = vector.broadcast %reduce_sum3A_193 : i32 to vector<16xi32>
              %scan3A_195 = arith.constant 0 : i32
              %scan3A_196 = arith.constant 9 : i32
              %scan3A_197 = arith.addi %scan3A_195, %scan3A_196 : i32
              %scan3A_198 = arith.constant 1 : i32
              scf.for %scan3A_360 = %scan3A_195 to %scan3A_197 step %scan3A_198  : i32 {
                %mul3A_361 = arith.constant 16 : i32
                %mul3A_362 = arith.muli %scan3A_360, %mul3A_361 : i32
                %add3A_363 = arith.constant 0 : i32
                %add3A_364 = arith.addi %add3A_363, %mul3A_362 : i32
                %add3A_365 = arith.constant 5 : i32
                %add3A_366 = arith.addi %add3A_93, %add3A_365 : i32
                %get3A_367 = arith.index_cast %add3A_366 : i32 to index
                %get3A_368 = arith.index_cast %add3A_364 : i32 to index
                %get3A_369 = tpu.vector_load %arg5[%get3A_367, %get3A_368] {strides = array<i32>} : memref<80x144xf32, #tpu.memory_space<vmem>>, vector<16xf32>,
                %add3A_370 = vector.broadcast %add3A_364 : i32 to vector<16xi32>
                %add3A_371 = arith.addi %add3A_370, %iota3A : vector<16xi32>
                tpu.vector_store_idx %arg7[%broadcast_in_dim3A_194, %add3A_371], %get3A_369 {add = true} : memref<328x144xf32, #tpu.memory_space<vmem>>[vector<16xi32>, vector<16xi32>], vector<16xf32>,
              }
              %scan3A_199 = arith.constant 9 : i32
              %eq3A_200 = arith.constant 6 : i32
              %eq3A_201 = vector.broadcast %eq3A_200 : i32 to vector<16xi32>
              %eq3A_202 = arith.cmpi eq, %iota3A, %eq3A_201 : vector<16xi32>
              %jit3A_203 = arith.constant 0 : i32
              %broadcast_in_dim3A_204 = vector.broadcast %jit3A_203 : i32 to vector<16xi32>
              %select_n3A_205 = arith.select %eq3A_202, %select_n3A, %broadcast_in_dim3A_204 : vector<16xi1>, vector<16xi32>
              %reduce_sum3A_206 = arith.constant true
              %reduce_sum3A_207 = vector.broadcast %reduce_sum3A_206 : i1 to vector<16xi1>
              %reduce_sum3A_208 = tpu.scan <sum>, %select_n3A_205 masked %reduce_sum3A_207 : vector<16xi32>, vector<16xi1> -> vector<16xi32>
              %reduce_sum3A_209 = vector.extract %reduce_sum3A_208[15] : i32 from vector<16xi32>
              %broadcast_in_dim3A_210 = vector.broadcast %reduce_sum3A_209 : i32 to vector<16xi32>
              %scan3A_211 = arith.constant 0 : i32
              %scan3A_212 = arith.constant 9 : i32
              %scan3A_213 = arith.addi %scan3A_211, %scan3A_212 : i32
              %scan3A_214 = arith.constant 1 : i32
              scf.for %scan3A_360 = %scan3A_211 to %scan3A_213 step %scan3A_214  : i32 {
                %mul3A_361 = arith.constant 16 : i32
                %mul3A_362 = arith.muli %scan3A_360, %mul3A_361 : i32
                %add3A_363 = arith.constant 0 : i32
                %add3A_364 = arith.addi %add3A_363, %mul3A_362 : i32
                %add3A_365 = arith.constant 6 : i32
                %add3A_366 = arith.addi %add3A_93, %add3A_365 : i32
                %get3A_367 = arith.index_cast %add3A_366 : i32 to index
                %get3A_368 = arith.index_cast %add3A_364 : i32 to index
                %get3A_369 = tpu.vector_load %arg5[%get3A_367, %get3A_368] {strides = array<i32>} : memref<80x144xf32, #tpu.memory_space<vmem>>, vector<16xf32>,
                %add3A_370 = vector.broadcast %add3A_364 : i32 to vector<16xi32>
                %add3A_371 = arith.addi %add3A_370, %iota3A : vector<16xi32>
                tpu.vector_store_idx %arg7[%broadcast_in_dim3A_210, %add3A_371], %get3A_369 {add = true} : memref<328x144xf32, #tpu.memory_space<vmem>>[vector<16xi32>, vector<16xi32>], vector<16xf32>,
              }
              %scan3A_215 = arith.constant 9 : i32
              %eq3A_216 = arith.constant 7 : i32
              %eq3A_217 = vector.broadcast %eq3A_216 : i32 to vector<16xi32>
              %eq3A_218 = arith.cmpi eq, %iota3A, %eq3A_217 : vector<16xi32>
              %jit3A_219 = arith.constant 0 : i32
              %broadcast_in_dim3A_220 = vector.broadcast %jit3A_219 : i32 to vector<16xi32>
              %select_n3A_221 = arith.select %eq3A_218, %select_n3A, %broadcast_in_dim3A_220 : vector<16xi1>, vector<16xi32>
              %reduce_sum3A_222 = arith.constant true
              %reduce_sum3A_223 = vector.broadcast %reduce_sum3A_222 : i1 to vector<16xi1>
              %reduce_sum3A_224 = tpu.scan <sum>, %select_n3A_221 masked %reduce_sum3A_223 : vector<16xi32>, vector<16xi1> -> vector<16xi32>
              %reduce_sum3A_225 = vector.extract %reduce_sum3A_224[15] : i32 from vector<16xi32>
              %broadcast_in_dim3A_226 = vector.broadcast %reduce_sum3A_225 : i32 to vector<16xi32>
              %scan3A_227 = arith.constant 0 : i32
              %scan3A_228 = arith.constant 9 : i32
              %scan3A_229 = arith.addi %scan3A_227, %scan3A_228 : i32
              %scan3A_230 = arith.constant 1 : i32
              scf.for %scan3A_360 = %scan3A_227 to %scan3A_229 step %scan3A_230  : i32 {
                %mul3A_361 = arith.constant 16 : i32
                %mul3A_362 = arith.muli %scan3A_360, %mul3A_361 : i32
                %add3A_363 = arith.constant 0 : i32
                %add3A_364 = arith.addi %add3A_363, %mul3A_362 : i32
                %add3A_365 = arith.constant 7 : i32
                %add3A_366 = arith.addi %add3A_93, %add3A_365 : i32
                %get3A_367 = arith.index_cast %add3A_366 : i32 to index
                %get3A_368 = arith.index_cast %add3A_364 : i32 to index
                %get3A_369 = tpu.vector_load %arg5[%get3A_367, %get3A_368] {strides = array<i32>} : memref<80x144xf32, #tpu.memory_space<vmem>>, vector<16xf32>,
                %add3A_370 = vector.broadcast %add3A_364 : i32 to vector<16xi32>
                %add3A_371 = arith.addi %add3A_370, %iota3A : vector<16xi32>
                tpu.vector_store_idx %arg7[%broadcast_in_dim3A_226, %add3A_371], %get3A_369 {add = true} : memref<328x144xf32, #tpu.memory_space<vmem>>[vector<16xi32>, vector<16xi32>], vector<16xf32>,
              }
              %scan3A_231 = arith.constant 9 : i32
              %eq3A_232 = arith.constant 8 : i32
              %eq3A_233 = vector.broadcast %eq3A_232 : i32 to vector<16xi32>
              %eq3A_234 = arith.cmpi eq, %iota3A, %eq3A_233 : vector<16xi32>
              %jit3A_235 = arith.constant 0 : i32
              %broadcast_in_dim3A_236 = vector.broadcast %jit3A_235 : i32 to vector<16xi32>
              %select_n3A_237 = arith.select %eq3A_234, %select_n3A, %broadcast_in_dim3A_236 : vector<16xi1>, vector<16xi32>
              %reduce_sum3A_238 = arith.constant true
              %reduce_sum3A_239 = vector.broadcast %reduce_sum3A_238 : i1 to vector<16xi1>
              %reduce_sum3A_240 = tpu.scan <sum>, %select_n3A_237 masked %reduce_sum3A_239 : vector<16xi32>, vector<16xi1> -> vector<16xi32>
              %reduce_sum3A_241 = vector.extract %reduce_sum3A_240[15] : i32 from vector<16xi32>
              %broadcast_in_dim3A_242 = vector.broadcast %reduce_sum3A_241 : i32 to vector<16xi32>
              %scan3A_243 = arith.constant 0 : i32
              %scan3A_244 = arith.constant 9 : i32
              %scan3A_245 = arith.addi %scan3A_243, %scan3A_244 : i32
              %scan3A_246 = arith.constant 1 : i32
              scf.for %scan3A_360 = %scan3A_243 to %scan3A_245 step %scan3A_246  : i32 {
                %mul3A_361 = arith.constant 16 : i32
                %mul3A_362 = arith.muli %scan3A_360, %mul3A_361 : i32
                %add3A_363 = arith.constant 0 : i32
                %add3A_364 = arith.addi %add3A_363, %mul3A_362 : i32
                %add3A_365 = arith.constant 8 : i32
                %add3A_366 = arith.addi %add3A_93, %add3A_365 : i32
                %get3A_367 = arith.index_cast %add3A_366 : i32 to index
                %get3A_368 = arith.index_cast %add3A_364 : i32 to index
                %get3A_369 = tpu.vector_load %arg5[%get3A_367, %get3A_368] {strides = array<i32>} : memref<80x144xf32, #tpu.memory_space<vmem>>, vector<16xf32>,
                %add3A_370 = vector.broadcast %add3A_364 : i32 to vector<16xi32>
                %add3A_371 = arith.addi %add3A_370, %iota3A : vector<16xi32>
                tpu.vector_store_idx %arg7[%broadcast_in_dim3A_242, %add3A_371], %get3A_369 {add = true} : memref<328x144xf32, #tpu.memory_space<vmem>>[vector<16xi32>, vector<16xi32>], vector<16xf32>,
              }
              %scan3A_247 = arith.constant 9 : i32
              %eq3A_248 = arith.constant 9 : i32
              %eq3A_249 = vector.broadcast %eq3A_248 : i32 to vector<16xi32>
              %eq3A_250 = arith.cmpi eq, %iota3A, %eq3A_249 : vector<16xi32>
              %jit3A_251 = arith.constant 0 : i32
              %broadcast_in_dim3A_252 = vector.broadcast %jit3A_251 : i32 to vector<16xi32>
              %select_n3A_253 = arith.select %eq3A_250, %select_n3A, %broadcast_in_dim3A_252 : vector<16xi1>, vector<16xi32>
              %reduce_sum3A_254 = arith.constant true
              %reduce_sum3A_255 = vector.broadcast %reduce_sum3A_254 : i1 to vector<16xi1>
              %reduce_sum3A_256 = tpu.scan <sum>, %select_n3A_253 masked %reduce_sum3A_255 : vector<16xi32>, vector<16xi1> -> vector<16xi32>
              %reduce_sum3A_257 = vector.extract %reduce_sum3A_256[15] : i32 from vector<16xi32>
              %broadcast_in_dim3A_258 = vector.broadcast %reduce_sum3A_257 : i32 to vector<16xi32>
              %scan3A_259 = arith.constant 0 : i32
              %scan3A_260 = arith.constant 9 : i32
              %scan3A_261 = arith.addi %scan3A_259, %scan3A_260 : i32
              %scan3A_262 = arith.constant 1 : i32
              scf.for %scan3A_360 = %scan3A_259 to %scan3A_261 step %scan3A_262  : i32 {
                %mul3A_361 = arith.constant 16 : i32
                %mul3A_362 = arith.muli %scan3A_360, %mul3A_361 : i32
                %add3A_363 = arith.constant 0 : i32
                %add3A_364 = arith.addi %add3A_363, %mul3A_362 : i32
                %add3A_365 = arith.constant 9 : i32
                %add3A_366 = arith.addi %add3A_93, %add3A_365 : i32
                %get3A_367 = arith.index_cast %add3A_366 : i32 to index
                %get3A_368 = arith.index_cast %add3A_364 : i32 to index
                %get3A_369 = tpu.vector_load %arg5[%get3A_367, %get3A_368] {strides = array<i32>} : memref<80x144xf32, #tpu.memory_space<vmem>>, vector<16xf32>,
                %add3A_370 = vector.broadcast %add3A_364 : i32 to vector<16xi32>
                %add3A_371 = arith.addi %add3A_370, %iota3A : vector<16xi32>
                tpu.vector_store_idx %arg7[%broadcast_in_dim3A_258, %add3A_371], %get3A_369 {add = true} : memref<328x144xf32, #tpu.memory_space<vmem>>[vector<16xi32>, vector<16xi32>], vector<16xf32>,
              }
              %scan3A_263 = arith.constant 9 : i32
              %eq3A_264 = arith.constant 10 : i32
              %eq3A_265 = vector.broadcast %eq3A_264 : i32 to vector<16xi32>
              %eq3A_266 = arith.cmpi eq, %iota3A, %eq3A_265 : vector<16xi32>
              %jit3A_267 = arith.constant 0 : i32
              %broadcast_in_dim3A_268 = vector.broadcast %jit3A_267 : i32 to vector<16xi32>
              %select_n3A_269 = arith.select %eq3A_266, %select_n3A, %broadcast_in_dim3A_268 : vector<16xi1>, vector<16xi32>
              %reduce_sum3A_270 = arith.constant true
              %reduce_sum3A_271 = vector.broadcast %reduce_sum3A_270 : i1 to vector<16xi1>
              %reduce_sum3A_272 = tpu.scan <sum>, %select_n3A_269 masked %reduce_sum3A_271 : vector<16xi32>, vector<16xi1> -> vector<16xi32>
              %reduce_sum3A_273 = vector.extract %reduce_sum3A_272[15] : i32 from vector<16xi32>
              %broadcast_in_dim3A_274 = vector.broadcast %reduce_sum3A_273 : i32 to vector<16xi32>
              %scan3A_275 = arith.constant 0 : i32
              %scan3A_276 = arith.constant 9 : i32
              %scan3A_277 = arith.addi %scan3A_275, %scan3A_276 : i32
              %scan3A_278 = arith.constant 1 : i32
              scf.for %scan3A_360 = %scan3A_275 to %scan3A_277 step %scan3A_278  : i32 {
                %mul3A_361 = arith.constant 16 : i32
                %mul3A_362 = arith.muli %scan3A_360, %mul3A_361 : i32
                %add3A_363 = arith.constant 0 : i32
                %add3A_364 = arith.addi %add3A_363, %mul3A_362 : i32
                %add3A_365 = arith.constant 10 : i32
                %add3A_366 = arith.addi %add3A_93, %add3A_365 : i32
                %get3A_367 = arith.index_cast %add3A_366 : i32 to index
                %get3A_368 = arith.index_cast %add3A_364 : i32 to index
                %get3A_369 = tpu.vector_load %arg5[%get3A_367, %get3A_368] {strides = array<i32>} : memref<80x144xf32, #tpu.memory_space<vmem>>, vector<16xf32>,
                %add3A_370 = vector.broadcast %add3A_364 : i32 to vector<16xi32>
                %add3A_371 = arith.addi %add3A_370, %iota3A : vector<16xi32>
                tpu.vector_store_idx %arg7[%broadcast_in_dim3A_274, %add3A_371], %get3A_369 {add = true} : memref<328x144xf32, #tpu.memory_space<vmem>>[vector<16xi32>, vector<16xi32>], vector<16xf32>,
              }
              %scan3A_279 = arith.constant 9 : i32
              %eq3A_280 = arith.constant 11 : i32
              %eq3A_281 = vector.broadcast %eq3A_280 : i32 to vector<16xi32>
              %eq3A_282 = arith.cmpi eq, %iota3A, %eq3A_281 : vector<16xi32>
              %jit3A_283 = arith.constant 0 : i32
              %broadcast_in_dim3A_284 = vector.broadcast %jit3A_283 : i32 to vector<16xi32>
              %select_n3A_285 = arith.select %eq3A_282, %select_n3A, %broadcast_in_dim3A_284 : vector<16xi1>, vector<16xi32>
              %reduce_sum3A_286 = arith.constant true
              %reduce_sum3A_287 = vector.broadcast %reduce_sum3A_286 : i1 to vector<16xi1>
              %reduce_sum3A_288 = tpu.scan <sum>, %select_n3A_285 masked %reduce_sum3A_287 : vector<16xi32>, vector<16xi1> -> vector<16xi32>
              %reduce_sum3A_289 = vector.extract %reduce_sum3A_288[15] : i32 from vector<16xi32>
              %broadcast_in_dim3A_290 = vector.broadcast %reduce_sum3A_289 : i32 to vector<16xi32>
              %scan3A_291 = arith.constant 0 : i32
              %scan3A_292 = arith.constant 9 : i32
              %scan3A_293 = arith.addi %scan3A_291, %scan3A_292 : i32
              %scan3A_294 = arith.constant 1 : i32
              scf.for %scan3A_360 = %scan3A_291 to %scan3A_293 step %scan3A_294  : i32 {
                %mul3A_361 = arith.constant 16 : i32
                %mul3A_362 = arith.muli %scan3A_360, %mul3A_361 : i32
                %add3A_363 = arith.constant 0 : i32
                %add3A_364 = arith.addi %add3A_363, %mul3A_362 : i32
                %add3A_365 = arith.constant 11 : i32
                %add3A_366 = arith.addi %add3A_93, %add3A_365 : i32
                %get3A_367 = arith.index_cast %add3A_366 : i32 to index
                %get3A_368 = arith.index_cast %add3A_364 : i32 to index
                %get3A_369 = tpu.vector_load %arg5[%get3A_367, %get3A_368] {strides = array<i32>} : memref<80x144xf32, #tpu.memory_space<vmem>>, vector<16xf32>,
                %add3A_370 = vector.broadcast %add3A_364 : i32 to vector<16xi32>
                %add3A_371 = arith.addi %add3A_370, %iota3A : vector<16xi32>
                tpu.vector_store_idx %arg7[%broadcast_in_dim3A_290, %add3A_371], %get3A_369 {add = true} : memref<328x144xf32, #tpu.memory_space<vmem>>[vector<16xi32>, vector<16xi32>], vector<16xf32>,
              }
              %scan3A_295 = arith.constant 9 : i32
              %eq3A_296 = arith.constant 12 : i32
              %eq3A_297 = vector.broadcast %eq3A_296 : i32 to vector<16xi32>
              %eq3A_298 = arith.cmpi eq, %iota3A, %eq3A_297 : vector<16xi32>
              %jit3A_299 = arith.constant 0 : i32
              %broadcast_in_dim3A_300 = vector.broadcast %jit3A_299 : i32 to vector<16xi32>
              %select_n3A_301 = arith.select %eq3A_298, %select_n3A, %broadcast_in_dim3A_300 : vector<16xi1>, vector<16xi32>
              %reduce_sum3A_302 = arith.constant true
              %reduce_sum3A_303 = vector.broadcast %reduce_sum3A_302 : i1 to vector<16xi1>
              %reduce_sum3A_304 = tpu.scan <sum>, %select_n3A_301 masked %reduce_sum3A_303 : vector<16xi32>, vector<16xi1> -> vector<16xi32>
              %reduce_sum3A_305 = vector.extract %reduce_sum3A_304[15] : i32 from vector<16xi32>
              %broadcast_in_dim3A_306 = vector.broadcast %reduce_sum3A_305 : i32 to vector<16xi32>
              %scan3A_307 = arith.constant 0 : i32
              %scan3A_308 = arith.constant 9 : i32
              %scan3A_309 = arith.addi %scan3A_307, %scan3A_308 : i32
              %scan3A_310 = arith.constant 1 : i32
              scf.for %scan3A_360 = %scan3A_307 to %scan3A_309 step %scan3A_310  : i32 {
                %mul3A_361 = arith.constant 16 : i32
                %mul3A_362 = arith.muli %scan3A_360, %mul3A_361 : i32
                %add3A_363 = arith.constant 0 : i32
                %add3A_364 = arith.addi %add3A_363, %mul3A_362 : i32
                %add3A_365 = arith.constant 12 : i32
                %add3A_366 = arith.addi %add3A_93, %add3A_365 : i32
                %get3A_367 = arith.index_cast %add3A_366 : i32 to index
                %get3A_368 = arith.index_cast %add3A_364 : i32 to index
                %get3A_369 = tpu.vector_load %arg5[%get3A_367, %get3A_368] {strides = array<i32>} : memref<80x144xf32, #tpu.memory_space<vmem>>, vector<16xf32>,
                %add3A_370 = vector.broadcast %add3A_364 : i32 to vector<16xi32>
                %add3A_371 = arith.addi %add3A_370, %iota3A : vector<16xi32>
                tpu.vector_store_idx %arg7[%broadcast_in_dim3A_306, %add3A_371], %get3A_369 {add = true} : memref<328x144xf32, #tpu.memory_space<vmem>>[vector<16xi32>, vector<16xi32>], vector<16xf32>,
              }
              %scan3A_311 = arith.constant 9 : i32
              %eq3A_312 = arith.constant 13 : i32
              %eq3A_313 = vector.broadcast %eq3A_312 : i32 to vector<16xi32>
              %eq3A_314 = arith.cmpi eq, %iota3A, %eq3A_313 : vector<16xi32>
              %jit3A_315 = arith.constant 0 : i32
              %broadcast_in_dim3A_316 = vector.broadcast %jit3A_315 : i32 to vector<16xi32>
              %select_n3A_317 = arith.select %eq3A_314, %select_n3A, %broadcast_in_dim3A_316 : vector<16xi1>, vector<16xi32>
              %reduce_sum3A_318 = arith.constant true
              %reduce_sum3A_319 = vector.broadcast %reduce_sum3A_318 : i1 to vector<16xi1>
              %reduce_sum3A_320 = tpu.scan <sum>, %select_n3A_317 masked %reduce_sum3A_319 : vector<16xi32>, vector<16xi1> -> vector<16xi32>
              %reduce_sum3A_321 = vector.extract %reduce_sum3A_320[15] : i32 from vector<16xi32>
              %broadcast_in_dim3A_322 = vector.broadcast %reduce_sum3A_321 : i32 to vector<16xi32>
              %scan3A_323 = arith.constant 0 : i32
              %scan3A_324 = arith.constant 9 : i32
              %scan3A_325 = arith.addi %scan3A_323, %scan3A_324 : i32
              %scan3A_326 = arith.constant 1 : i32
              scf.for %scan3A_360 = %scan3A_323 to %scan3A_325 step %scan3A_326  : i32 {
                %mul3A_361 = arith.constant 16 : i32
                %mul3A_362 = arith.muli %scan3A_360, %mul3A_361 : i32
                %add3A_363 = arith.constant 0 : i32
                %add3A_364 = arith.addi %add3A_363, %mul3A_362 : i32
                %add3A_365 = arith.constant 13 : i32
                %add3A_366 = arith.addi %add3A_93, %add3A_365 : i32
                %get3A_367 = arith.index_cast %add3A_366 : i32 to index
                %get3A_368 = arith.index_cast %add3A_364 : i32 to index
                %get3A_369 = tpu.vector_load %arg5[%get3A_367, %get3A_368] {strides = array<i32>} : memref<80x144xf32, #tpu.memory_space<vmem>>, vector<16xf32>,
                %add3A_370 = vector.broadcast %add3A_364 : i32 to vector<16xi32>
                %add3A_371 = arith.addi %add3A_370, %iota3A : vector<16xi32>
                tpu.vector_store_idx %arg7[%broadcast_in_dim3A_322, %add3A_371], %get3A_369 {add = true} : memref<328x144xf32, #tpu.memory_space<vmem>>[vector<16xi32>, vector<16xi32>], vector<16xf32>,
              }
              %scan3A_327 = arith.constant 9 : i32
              %eq3A_328 = arith.constant 14 : i32
              %eq3A_329 = vector.broadcast %eq3A_328 : i32 to vector<16xi32>
              %eq3A_330 = arith.cmpi eq, %iota3A, %eq3A_329 : vector<16xi32>
              %jit3A_331 = arith.constant 0 : i32
              %broadcast_in_dim3A_332 = vector.broadcast %jit3A_331 : i32 to vector<16xi32>
              %select_n3A_333 = arith.select %eq3A_330, %select_n3A, %broadcast_in_dim3A_332 : vector<16xi1>, vector<16xi32>
              %reduce_sum3A_334 = arith.constant true
              %reduce_sum3A_335 = vector.broadcast %reduce_sum3A_334 : i1 to vector<16xi1>
              %reduce_sum3A_336 = tpu.scan <sum>, %select_n3A_333 masked %reduce_sum3A_335 : vector<16xi32>, vector<16xi1> -> vector<16xi32>
              %reduce_sum3A_337 = vector.extract %reduce_sum3A_336[15] : i32 from vector<16xi32>
              %broadcast_in_dim3A_338 = vector.broadcast %reduce_sum3A_337 : i32 to vector<16xi32>
              %scan3A_339 = arith.constant 0 : i32
              %scan3A_340 = arith.constant 9 : i32
              %scan3A_341 = arith.addi %scan3A_339, %scan3A_340 : i32
              %scan3A_342 = arith.constant 1 : i32
              scf.for %scan3A_360 = %scan3A_339 to %scan3A_341 step %scan3A_342  : i32 {
                %mul3A_361 = arith.constant 16 : i32
                %mul3A_362 = arith.muli %scan3A_360, %mul3A_361 : i32
                %add3A_363 = arith.constant 0 : i32
                %add3A_364 = arith.addi %add3A_363, %mul3A_362 : i32
                %add3A_365 = arith.constant 14 : i32
                %add3A_366 = arith.addi %add3A_93, %add3A_365 : i32
                %get3A_367 = arith.index_cast %add3A_366 : i32 to index
                %get3A_368 = arith.index_cast %add3A_364 : i32 to index
                %get3A_369 = tpu.vector_load %arg5[%get3A_367, %get3A_368] {strides = array<i32>} : memref<80x144xf32, #tpu.memory_space<vmem>>, vector<16xf32>,
                %add3A_370 = vector.broadcast %add3A_364 : i32 to vector<16xi32>
                %add3A_371 = arith.addi %add3A_370, %iota3A : vector<16xi32>
                tpu.vector_store_idx %arg7[%broadcast_in_dim3A_338, %add3A_371], %get3A_369 {add = true} : memref<328x144xf32, #tpu.memory_space<vmem>>[vector<16xi32>, vector<16xi32>], vector<16xf32>,
              }
              %scan3A_343 = arith.constant 9 : i32
              %eq3A_344 = arith.constant 15 : i32
              %eq3A_345 = vector.broadcast %eq3A_344 : i32 to vector<16xi32>
              %eq3A_346 = arith.cmpi eq, %iota3A, %eq3A_345 : vector<16xi32>
              %jit3A_347 = arith.constant 0 : i32
              %broadcast_in_dim3A_348 = vector.broadcast %jit3A_347 : i32 to vector<16xi32>
              %select_n3A_349 = arith.select %eq3A_346, %select_n3A, %broadcast_in_dim3A_348 : vector<16xi1>, vector<16xi32>
              %reduce_sum3A_350 = arith.constant true
              %reduce_sum3A_351 = vector.broadcast %reduce_sum3A_350 : i1 to vector<16xi1>
              %reduce_sum3A_352 = tpu.scan <sum>, %select_n3A_349 masked %reduce_sum3A_351 : vector<16xi32>, vector<16xi1> -> vector<16xi32>
              %reduce_sum3A_353 = vector.extract %reduce_sum3A_352[15] : i32 from vector<16xi32>
              %broadcast_in_dim3A_354 = vector.broadcast %reduce_sum3A_353 : i32 to vector<16xi32>
              %scan3A_355 = arith.constant 0 : i32
              %scan3A_356 = arith.constant 9 : i32
              %scan3A_357 = arith.addi %scan3A_355, %scan3A_356 : i32
              %scan3A_358 = arith.constant 1 : i32
              scf.for %scan3A_360 = %scan3A_355 to %scan3A_357 step %scan3A_358  : i32 {
                %mul3A_361 = arith.constant 16 : i32
                %mul3A_362 = arith.muli %scan3A_360, %mul3A_361 : i32
                %add3A_363 = arith.constant 0 : i32
                %add3A_364 = arith.addi %add3A_363, %mul3A_362 : i32
                %add3A_365 = arith.constant 15 : i32
                %add3A_366 = arith.addi %add3A_93, %add3A_365 : i32
                %get3A_367 = arith.index_cast %add3A_366 : i32 to index
                %get3A_368 = arith.index_cast %add3A_364 : i32 to index
                %get3A_369 = tpu.vector_load %arg5[%get3A_367, %get3A_368] {strides = array<i32>} : memref<80x144xf32, #tpu.memory_space<vmem>>, vector<16xf32>,
                %add3A_370 = vector.broadcast %add3A_364 : i32 to vector<16xi32>
                %add3A_371 = arith.addi %add3A_370, %iota3A : vector<16xi32>
                tpu.vector_store_idx %arg7[%broadcast_in_dim3A_354, %add3A_371], %get3A_369 {add = true} : memref<328x144xf32, #tpu.memory_space<vmem>>[vector<16xi32>, vector<16xi32>], vector<16xf32>,
              }
              %scan3A_359 = arith.constant 9 : i32
            }
            %scan3A_88 = arith.constant 5 : i32
          } else {
          }
        }
        %scan3A_48 = arith.constant 20 : i32
      } else {
      }
    }
    %scan3A_13 = arith.constant 200 : i32
    %scan3A_14 = arith.constant 0 : i32
    %scan3A_15 = arith.constant 4 : i32
    %scan3A_16 = arith.addi %scan3A_14, %scan3A_15 : i32
    %scan3A_17 = arith.constant 1 : i32
    scf.for %scan3A_19 = %scan3A_14 to %scan3A_16 step %scan3A_17  : i32 {
      %mul3A_20 = arith.constant 1 : i32
      %mul3A_21 = arith.muli %scan3A_19, %mul3A_20 : i32
      %add3A_22 = arith.constant 0 : i32
      %add3A_23 = arith.addi %add3A_22, %mul3A_21 : i32
      %mul3A_24 = arith.constant 80 : i32
      %mul3A_25 = arith.muli %add3A_23, %mul3A_24 : i32
      %mul3A_26 = arith.constant 80 : i32
      %mul3A_27 = arith.muli %add3A_23, %mul3A_26 : i32
      %add3A_28 = arith.addi %mul3A_2, %mul3A_27 : i32
      "tpu.region"() ({
        %run_scoped3A = tpu.sem_alloc : memref<!tpu.dma_semaphore, #tpu.memory_space<semaphore_mem>>
        %dma_start3A = arith.constant 0 : i32
        %dma_start3A_29 = tpu.memref_slice %arg7[%mul3A_25, %dma_start3A] : memref<328x144xf32, #tpu.memory_space<vmem>> -> memref<80x144xf32, #tpu.memory_space<vmem>>
        %dma_start3A_30 = arith.constant 0 : i32
        %dma_start3A_31 = tpu.memref_slice %arg4[%add3A_28, %dma_start3A_30] : memref<10240x144xf32, #tpu.memory_space<hbm>> -> memref<80x144xf32, #tpu.memory_space<hbm>>
        %dma_start3A_32 = arith.constant 0 : i32
        %dma_start3A_33 = tpu.memref_slice %arg4[%add3A_28, %dma_start3A_32] : memref<10240x144xf32, #tpu.memory_space<hbm>> -> memref<80x144xf32, #tpu.memory_space<hbm>>
        %dma_start3A_34 = arith.constant 0 : i32
        %dma_start3A_35 = tpu.memref_slice %arg7[%mul3A_25, %dma_start3A_34] : memref<328x144xf32, #tpu.memory_space<vmem>> -> memref<80x144xf32, #tpu.memory_space<vmem>>
        tpu.enqueue_dma source(%dma_start3A_35 : memref<80x144xf32, #tpu.memory_space<vmem>>) target(%dma_start3A_33 : memref<80x144xf32, #tpu.memory_space<hbm>>) target_semaphore(%run_scoped3A : memref<!tpu.dma_semaphore, #tpu.memory_space<semaphore_mem>>)
        %dma_wait3A = arith.constant 0 : i32
        %dma_wait3A_36 = tpu.memref_slice %arg7[%mul3A_25, %dma_wait3A] : memref<328x144xf32, #tpu.memory_space<vmem>> -> memref<80x144xf32, #tpu.memory_space<vmem>>
        %dma_wait3A_37 = arith.constant 0 : i32
        %dma_wait3A_38 = tpu.memref_slice %arg4[%add3A_28, %dma_wait3A_37] : memref<10240x144xf32, #tpu.memory_space<hbm>> -> memref<80x144xf32, #tpu.memory_space<hbm>>
        %dma_wait3A_39 = arith.constant 0 : i32
        %dma_wait3A_40 = tpu.memref_slice %arg4[%add3A_28, %dma_wait3A_39] : memref<10240x144xf32, #tpu.memory_space<hbm>> -> memref<80x144xf32, #tpu.memory_space<hbm>>
        %dma_wait3A_41 = arith.constant 0 : i32
        %dma_wait3A_42 = tpu.memref_slice %arg7[%mul3A_25, %dma_wait3A_41] : memref<328x144xf32, #tpu.memory_space<vmem>> -> memref<80x144xf32, #tpu.memory_space<vmem>>
        tpu.wait_dma2 semaphore(%run_scoped3A : memref<!tpu.dma_semaphore, #tpu.memory_space<semaphore_mem>>) src(%dma_wait3A_42 : memref<80x144xf32, #tpu.memory_space<vmem>>) dst(%dma_wait3A_40 : memref<80x144xf32, #tpu.memory_space<hbm>>)
        tpu.yield
      }) : () -> ()
    }
    %scan3A_18 = arith.constant 4 : i32
    return
  }
}

#map = affine_map<(d0, d1) -> (0, 0)>
#map1 = affine_map<(d0, d1) -> (0)>
module attributes {stable_mosaic.version = 14 : i64} {
  func.func @_k1_gather(%arg0: i32, %arg1: i32, %arg2: memref<10000x256xf32, #tpu.memory_space<hbm>>, %arg3: memref<10000x256xf32, #tpu.memory_space<hbm>>, %arg4: memref<320000xi32, #tpu.memory_space<hbm>>, %arg5: memref<320000xi32, #tpu.memory_space<hbm>>, %arg6: memref<10000xf32, #tpu.memory_space<hbm>>, %arg7: memref<320000x256xf32, #tpu.memory_space<hbm>>, %arg8: memref<320000xf32, #tpu.memory_space<hbm>>, %arg9: memref<2000xi32, #tpu.memory_space<vmem>>, %arg10: memref<2000xi32, #tpu.memory_space<vmem>>, %arg11: memref<80x256xf32, #tpu.memory_space<vmem>>, %arg12: memref<80x256xf32, #tpu.memory_space<vmem>>, %arg13: memref<80x256xf32, #tpu.memory_space<vmem>>, %arg14: memref<80x256xf32, #tpu.memory_space<vmem>>, %arg15: memref<2000xf32, #tpu.memory_space<vmem>>, %arg16: memref<10000xf32, #tpu.memory_space<vmem>>, %arg17: memref<!tpu.dma_semaphore, #tpu.memory_space<semaphore_mem>>, %arg18: memref<!tpu.dma_semaphore, #tpu.memory_space<semaphore_mem>>, %arg19: memref<!tpu.dma_semaphore, #tpu.memory_space<semaphore_mem>>, %arg20: memref<!tpu.dma_semaphore, #tpu.memory_space<semaphore_mem>>) attributes {dimension_semantics = [#tpu.dimension_semantics<core_parallel>, #tpu.dimension_semantics<subcore_parallel>], iteration_bounds = array<i64: 2, 16>, scalar_prefetch = 0 : i64, scratch_operands = 12 : i64, tpu.core_type = #tpu.core_type<sc_vector_subcore>, window_params = [{transform_indices = #map}, {transform_indices = #map}, {transform_indices = #map1}, {transform_indices = #map1}, {transform_indices = #map1}, {transform_indices = #map}, {transform_indices = #map1}]} {
    %mul3A = arith.constant 2 : i32
    %mul3A_0 = arith.muli %arg1, %mul3A : i32
    %add3A = arith.addi %mul3A_0, %arg0 : i32
    %mul3A_1 = arith.constant 10000 : i32
    %mul3A_2 = arith.muli %add3A, %mul3A_1 : i32
    "tpu.region"() ({
      %run_scoped3A = tpu.sem_alloc : memref<!tpu.dma_semaphore, #tpu.memory_space<semaphore_mem>>
      tpu.enqueue_dma source(%arg6 : memref<10000xf32, #tpu.memory_space<hbm>>) target(%arg16 : memref<10000xf32, #tpu.memory_space<vmem>>) target_semaphore(%run_scoped3A : memref<!tpu.dma_semaphore, #tpu.memory_space<semaphore_mem>>)
      tpu.wait_dma2 semaphore(%run_scoped3A : memref<!tpu.dma_semaphore, #tpu.memory_space<semaphore_mem>>) src(%arg6 : memref<10000xf32, #tpu.memory_space<hbm>>) dst(%arg16 : memref<10000xf32, #tpu.memory_space<vmem>>)
      tpu.yield
    }) : () -> ()
    %scan3A = arith.constant 0 : i32
    %scan3A_3 = arith.constant 5 : i32
    %scan3A_4 = arith.addi %scan3A, %scan3A_3 : i32
    %scan3A_5 = arith.constant 1 : i32
    scf.for %scan3A_7 = %scan3A to %scan3A_4 step %scan3A_5  : i32 {
      %mul3A_8 = arith.constant 1 : i32
      %mul3A_9 = arith.muli %scan3A_7, %mul3A_8 : i32
      %add3A_10 = arith.constant 0 : i32
      %add3A_11 = arith.addi %add3A_10, %mul3A_9 : i32
      %mul3A_12 = arith.constant 2000 : i32
      %mul3A_13 = arith.muli %add3A_11, %mul3A_12 : i32
      %add3A_14 = arith.addi %mul3A_2, %mul3A_13 : i32
      "tpu.region"() ({
        %run_scoped3A = tpu.sem_alloc : memref<!tpu.dma_semaphore, #tpu.memory_space<semaphore_mem>>
        %dma_start3A_50 = tpu.memref_slice %arg4[%add3A_14] : memref<320000xi32, #tpu.memory_space<hbm>> -> memref<2000xi32, #tpu.memory_space<hbm>>
        %dma_start3A_51 = tpu.memref_slice %arg4[%add3A_14] : memref<320000xi32, #tpu.memory_space<hbm>> -> memref<2000xi32, #tpu.memory_space<hbm>>
        tpu.enqueue_dma source(%dma_start3A_51 : memref<2000xi32, #tpu.memory_space<hbm>>) target(%arg9 : memref<2000xi32, #tpu.memory_space<vmem>>) target_semaphore(%run_scoped3A : memref<!tpu.dma_semaphore, #tpu.memory_space<semaphore_mem>>)
        %dma_wait3A_52 = tpu.memref_slice %arg4[%add3A_14] : memref<320000xi32, #tpu.memory_space<hbm>> -> memref<2000xi32, #tpu.memory_space<hbm>>
        %dma_wait3A_53 = tpu.memref_slice %arg4[%add3A_14] : memref<320000xi32, #tpu.memory_space<hbm>> -> memref<2000xi32, #tpu.memory_space<hbm>>
        tpu.wait_dma2 semaphore(%run_scoped3A : memref<!tpu.dma_semaphore, #tpu.memory_space<semaphore_mem>>) src(%dma_wait3A_53 : memref<2000xi32, #tpu.memory_space<hbm>>) dst(%arg9 : memref<2000xi32, #tpu.memory_space<vmem>>)
        tpu.yield
      }) : () -> ()
      "tpu.region"() ({
        %run_scoped3A = tpu.sem_alloc : memref<!tpu.dma_semaphore, #tpu.memory_space<semaphore_mem>>
        %dma_start3A_50 = tpu.memref_slice %arg5[%add3A_14] : memref<320000xi32, #tpu.memory_space<hbm>> -> memref<2000xi32, #tpu.memory_space<hbm>>
        %dma_start3A_51 = tpu.memref_slice %arg5[%add3A_14] : memref<320000xi32, #tpu.memory_space<hbm>> -> memref<2000xi32, #tpu.memory_space<hbm>>
        tpu.enqueue_dma source(%dma_start3A_51 : memref<2000xi32, #tpu.memory_space<hbm>>) target(%arg10 : memref<2000xi32, #tpu.memory_space<vmem>>) target_semaphore(%run_scoped3A : memref<!tpu.dma_semaphore, #tpu.memory_space<semaphore_mem>>)
        %dma_wait3A_52 = tpu.memref_slice %arg5[%add3A_14] : memref<320000xi32, #tpu.memory_space<hbm>> -> memref<2000xi32, #tpu.memory_space<hbm>>
        %dma_wait3A_53 = tpu.memref_slice %arg5[%add3A_14] : memref<320000xi32, #tpu.memory_space<hbm>> -> memref<2000xi32, #tpu.memory_space<hbm>>
        tpu.wait_dma2 semaphore(%run_scoped3A : memref<!tpu.dma_semaphore, #tpu.memory_space<semaphore_mem>>) src(%dma_wait3A_53 : memref<2000xi32, #tpu.memory_space<hbm>>) dst(%arg10 : memref<2000xi32, #tpu.memory_space<vmem>>)
        tpu.yield
      }) : () -> ()
      %dma_start3A = arith.constant 0 : i32
      %dma_start3A_15 = tpu.memref_slice %arg9[%dma_start3A] : memref<2000xi32, #tpu.memory_space<vmem>> -> memref<80xi32, #tpu.memory_space<vmem>>
      %dma_start3A_16 = arith.constant 0 : i32
      %dma_start3A_17 = arith.constant 0 : i32
      %dma_start3A_18 = tpu.memref_slice %arg2[%dma_start3A_16, %dma_start3A_17] : memref<10000x256xf32, #tpu.memory_space<hbm>> -> memref<10000x256xf32, #tpu.memory_space<hbm>>
      tpu.enqueue_indirect_dma source(%dma_start3A_18 : memref<10000x256xf32, #tpu.memory_space<hbm>>) target(%arg11 : memref<80x256xf32, #tpu.memory_space<vmem>>) offsets(%dma_start3A_15 : memref<80xi32, #tpu.memory_space<vmem>>) semaphore(%arg17 : memref<!tpu.dma_semaphore, #tpu.memory_space<semaphore_mem>>)
      %dma_start3A_19 = arith.constant 0 : i32
      %dma_start3A_20 = tpu.memref_slice %arg10[%dma_start3A_19] : memref<2000xi32, #tpu.memory_space<vmem>> -> memref<80xi32, #tpu.memory_space<vmem>>
      %dma_start3A_21 = arith.constant 0 : i32
      %dma_start3A_22 = arith.constant 0 : i32
      %dma_start3A_23 = tpu.memref_slice %arg3[%dma_start3A_21, %dma_start3A_22] : memref<10000x256xf32, #tpu.memory_space<hbm>> -> memref<10000x256xf32, #tpu.memory_space<hbm>>
      tpu.enqueue_indirect_dma source(%dma_start3A_23 : memref<10000x256xf32, #tpu.memory_space<hbm>>) target(%arg12 : memref<80x256xf32, #tpu.memory_space<vmem>>) offsets(%dma_start3A_20 : memref<80xi32, #tpu.memory_space<vmem>>) semaphore(%arg18 : memref<!tpu.dma_semaphore, #tpu.memory_space<semaphore_mem>>)
      %scan3A_24 = arith.constant 0 : i32
      %scan3A_25 = arith.constant 12 : i32
      %scan3A_26 = arith.addi %scan3A_24, %scan3A_25 : i32
      %scan3A_27 = arith.constant 1 : i32
      scf.for %scan3A_50 = %scan3A_24 to %scan3A_26 step %scan3A_27  : i32 {
        %mul3A_51 = arith.constant 1 : i32
        %mul3A_52 = arith.muli %scan3A_50, %mul3A_51 : i32
        %add3A_53 = arith.constant 0 : i32
        %add3A_54 = arith.addi %add3A_53, %mul3A_52 : i32
        %mul3A_55 = arith.constant 160 : i32
        %mul3A_56 = arith.muli %add3A_54, %mul3A_55 : i32
        %add3A_57 = arith.constant 80 : i32
        %add3A_58 = arith.addi %mul3A_56, %add3A_57 : i32
        %dma_start3A_59 = tpu.memref_slice %arg9[%add3A_58] : memref<2000xi32, #tpu.memory_space<vmem>> -> memref<80xi32, #tpu.memory_space<vmem>>
        %dma_start3A_60 = arith.constant 0 : i32
        %dma_start3A_61 = arith.constant 0 : i32
        %dma_start3A_62 = tpu.memref_slice %arg2[%dma_start3A_60, %dma_start3A_61] : memref<10000x256xf32, #tpu.memory_space<hbm>> -> memref<10000x256xf32, #tpu.memory_space<hbm>>
        tpu.enqueue_indirect_dma source(%dma_start3A_62 : memref<10000x256xf32, #tpu.memory_space<hbm>>) target(%arg13 : memref<80x256xf32, #tpu.memory_space<vmem>>) offsets(%dma_start3A_59 : memref<80xi32, #tpu.memory_space<vmem>>) semaphore(%arg19 : memref<!tpu.dma_semaphore, #tpu.memory_space<semaphore_mem>>)
        %dma_start3A_63 = tpu.memref_slice %arg10[%add3A_58] : memref<2000xi32, #tpu.memory_space<vmem>> -> memref<80xi32, #tpu.memory_space<vmem>>
        %dma_start3A_64 = arith.constant 0 : i32
        %dma_start3A_65 = arith.constant 0 : i32
        %dma_start3A_66 = tpu.memref_slice %arg3[%dma_start3A_64, %dma_start3A_65] : memref<10000x256xf32, #tpu.memory_space<hbm>> -> memref<10000x256xf32, #tpu.memory_space<hbm>>
        tpu.enqueue_indirect_dma source(%dma_start3A_66 : memref<10000x256xf32, #tpu.memory_space<hbm>>) target(%arg14 : memref<80x256xf32, #tpu.memory_space<vmem>>) offsets(%dma_start3A_63 : memref<80xi32, #tpu.memory_space<vmem>>) semaphore(%arg20 : memref<!tpu.dma_semaphore, #tpu.memory_space<semaphore_mem>>)
        %dma_wait3A_67 = arith.constant 0 : i32
        %dma_wait3A_68 = tpu.memref_slice %arg9[%dma_wait3A_67] : memref<2000xi32, #tpu.memory_space<vmem>> -> memref<80xi32, #tpu.memory_space<vmem>>
        %dma_wait3A_69 = arith.constant 0 : i32
        %dma_wait3A_70 = arith.constant 0 : i32
        %dma_wait3A_71 = tpu.memref_slice %arg2[%dma_wait3A_69, %dma_wait3A_70] : memref<10000x256xf32, #tpu.memory_space<hbm>> -> memref<10000x256xf32, #tpu.memory_space<hbm>>
        tpu.wait_indirect_dma semaphore(%arg17 : memref<!tpu.dma_semaphore, #tpu.memory_space<semaphore_mem>>) src(%dma_wait3A_71 : memref<10000x256xf32, #tpu.memory_space<hbm>>) dst(%arg11 : memref<80x256xf32, #tpu.memory_space<vmem>>)
        %dma_wait3A_72 = arith.constant 0 : i32
        %dma_wait3A_73 = tpu.memref_slice %arg10[%dma_wait3A_72] : memref<2000xi32, #tpu.memory_space<vmem>> -> memref<80xi32, #tpu.memory_space<vmem>>
        %dma_wait3A_74 = arith.constant 0 : i32
        %dma_wait3A_75 = arith.constant 0 : i32
        %dma_wait3A_76 = tpu.memref_slice %arg3[%dma_wait3A_74, %dma_wait3A_75] : memref<10000x256xf32, #tpu.memory_space<hbm>> -> memref<10000x256xf32, #tpu.memory_space<hbm>>
        tpu.wait_indirect_dma semaphore(%arg18 : memref<!tpu.dma_semaphore, #tpu.memory_space<semaphore_mem>>) src(%dma_wait3A_76 : memref<10000x256xf32, #tpu.memory_space<hbm>>) dst(%arg12 : memref<80x256xf32, #tpu.memory_space<vmem>>)
        %scan3A_77 = arith.constant 0 : i32
        %scan3A_78 = arith.constant 80 : i32
        %scan3A_79 = arith.addi %scan3A_77, %scan3A_78 : i32
        %scan3A_80 = arith.constant 1 : i32
        scf.for %scan3A_121 = %scan3A_77 to %scan3A_79 step %scan3A_80  : i32 {
          %mul3A_122 = arith.constant 1 : i32
          %mul3A_123 = arith.muli %scan3A_121, %mul3A_122 : i32
          %add3A_124 = arith.constant 0 : i32
          %add3A_125 = arith.addi %add3A_124, %mul3A_123 : i32
          %scan3A_126 = arith.constant 0 : i32
          %scan3A_127 = arith.constant 16 : i32
          %scan3A_128 = arith.addi %scan3A_126, %scan3A_127 : i32
          %scan3A_129 = arith.constant 1 : i32
          scf.for %scan3A_131 = %scan3A_126 to %scan3A_128 step %scan3A_129  : i32 {
            %mul3A_132 = arith.constant 16 : i32
            %mul3A_133 = arith.muli %scan3A_131, %mul3A_132 : i32
            %add3A_134 = arith.constant 0 : i32
            %add3A_135 = arith.addi %add3A_134, %mul3A_133 : i32
            %get3A = arith.index_cast %add3A_125 : i32 to index
            %get3A_136 = arith.index_cast %add3A_135 : i32 to index
            %get3A_137 = tpu.vector_load %arg12[%get3A, %get3A_136] {strides = array<i32>} : memref<80x256xf32, #tpu.memory_space<vmem>>, vector<16xf32>,
            %get3A_138 = arith.index_cast %add3A_125 : i32 to index
            %get3A_139 = arith.index_cast %add3A_135 : i32 to index
            %get3A_140 = tpu.vector_load %arg11[%get3A_138, %get3A_139] {strides = array<i32>} : memref<80x256xf32, #tpu.memory_space<vmem>>, vector<16xf32>,
            %add3A_141 = arith.addf %get3A_137, %get3A_140 : vector<16xf32>
            %swap3A = arith.index_cast %add3A_125 : i32 to index
            %swap3A_142 = arith.index_cast %add3A_135 : i32 to index
            %swap3A_143 = tpu.vector_load %arg12[%swap3A, %swap3A_142] {strides = array<i32>} : memref<80x256xf32, #tpu.memory_space<vmem>>, vector<16xf32>,
            tpu.vector_store %arg12[%swap3A, %swap3A_142], %add3A_141 {strides = array<i32>} : memref<80x256xf32, #tpu.memory_space<vmem>>, vector<16xf32>,
          }
          %scan3A_130 = arith.constant 16 : i32
        }
        %scan3A_81 = arith.constant 80 : i32
        %scan3A_82 = arith.constant 0 : i32
        %scan3A_83 = arith.constant 5 : i32
        %scan3A_84 = arith.addi %scan3A_82, %scan3A_83 : i32
        %scan3A_85 = arith.constant 1 : i32
        scf.for %scan3A_121 = %scan3A_82 to %scan3A_84 step %scan3A_85  : i32 {
          %mul3A_122 = arith.constant 16 : i32
          %mul3A_123 = arith.muli %scan3A_121, %mul3A_122 : i32
          %add3A_124 = arith.constant 0 : i32
          %add3A_125 = arith.addi %add3A_124, %mul3A_123 : i32
          %add3A_126 = arith.addi %mul3A_56, %add3A_125 : i32
          %get3A = arith.index_cast %add3A_126 : i32 to index
          %get3A_127 = tpu.vector_load %arg10[%get3A] {strides = array<i32>} : memref<2000xi32, #tpu.memory_space<vmem>>, vector<16xi32>,
          %gather3A = tpu.vector_load_idx %arg16[%get3A_127] : memref<10000xf32, #tpu.memory_space<vmem>>[vector<16xi32>], vector<16xf32>,
          %add3A_128 = arith.addi %mul3A_56, %add3A_125 : i32
          %swap3A = arith.index_cast %add3A_128 : i32 to index
          %swap3A_129 = tpu.vector_load %arg15[%swap3A] {strides = array<i32>} : memref<2000xf32, #tpu.memory_space<vmem>>, vector<16xf32>,
          tpu.vector_store %arg15[%swap3A], %gather3A {strides = array<i32>} : memref<2000xf32, #tpu.memory_space<vmem>>, vector<16xf32>,
        }
        %scan3A_86 = arith.constant 5 : i32
        %add3A_87 = arith.addi %add3A_14, %mul3A_56 : i32
        "tpu.region"() ({
          %run_scoped3A = tpu.sem_alloc : memref<!tpu.dma_semaphore, #tpu.memory_space<semaphore_mem>>
          %dma_start3A_121 = arith.constant 0 : i32
          %dma_start3A_122 = tpu.memref_slice %arg7[%add3A_87, %dma_start3A_121] : memref<320000x256xf32, #tpu.memory_space<hbm>> -> memref<80x256xf32, #tpu.memory_space<hbm>>
          %dma_start3A_123 = arith.constant 0 : i32
          %dma_start3A_124 = tpu.memref_slice %arg7[%add3A_87, %dma_start3A_123] : memref<320000x256xf32, #tpu.memory_space<hbm>> -> memref<80x256xf32, #tpu.memory_space<hbm>>
          tpu.enqueue_dma source(%arg12 : memref<80x256xf32, #tpu.memory_space<vmem>>) target(%dma_start3A_124 : memref<80x256xf32, #tpu.memory_space<hbm>>) target_semaphore(%run_scoped3A : memref<!tpu.dma_semaphore, #tpu.memory_space<semaphore_mem>>)
          %dma_wait3A_125 = arith.constant 0 : i32
          %dma_wait3A_126 = tpu.memref_slice %arg7[%add3A_87, %dma_wait3A_125] : memref<320000x256xf32, #tpu.memory_space<hbm>> -> memref<80x256xf32, #tpu.memory_space<hbm>>
          %dma_wait3A_127 = arith.constant 0 : i32
          %dma_wait3A_128 = tpu.memref_slice %arg7[%add3A_87, %dma_wait3A_127] : memref<320000x256xf32, #tpu.memory_space<hbm>> -> memref<80x256xf32, #tpu.memory_space<hbm>>
          tpu.wait_dma2 semaphore(%run_scoped3A : memref<!tpu.dma_semaphore, #tpu.memory_space<semaphore_mem>>) src(%arg12 : memref<80x256xf32, #tpu.memory_space<vmem>>) dst(%dma_wait3A_128 : memref<80x256xf32, #tpu.memory_space<hbm>>)
          tpu.yield
        }) : () -> ()
        %add3A_88 = arith.constant 160 : i32
        %add3A_89 = arith.addi %mul3A_56, %add3A_88 : i32
        %dma_start3A_90 = tpu.memref_slice %arg9[%add3A_89] : memref<2000xi32, #tpu.memory_space<vmem>> -> memref<80xi32, #tpu.memory_space<vmem>>
        %dma_start3A_91 = arith.constant 0 : i32
        %dma_start3A_92 = arith.constant 0 : i32
        %dma_start3A_93 = tpu.memref_slice %arg2[%dma_start3A_91, %dma_start3A_92] : memref<10000x256xf32, #tpu.memory_space<hbm>> -> memref<10000x256xf32, #tpu.memory_space<hbm>>
        tpu.enqueue_indirect_dma source(%dma_start3A_93 : memref<10000x256xf32, #tpu.memory_space<hbm>>) target(%arg11 : memref<80x256xf32, #tpu.memory_space<vmem>>) offsets(%dma_start3A_90 : memref<80xi32, #tpu.memory_space<vmem>>) semaphore(%arg17 : memref<!tpu.dma_semaphore, #tpu.memory_space<semaphore_mem>>)
        %dma_start3A_94 = tpu.memref_slice %arg10[%add3A_89] : memref<2000xi32, #tpu.memory_space<vmem>> -> memref<80xi32, #tpu.memory_space<vmem>>
        %dma_start3A_95 = arith.constant 0 : i32
        %dma_start3A_96 = arith.constant 0 : i32
        %dma_start3A_97 = tpu.memref_slice %arg3[%dma_start3A_95, %dma_start3A_96] : memref<10000x256xf32, #tpu.memory_space<hbm>> -> memref<10000x256xf32, #tpu.memory_space<hbm>>
        tpu.enqueue_indirect_dma source(%dma_start3A_97 : memref<10000x256xf32, #tpu.memory_space<hbm>>) target(%arg12 : memref<80x256xf32, #tpu.memory_space<vmem>>) offsets(%dma_start3A_94 : memref<80xi32, #tpu.memory_space<vmem>>) semaphore(%arg18 : memref<!tpu.dma_semaphore, #tpu.memory_space<semaphore_mem>>)
        %dma_wait3A_98 = arith.constant 0 : i32
        %dma_wait3A_99 = tpu.memref_slice %arg9[%dma_wait3A_98] : memref<2000xi32, #tpu.memory_space<vmem>> -> memref<80xi32, #tpu.memory_space<vmem>>
        %dma_wait3A_100 = arith.constant 0 : i32
        %dma_wait3A_101 = arith.constant 0 : i32
        %dma_wait3A_102 = tpu.memref_slice %arg2[%dma_wait3A_100, %dma_wait3A_101] : memref<10000x256xf32, #tpu.memory_space<hbm>> -> memref<10000x256xf32, #tpu.memory_space<hbm>>
        tpu.wait_indirect_dma semaphore(%arg19 : memref<!tpu.dma_semaphore, #tpu.memory_space<semaphore_mem>>) src(%dma_wait3A_102 : memref<10000x256xf32, #tpu.memory_space<hbm>>) dst(%arg13 : memref<80x256xf32, #tpu.memory_space<vmem>>)
        %dma_wait3A_103 = arith.constant 0 : i32
        %dma_wait3A_104 = tpu.memref_slice %arg10[%dma_wait3A_103] : memref<2000xi32, #tpu.memory_space<vmem>> -> memref<80xi32, #tpu.memory_space<vmem>>
        %dma_wait3A_105 = arith.constant 0 : i32
        %dma_wait3A_106 = arith.constant 0 : i32
        %dma_wait3A_107 = tpu.memref_slice %arg3[%dma_wait3A_105, %dma_wait3A_106] : memref<10000x256xf32, #tpu.memory_space<hbm>> -> memref<10000x256xf32, #tpu.memory_space<hbm>>
        tpu.wait_indirect_dma semaphore(%arg20 : memref<!tpu.dma_semaphore, #tpu.memory_space<semaphore_mem>>) src(%dma_wait3A_107 : memref<10000x256xf32, #tpu.memory_space<hbm>>) dst(%arg14 : memref<80x256xf32, #tpu.memory_space<vmem>>)
        %add3A_108 = arith.constant 80 : i32
        %add3A_109 = arith.addi %mul3A_56, %add3A_108 : i32
        %scan3A_110 = arith.constant 0 : i32
        %scan3A_111 = arith.constant 80 : i32
        %scan3A_112 = arith.addi %scan3A_110, %scan3A_111 : i32
        %scan3A_113 = arith.constant 1 : i32
        scf.for %scan3A_121 = %scan3A_110 to %scan3A_112 step %scan3A_113  : i32 {
          %mul3A_122 = arith.constant 1 : i32
          %mul3A_123 = arith.muli %scan3A_121, %mul3A_122 : i32
          %add3A_124 = arith.constant 0 : i32
          %add3A_125 = arith.addi %add3A_124, %mul3A_123 : i32
          %scan3A_126 = arith.constant 0 : i32
          %scan3A_127 = arith.constant 16 : i32
          %scan3A_128 = arith.addi %scan3A_126, %scan3A_127 : i32
          %scan3A_129 = arith.constant 1 : i32
          scf.for %scan3A_131 = %scan3A_126 to %scan3A_128 step %scan3A_129  : i32 {
            %mul3A_132 = arith.constant 16 : i32
            %mul3A_133 = arith.muli %scan3A_131, %mul3A_132 : i32
            %add3A_134 = arith.constant 0 : i32
            %add3A_135 = arith.addi %add3A_134, %mul3A_133 : i32
            %get3A = arith.index_cast %add3A_125 : i32 to index
            %get3A_136 = arith.index_cast %add3A_135 : i32 to index
            %get3A_137 = tpu.vector_load %arg14[%get3A, %get3A_136] {strides = array<i32>} : memref<80x256xf32, #tpu.memory_space<vmem>>, vector<16xf32>,
            %get3A_138 = arith.index_cast %add3A_125 : i32 to index
            %get3A_139 = arith.index_cast %add3A_135 : i32 to index
            %get3A_140 = tpu.vector_load %arg13[%get3A_138, %get3A_139] {strides = array<i32>} : memref<80x256xf32, #tpu.memory_space<vmem>>, vector<16xf32>,
            %add3A_141 = arith.addf %get3A_137, %get3A_140 : vector<16xf32>
            %swap3A = arith.index_cast %add3A_125 : i32 to index
            %swap3A_142 = arith.index_cast %add3A_135 : i32 to index
            %swap3A_143 = tpu.vector_load %arg14[%swap3A, %swap3A_142] {strides = array<i32>} : memref<80x256xf32, #tpu.memory_space<vmem>>, vector<16xf32>,
            tpu.vector_store %arg14[%swap3A, %swap3A_142], %add3A_141 {strides = array<i32>} : memref<80x256xf32, #tpu.memory_space<vmem>>, vector<16xf32>,
          }
          %scan3A_130 = arith.constant 16 : i32
        }
        %scan3A_114 = arith.constant 80 : i32
        %scan3A_115 = arith.constant 0 : i32
        %scan3A_116 = arith.constant 5 : i32
        %scan3A_117 = arith.addi %scan3A_115, %scan3A_116 : i32
        %scan3A_118 = arith.constant 1 : i32
        scf.for %scan3A_121 = %scan3A_115 to %scan3A_117 step %scan3A_118  : i32 {
          %mul3A_122 = arith.constant 16 : i32
          %mul3A_123 = arith.muli %scan3A_121, %mul3A_122 : i32
          %add3A_124 = arith.constant 0 : i32
          %add3A_125 = arith.addi %add3A_124, %mul3A_123 : i32
          %add3A_126 = arith.addi %add3A_109, %add3A_125 : i32
          %get3A = arith.index_cast %add3A_126 : i32 to index
          %get3A_127 = tpu.vector_load %arg10[%get3A] {strides = array<i32>} : memref<2000xi32, #tpu.memory_space<vmem>>, vector<16xi32>,
          %gather3A = tpu.vector_load_idx %arg16[%get3A_127] : memref<10000xf32, #tpu.memory_space<vmem>>[vector<16xi32>], vector<16xf32>,
          %add3A_128 = arith.addi %add3A_109, %add3A_125 : i32
          %swap3A = arith.index_cast %add3A_128 : i32 to index
          %swap3A_129 = tpu.vector_load %arg15[%swap3A] {strides = array<i32>} : memref<2000xf32, #tpu.memory_space<vmem>>, vector<16xf32>,
          tpu.vector_store %arg15[%swap3A], %gather3A {strides = array<i32>} : memref<2000xf32, #tpu.memory_space<vmem>>, vector<16xf32>,
        }
        %scan3A_119 = arith.constant 5 : i32
        %add3A_120 = arith.addi %add3A_14, %add3A_109 : i32
        "tpu.region"() ({
          %run_scoped3A = tpu.sem_alloc : memref<!tpu.dma_semaphore, #tpu.memory_space<semaphore_mem>>
          %dma_start3A_121 = arith.constant 0 : i32
          %dma_start3A_122 = tpu.memref_slice %arg7[%add3A_120, %dma_start3A_121] : memref<320000x256xf32, #tpu.memory_space<hbm>> -> memref<80x256xf32, #tpu.memory_space<hbm>>
          %dma_start3A_123 = arith.constant 0 : i32
          %dma_start3A_124 = tpu.memref_slice %arg7[%add3A_120, %dma_start3A_123] : memref<320000x256xf32, #tpu.memory_space<hbm>> -> memref<80x256xf32, #tpu.memory_space<hbm>>
          tpu.enqueue_dma source(%arg14 : memref<80x256xf32, #tpu.memory_space<vmem>>) target(%dma_start3A_124 : memref<80x256xf32, #tpu.memory_space<hbm>>) target_semaphore(%run_scoped3A : memref<!tpu.dma_semaphore, #tpu.memory_space<semaphore_mem>>)
          %dma_wait3A_125 = arith.constant 0 : i32
          %dma_wait3A_126 = tpu.memref_slice %arg7[%add3A_120, %dma_wait3A_125] : memref<320000x256xf32, #tpu.memory_space<hbm>> -> memref<80x256xf32, #tpu.memory_space<hbm>>
          %dma_wait3A_127 = arith.constant 0 : i32
          %dma_wait3A_128 = tpu.memref_slice %arg7[%add3A_120, %dma_wait3A_127] : memref<320000x256xf32, #tpu.memory_space<hbm>> -> memref<80x256xf32, #tpu.memory_space<hbm>>
          tpu.wait_dma2 semaphore(%run_scoped3A : memref<!tpu.dma_semaphore, #tpu.memory_space<semaphore_mem>>) src(%arg14 : memref<80x256xf32, #tpu.memory_space<vmem>>) dst(%dma_wait3A_128 : memref<80x256xf32, #tpu.memory_space<hbm>>)
          tpu.yield
        }) : () -> ()
      }
      %scan3A_28 = arith.constant 12 : i32
      %dma_wait3A = arith.constant 0 : i32
      %dma_wait3A_29 = tpu.memref_slice %arg9[%dma_wait3A] : memref<2000xi32, #tpu.memory_space<vmem>> -> memref<80xi32, #tpu.memory_space<vmem>>
      %dma_wait3A_30 = arith.constant 0 : i32
      %dma_wait3A_31 = arith.constant 0 : i32
      %dma_wait3A_32 = tpu.memref_slice %arg2[%dma_wait3A_30, %dma_wait3A_31] : memref<10000x256xf32, #tpu.memory_space<hbm>> -> memref<10000x256xf32, #tpu.memory_space<hbm>>
      tpu.wait_indirect_dma semaphore(%arg17 : memref<!tpu.dma_semaphore, #tpu.memory_space<semaphore_mem>>) src(%dma_wait3A_32 : memref<10000x256xf32, #tpu.memory_space<hbm>>) dst(%arg11 : memref<80x256xf32, #tpu.memory_space<vmem>>)
      %dma_wait3A_33 = arith.constant 0 : i32
      %dma_wait3A_34 = tpu.memref_slice %arg10[%dma_wait3A_33] : memref<2000xi32, #tpu.memory_space<vmem>> -> memref<80xi32, #tpu.memory_space<vmem>>
      %dma_wait3A_35 = arith.constant 0 : i32
      %dma_wait3A_36 = arith.constant 0 : i32
      %dma_wait3A_37 = tpu.memref_slice %arg3[%dma_wait3A_35, %dma_wait3A_36] : memref<10000x256xf32, #tpu.memory_space<hbm>> -> memref<10000x256xf32, #tpu.memory_space<hbm>>
      tpu.wait_indirect_dma semaphore(%arg18 : memref<!tpu.dma_semaphore, #tpu.memory_space<semaphore_mem>>) src(%dma_wait3A_37 : memref<10000x256xf32, #tpu.memory_space<hbm>>) dst(%arg12 : memref<80x256xf32, #tpu.memory_space<vmem>>)
      %scan3A_38 = arith.constant 0 : i32
      %scan3A_39 = arith.constant 80 : i32
      %scan3A_40 = arith.addi %scan3A_38, %scan3A_39 : i32
      %scan3A_41 = arith.constant 1 : i32
      scf.for %scan3A_50 = %scan3A_38 to %scan3A_40 step %scan3A_41  : i32 {
        %mul3A_51 = arith.constant 1 : i32
        %mul3A_52 = arith.muli %scan3A_50, %mul3A_51 : i32
        %add3A_53 = arith.constant 0 : i32
        %add3A_54 = arith.addi %add3A_53, %mul3A_52 : i32
        %scan3A_55 = arith.constant 0 : i32
        %scan3A_56 = arith.constant 16 : i32
        %scan3A_57 = arith.addi %scan3A_55, %scan3A_56 : i32
        %scan3A_58 = arith.constant 1 : i32
        scf.for %scan3A_60 = %scan3A_55 to %scan3A_57 step %scan3A_58  : i32 {
          %mul3A_61 = arith.constant 16 : i32
          %mul3A_62 = arith.muli %scan3A_60, %mul3A_61 : i32
          %add3A_63 = arith.constant 0 : i32
          %add3A_64 = arith.addi %add3A_63, %mul3A_62 : i32
          %get3A = arith.index_cast %add3A_54 : i32 to index
          %get3A_65 = arith.index_cast %add3A_64 : i32 to index
          %get3A_66 = tpu.vector_load %arg12[%get3A, %get3A_65] {strides = array<i32>} : memref<80x256xf32, #tpu.memory_space<vmem>>, vector<16xf32>,
          %get3A_67 = arith.index_cast %add3A_54 : i32 to index
          %get3A_68 = arith.index_cast %add3A_64 : i32 to index
          %get3A_69 = tpu.vector_load %arg11[%get3A_67, %get3A_68] {strides = array<i32>} : memref<80x256xf32, #tpu.memory_space<vmem>>, vector<16xf32>,
          %add3A_70 = arith.addf %get3A_66, %get3A_69 : vector<16xf32>
          %swap3A = arith.index_cast %add3A_54 : i32 to index
          %swap3A_71 = arith.index_cast %add3A_64 : i32 to index
          %swap3A_72 = tpu.vector_load %arg12[%swap3A, %swap3A_71] {strides = array<i32>} : memref<80x256xf32, #tpu.memory_space<vmem>>, vector<16xf32>,
          tpu.vector_store %arg12[%swap3A, %swap3A_71], %add3A_70 {strides = array<i32>} : memref<80x256xf32, #tpu.memory_space<vmem>>, vector<16xf32>,
        }
        %scan3A_59 = arith.constant 16 : i32
      }
      %scan3A_42 = arith.constant 80 : i32
      %scan3A_43 = arith.constant 0 : i32
      %scan3A_44 = arith.constant 5 : i32
      %scan3A_45 = arith.addi %scan3A_43, %scan3A_44 : i32
      %scan3A_46 = arith.constant 1 : i32
      scf.for %scan3A_50 = %scan3A_43 to %scan3A_45 step %scan3A_46  : i32 {
        %mul3A_51 = arith.constant 16 : i32
        %mul3A_52 = arith.muli %scan3A_50, %mul3A_51 : i32
        %add3A_53 = arith.constant 0 : i32
        %add3A_54 = arith.addi %add3A_53, %mul3A_52 : i32
        %add3A_55 = arith.constant 1920 : i32
        %add3A_56 = arith.addi %add3A_55, %add3A_54 : i32
        %get3A = arith.index_cast %add3A_56 : i32 to index
        %get3A_57 = tpu.vector_load %arg10[%get3A] {strides = array<i32>} : memref<2000xi32, #tpu.memory_space<vmem>>, vector<16xi32>,
        %gather3A = tpu.vector_load_idx %arg16[%get3A_57] : memref<10000xf32, #tpu.memory_space<vmem>>[vector<16xi32>], vector<16xf32>,
        %add3A_58 = arith.constant 1920 : i32
        %add3A_59 = arith.addi %add3A_58, %add3A_54 : i32
        %swap3A = arith.index_cast %add3A_59 : i32 to index
        %swap3A_60 = tpu.vector_load %arg15[%swap3A] {strides = array<i32>} : memref<2000xf32, #tpu.memory_space<vmem>>, vector<16xf32>,
        tpu.vector_store %arg15[%swap3A], %gather3A {strides = array<i32>} : memref<2000xf32, #tpu.memory_space<vmem>>, vector<16xf32>,
      }
      %scan3A_47 = arith.constant 5 : i32
      %add3A_48 = arith.constant 1920 : i32
      %add3A_49 = arith.addi %add3A_14, %add3A_48 : i32
      "tpu.region"() ({
        %run_scoped3A = tpu.sem_alloc : memref<!tpu.dma_semaphore, #tpu.memory_space<semaphore_mem>>
        %dma_start3A_50 = arith.constant 0 : i32
        %dma_start3A_51 = tpu.memref_slice %arg7[%add3A_49, %dma_start3A_50] : memref<320000x256xf32, #tpu.memory_space<hbm>> -> memref<80x256xf32, #tpu.memory_space<hbm>>
        %dma_start3A_52 = arith.constant 0 : i32
        %dma_start3A_53 = tpu.memref_slice %arg7[%add3A_49, %dma_start3A_52] : memref<320000x256xf32, #tpu.memory_space<hbm>> -> memref<80x256xf32, #tpu.memory_space<hbm>>
        tpu.enqueue_dma source(%arg12 : memref<80x256xf32, #tpu.memory_space<vmem>>) target(%dma_start3A_53 : memref<80x256xf32, #tpu.memory_space<hbm>>) target_semaphore(%run_scoped3A : memref<!tpu.dma_semaphore, #tpu.memory_space<semaphore_mem>>)
        %dma_wait3A_54 = arith.constant 0 : i32
        %dma_wait3A_55 = tpu.memref_slice %arg7[%add3A_49, %dma_wait3A_54] : memref<320000x256xf32, #tpu.memory_space<hbm>> -> memref<80x256xf32, #tpu.memory_space<hbm>>
        %dma_wait3A_56 = arith.constant 0 : i32
        %dma_wait3A_57 = tpu.memref_slice %arg7[%add3A_49, %dma_wait3A_56] : memref<320000x256xf32, #tpu.memory_space<hbm>> -> memref<80x256xf32, #tpu.memory_space<hbm>>
        tpu.wait_dma2 semaphore(%run_scoped3A : memref<!tpu.dma_semaphore, #tpu.memory_space<semaphore_mem>>) src(%arg12 : memref<80x256xf32, #tpu.memory_space<vmem>>) dst(%dma_wait3A_57 : memref<80x256xf32, #tpu.memory_space<hbm>>)
        tpu.yield
      }) : () -> ()
      "tpu.region"() ({
        %run_scoped3A = tpu.sem_alloc : memref<!tpu.dma_semaphore, #tpu.memory_space<semaphore_mem>>
        %dma_start3A_50 = tpu.memref_slice %arg8[%add3A_14] : memref<320000xf32, #tpu.memory_space<hbm>> -> memref<2000xf32, #tpu.memory_space<hbm>>
        %dma_start3A_51 = tpu.memref_slice %arg8[%add3A_14] : memref<320000xf32, #tpu.memory_space<hbm>> -> memref<2000xf32, #tpu.memory_space<hbm>>
        tpu.enqueue_dma source(%arg15 : memref<2000xf32, #tpu.memory_space<vmem>>) target(%dma_start3A_51 : memref<2000xf32, #tpu.memory_space<hbm>>) target_semaphore(%run_scoped3A : memref<!tpu.dma_semaphore, #tpu.memory_space<semaphore_mem>>)
        %dma_wait3A_52 = tpu.memref_slice %arg8[%add3A_14] : memref<320000xf32, #tpu.memory_space<hbm>> -> memref<2000xf32, #tpu.memory_space<hbm>>
        %dma_wait3A_53 = tpu.memref_slice %arg8[%add3A_14] : memref<320000xf32, #tpu.memory_space<hbm>> -> memref<2000xf32, #tpu.memory_space<hbm>>
        tpu.wait_dma2 semaphore(%run_scoped3A : memref<!tpu.dma_semaphore, #tpu.memory_space<semaphore_mem>>) src(%arg15 : memref<2000xf32, #tpu.memory_space<vmem>>) dst(%dma_wait3A_53 : memref<2000xf32, #tpu.memory_space<hbm>>)
        tpu.yield
      }) : () -> ()
    }
    %scan3A_6 = arith.constant 5 : i32
    return
  }
}

module attributes {stable_mosaic.version = 14 : i64} {
  func.func @_k0_body(%arg0: i32, %arg1: memref<400x128xf32, #tpu.memory_space<vmem>>, %arg2: memref<128x512xf32, #tpu.memory_space<vmem>>, %arg3: memref<400x256xf32, #tpu.memory_space<vmem>>, %arg4: memref<400x256xf32, #tpu.memory_space<vmem>>) attributes {dimension_semantics = [#tpu.dimension_semantics<arbitrary>], iteration_bounds = array<i64: 25>, scalar_prefetch = 0 : i64, scratch_operands = 0 : i64, tpu.core_type = #tpu.core_type<tc>, window_params = [{transform_indices = @transform_0, window_bounds = array<i64: 400, 128>}, {pipeline_mode = #tpu.pipeline_mode<synchronous>, transform_indices = @transform_1, window_bounds = array<i64: 128, 512>}, {transform_indices = @transform_2, window_bounds = array<i64: 400, 256>}, {transform_indices = @transform_3, window_bounds = array<i64: 400, 256>}]} {
    %get3A = arith.constant 0 : index
    %get3A_0 = arith.constant 0 : index
    %get3A_1 = vector.load %arg1[%get3A, %get3A_0] : memref<400x128xf32, #tpu.memory_space<vmem>>, vector<400x128xf32>
    %get3A_2 = arith.constant 0 : index
    %get3A_3 = arith.constant 0 : index
    %get3A_4 = vector.load %arg2[%get3A_2, %get3A_3] : memref<128x512xf32, #tpu.memory_space<vmem>>, vector<128x512xf32>
    %slice3A = vector.extract_strided_slice %get3A_4 {offsets = [0, 0], sizes = [128, 256], strides = [1, 1]} : vector<128x512xf32> to vector<128x256xf32>
    %dot_general3A = arith.constant dense<0.000000e+00> : vector<400x256xf32>
    %dot_general3A_5 = tpu.matmul %get3A_1, %slice3A, %dot_general3A {dimension_numbers = #tpu.dot_dimension_numbers<[1], [0], [0], [1], [0, 0, 1, 1], [], []>, transpose_lhs_hint = false} : vector<400x128xf32>, vector<128x256xf32>, vector<400x256xf32> -> vector<400x256xf32>
    %swap3A = arith.constant 0 : index
    %swap3A_6 = arith.constant 0 : index
    %swap3A_7 = vector.load %arg3[%swap3A, %swap3A_6] : memref<400x256xf32, #tpu.memory_space<vmem>>, vector<400x256xf32>
    tpu.vector_store %arg3[%swap3A, %swap3A_6], %dot_general3A_5 {strides = array<i32>} : memref<400x256xf32, #tpu.memory_space<vmem>>, vector<400x256xf32>,
    %get3A_8 = arith.constant 0 : index
    %get3A_9 = arith.constant 0 : index
    %get3A_10 = vector.load %arg2[%get3A_8, %get3A_9] : memref<128x512xf32, #tpu.memory_space<vmem>>, vector<128x512xf32>
    %slice3A_11 = vector.extract_strided_slice %get3A_10 {offsets = [0, 256], sizes = [128, 256], strides = [1, 1]} : vector<128x512xf32> to vector<128x256xf32>
    %dot_general3A_12 = arith.constant dense<0.000000e+00> : vector<400x256xf32>
    %dot_general3A_13 = tpu.matmul %get3A_1, %slice3A_11, %dot_general3A_12 {dimension_numbers = #tpu.dot_dimension_numbers<[1], [0], [0], [1], [0, 0, 1, 1], [], []>, transpose_lhs_hint = false} : vector<400x128xf32>, vector<128x256xf32>, vector<400x256xf32> -> vector<400x256xf32>
    %swap3A_14 = arith.constant 0 : index
    %swap3A_15 = arith.constant 0 : index
    %swap3A_16 = vector.load %arg4[%swap3A_14, %swap3A_15] : memref<400x256xf32, #tpu.memory_space<vmem>>, vector<400x256xf32>
    tpu.vector_store %arg4[%swap3A_14, %swap3A_15], %dot_general3A_13 {strides = array<i32>} : memref<400x256xf32, #tpu.memory_space<vmem>>, vector<400x256xf32>,
    return
  }
  func.func @transform_0(%arg0: i32) -> (i32, i32) {
    %c0_i32 = arith.constant 0 : i32
    %c0_i32_0 = arith.constant 0 : i32
    return %arg0, %c0_i32 : i32, i32
  }
  func.func @transform_1(%arg0: i32) -> (i32, i32) {
    %c0_i32 = arith.constant 0 : i32
    %c0_i32_0 = arith.constant 0 : i32
    %c0_i32_1 = arith.constant 0 : i32
    return %c0_i32, %c0_i32_0 : i32, i32
  }
  func.func @transform_2(%arg0: i32) -> (i32, i32) {
    %c0_i32 = arith.constant 0 : i32
    %c0_i32_0 = arith.constant 0 : i32
    return %arg0, %c0_i32 : i32, i32
  }
  func.func @transform_3(%arg0: i32) -> (i32, i32) {
    %c0_i32 = arith.constant 0 : i32
    %c0_i32_0 = arith.constant 0 : i32
    return %arg0, %c0_i32 : i32, i32
  }
}

module attributes {stable_mosaic.version = 14 : i64} {
  func.func @_k2_body(%arg0: i32, %arg1: memref<512x256xf32, #tpu.memory_space<vmem>>, %arg2: memref<512x16xf32, #tpu.memory_space<vmem>>, %arg3: memref<16x256xf32, #tpu.memory_space<vmem>>, %arg4: memref<8x256xf32, #tpu.memory_space<vmem>>) attributes {dimension_semantics = [#tpu.dimension_semantics<arbitrary>], iteration_bounds = array<i64: 625>, scalar_prefetch = 0 : i64, scratch_operands = 0 : i64, tpu.core_type = #tpu.core_type<tc>, window_params = [{transform_indices = @transform_0, window_bounds = array<i64: 512, 256>}, {transform_indices = @transform_1, window_bounds = array<i64: 512, 16>}, {pipeline_mode = #tpu.pipeline_mode<synchronous>, transform_indices = @transform_2, window_bounds = array<i64: 16, 256>}, {pipeline_mode = #tpu.pipeline_mode<synchronous>, transform_indices = @transform_3, window_bounds = array<i64: 8, 256>}]} {
    %eq3A = arith.constant 0 : i32
    %eq3A_0 = arith.cmpi eq, %arg0, %eq3A : i32
    %convert_element_type3A = arith.extui %eq3A_0 : i1 to i32
    %cond3A = arith.constant 0 : i32
    %cond3A_1 = arith.cmpi ne, %convert_element_type3A, %cond3A : i32
    scf.if %cond3A_1 {
      %broadcast_in_dim3A_28 = arith.constant 0.000000e+00 : f32
      %broadcast_in_dim3A_29 = vector.broadcast %broadcast_in_dim3A_28 : f32 to vector<8x256xf32>
      %swap3A_30 = arith.constant 0 : index
      %swap3A_31 = arith.constant 0 : index
      %swap3A_32 = vector.load %arg4[%swap3A_30, %swap3A_31] : memref<8x256xf32, #tpu.memory_space<vmem>>, vector<8x256xf32>
      tpu.vector_store %arg4[%swap3A_30, %swap3A_31], %broadcast_in_dim3A_29 {strides = array<i32>} : memref<8x256xf32, #tpu.memory_space<vmem>>, vector<8x256xf32>,
    } else {
    }
    %get3A = arith.constant 0 : index
    %get3A_2 = arith.constant 0 : index
    %get3A_3 = vector.load %arg1[%get3A, %get3A_2] : memref<512x256xf32, #tpu.memory_space<vmem>>, vector<512x256xf32>
    %get3A_4 = arith.constant 0 : index
    %get3A_5 = arith.constant 0 : index
    %get3A_6 = vector.load %arg2[%get3A_4, %get3A_5] : memref<512x16xf32, #tpu.memory_space<vmem>>, vector<512x16xf32>
    %get3A_7 = arith.constant 0 : index
    %get3A_8 = arith.constant 0 : index
    %get3A_9 = vector.load %arg3[%get3A_7, %get3A_8] : memref<16x256xf32, #tpu.memory_space<vmem>>, vector<16x256xf32>
    %dot_general3A = arith.constant dense<0.000000e+00> : vector<512x256xf32>
    %dot_general3A_10 = tpu.matmul %get3A_6, %get3A_9, %dot_general3A {dimension_numbers = #tpu.dot_dimension_numbers<[1], [0], [0], [1], [0, 0, 1, 1], [], []>, transpose_lhs_hint = false} : vector<512x16xf32>, vector<16x256xf32>, vector<512x256xf32> -> vector<512x256xf32>
    %add3A = arith.addf %get3A_3, %dot_general3A_10 : vector<512x256xf32>
    %get3A_11 = arith.constant 0 : index
    %get3A_12 = arith.constant 0 : index
    %get3A_13 = vector.load %arg4[%get3A_11, %get3A_12] : memref<8x256xf32, #tpu.memory_space<vmem>>, vector<1x256xf32>
    %reduce_sum3A = arith.constant dense<0.000000e+00> : vector<256xf32>
    %reduce_sum3A_14 = vector.multi_reduction <add>, %add3A, %reduce_sum3A [0] : vector<512x256xf32> to vector<256xf32>
    %broadcast_in_dim3A = vector.shape_cast %reduce_sum3A_14 : vector<256xf32> to vector<1x256xf32>
    %add3A_15 = arith.addf %get3A_13, %broadcast_in_dim3A : vector<1x256xf32>
    %swap3A = arith.constant 0 : index
    %swap3A_16 = arith.constant 0 : index
    %swap3A_17 = vector.load %arg4[%swap3A, %swap3A_16] : memref<8x256xf32, #tpu.memory_space<vmem>>, vector<1x256xf32>
    tpu.vector_store %arg4[%swap3A, %swap3A_16], %add3A_15 {strides = array<i32>} : memref<8x256xf32, #tpu.memory_space<vmem>>, vector<1x256xf32>,
    %get3A_18 = arith.constant 1 : index
    %get3A_19 = arith.constant 0 : index
    %get3A_20 = vector.load %arg4[%get3A_18, %get3A_19] : memref<8x256xf32, #tpu.memory_space<vmem>>, vector<1x256xf32>
    %mul3A = arith.mulf %add3A, %add3A : vector<512x256xf32>
    %reduce_sum3A_21 = arith.constant dense<0.000000e+00> : vector<256xf32>
    %reduce_sum3A_22 = vector.multi_reduction <add>, %mul3A, %reduce_sum3A_21 [0] : vector<512x256xf32> to vector<256xf32>
    %broadcast_in_dim3A_23 = vector.shape_cast %reduce_sum3A_22 : vector<256xf32> to vector<1x256xf32>
    %add3A_24 = arith.addf %get3A_20, %broadcast_in_dim3A_23 : vector<1x256xf32>
    %swap3A_25 = arith.constant 1 : index
    %swap3A_26 = arith.constant 0 : index
    %swap3A_27 = vector.load %arg4[%swap3A_25, %swap3A_26] : memref<8x256xf32, #tpu.memory_space<vmem>>, vector<1x256xf32>
    tpu.vector_store %arg4[%swap3A_25, %swap3A_26], %add3A_24 {strides = array<i32>} : memref<8x256xf32, #tpu.memory_space<vmem>>, vector<1x256xf32>,
    return
  }
  func.func @transform_0(%arg0: i32) -> (i32, i32) {
    %c0_i32 = arith.constant 0 : i32
    %c0_i32_0 = arith.constant 0 : i32
    return %arg0, %c0_i32 : i32, i32
  }
  func.func @transform_1(%arg0: i32) -> (i32, i32) {
    %c0_i32 = arith.constant 0 : i32
    %c0_i32_0 = arith.constant 0 : i32
    return %arg0, %c0_i32 : i32, i32
  }
  func.func @transform_2(%arg0: i32) -> (i32, i32) {
    %c0_i32 = arith.constant 0 : i32
    %c0_i32_0 = arith.constant 0 : i32
    %c0_i32_1 = arith.constant 0 : i32
    return %c0_i32, %c0_i32_0 : i32, i32
  }
  func.func @transform_3(%arg0: i32) -> (i32, i32) {
    %c0_i32 = arith.constant 0 : i32
    %c0_i32_0 = arith.constant 0 : i32
    %c0_i32_1 = arith.constant 0 : i32
    return %c0_i32, %c0_i32_0 : i32, i32
  }
}

module attributes {stable_mosaic.version = 14 : i64} {
  func.func @_k5_body(%arg0: i32, %arg1: memref<80x144xf32, #tpu.memory_space<vmem>>, %arg2: memref<80x128xf32, #tpu.memory_space<vmem>>) attributes {dimension_semantics = [#tpu.dimension_semantics<arbitrary>], iteration_bounds = array<i64: 125>, scalar_prefetch = 0 : i64, scratch_operands = 0 : i64, tpu.core_type = #tpu.core_type<tc>, window_params = [{transform_indices = @transform_0, window_bounds = array<i64: 80, 144>}, {transform_indices = @transform_1, window_bounds = array<i64: 80, 128>}]} {
    %get3A = arith.constant 0 : index
    %get3A_0 = arith.constant 0 : index
    %get3A_1 = vector.load %arg1[%get3A, %get3A_0] : memref<80x144xf32, #tpu.memory_space<vmem>>, vector<80x144xf32>
    %slice3A = vector.extract_strided_slice %get3A_1 {offsets = [0, 0], sizes = [80, 128], strides = [1, 1]} : vector<80x144xf32> to vector<80x128xf32>
    %slice3A_2 = vector.extract_strided_slice %get3A_1 {offsets = [0, 128], sizes = [80, 1], strides = [1, 1]} : vector<80x144xf32> to vector<80x1xf32>
    %add3A = arith.constant 9.99999982E-14 : f32
    %add3A_3 = vector.broadcast %add3A : f32 to vector<80x1xf32>
    %add3A_4 = arith.addf %slice3A_2, %add3A_3 : vector<80x1xf32>
    %div3A = vector.broadcast %add3A_4 : vector<80x1xf32> to vector<80x128xf32>
    %div3A_5 = arith.divf %slice3A, %div3A : vector<80x128xf32>
    %swap3A = arith.constant 0 : index
    %swap3A_6 = arith.constant 0 : index
    %swap3A_7 = vector.load %arg2[%swap3A, %swap3A_6] : memref<80x128xf32, #tpu.memory_space<vmem>>, vector<80x128xf32>
    tpu.vector_store %arg2[%swap3A, %swap3A_6], %div3A_5 {strides = array<i32>} : memref<80x128xf32, #tpu.memory_space<vmem>>, vector<80x128xf32>,
    return
  }
  func.func @transform_0(%arg0: i32) -> (i32, i32) {
    %c0_i32 = arith.constant 0 : i32
    %c0_i32_0 = arith.constant 0 : i32
    return %arg0, %c0_i32 : i32, i32
  }
  func.func @transform_1(%arg0: i32) -> (i32, i32) {
    %c0_i32 = arith.constant 0 : i32
    %c0_i32_0 = arith.constant 0 : i32
    return %arg0, %c0_i32 : i32, i32
  }
}

module attributes {stable_mosaic.version = 14 : i64} {
  func.func @_k3_body(%arg0: i32, %arg1: memref<512x256xf32, #tpu.memory_space<vmem>>, %arg2: memref<512x16xf32, #tpu.memory_space<vmem>>, %arg3: memref<512x1xf32, #tpu.memory_space<vmem>>, %arg4: memref<16x256xf32, #tpu.memory_space<vmem>>, %arg5: memref<8x256xf32, #tpu.memory_space<vmem>>, %arg6: memref<8x256xf32, #tpu.memory_space<vmem>>, %arg7: memref<128x1xf32, #tpu.memory_space<vmem>>, %arg8: memref<512x144xf32, #tpu.memory_space<vmem>>) attributes {dimension_semantics = [#tpu.dimension_semantics<arbitrary>], iteration_bounds = array<i64: 625>, scalar_prefetch = 0 : i64, scratch_operands = 0 : i64, tpu.core_type = #tpu.core_type<tc>, window_params = [{transform_indices = @transform_0, window_bounds = array<i64: 512, 256>}, {transform_indices = @transform_1, window_bounds = array<i64: 512, 16>}, {transform_indices = @transform_2, window_bounds = array<i64: 512, 1>}, {pipeline_mode = #tpu.pipeline_mode<synchronous>, transform_indices = @transform_3, window_bounds = array<i64: 16, 256>}, {pipeline_mode = #tpu.pipeline_mode<synchronous>, transform_indices = @transform_4, window_bounds = array<i64: 8, 256>}, {pipeline_mode = #tpu.pipeline_mode<synchronous>, transform_indices = @transform_5, window_bounds = array<i64: 8, 256>}, {pipeline_mode = #tpu.pipeline_mode<synchronous>, transform_indices = @transform_6, window_bounds = array<i64: 128, 1>}, {transform_indices = @transform_7, window_bounds = array<i64: 512, 144>}]} {
    %get3A = arith.constant 0 : index
    %get3A_0 = arith.constant 0 : index
    %get3A_1 = vector.load %arg5[%get3A, %get3A_0] : memref<8x256xf32, #tpu.memory_space<vmem>>, vector<1x256xf32>
    %mul3A = arith.constant 3.125000e-06 : f32
    %mul3A_2 = vector.broadcast %mul3A : f32 to vector<1x256xf32>
    %mul3A_3 = arith.mulf %get3A_1, %mul3A_2 : vector<1x256xf32>
    %get3A_4 = arith.constant 1 : index
    %get3A_5 = arith.constant 0 : index
    %get3A_6 = vector.load %arg5[%get3A_4, %get3A_5] : memref<8x256xf32, #tpu.memory_space<vmem>>, vector<1x256xf32>
    %mul3A_7 = arith.constant 3.125000e-06 : f32
    %mul3A_8 = vector.broadcast %mul3A_7 : f32 to vector<1x256xf32>
    %mul3A_9 = arith.mulf %get3A_6, %mul3A_8 : vector<1x256xf32>
    %mul3A_10 = arith.mulf %mul3A_3, %mul3A_3 : vector<1x256xf32>
    %sub3A = arith.subf %mul3A_9, %mul3A_10 : vector<1x256xf32>
    %add3A = arith.constant 9.99999974E-6 : f32
    %add3A_11 = vector.broadcast %add3A : f32 to vector<1x256xf32>
    %add3A_12 = arith.addf %sub3A, %add3A_11 : vector<1x256xf32>
    %rsqrt3A = math.rsqrt %add3A_12 : vector<1x256xf32>
    %get3A_13 = arith.constant 0 : index
    %get3A_14 = arith.constant 0 : index
    %get3A_15 = vector.load %arg6[%get3A_13, %get3A_14] : memref<8x256xf32, #tpu.memory_space<vmem>>, vector<1x256xf32>
    %mul3A_16 = arith.mulf %rsqrt3A, %get3A_15 : vector<1x256xf32>
    %get3A_17 = arith.constant 1 : index
    %get3A_18 = arith.constant 0 : index
    %get3A_19 = vector.load %arg6[%get3A_17, %get3A_18] : memref<8x256xf32, #tpu.memory_space<vmem>>, vector<1x256xf32>
    %mul3A_20 = arith.mulf %mul3A_3, %mul3A_16 : vector<1x256xf32>
    %sub3A_21 = arith.subf %get3A_19, %mul3A_20 : vector<1x256xf32>
    %get3A_22 = arith.constant 0 : index
    %get3A_23 = arith.constant 0 : index
    %get3A_24 = vector.load %arg1[%get3A_22, %get3A_23] : memref<512x256xf32, #tpu.memory_space<vmem>>, vector<512x256xf32>
    %get3A_25 = arith.constant 0 : index
    %get3A_26 = arith.constant 0 : index
    %get3A_27 = vector.load %arg2[%get3A_25, %get3A_26] : memref<512x16xf32, #tpu.memory_space<vmem>>, vector<512x16xf32>
    %get3A_28 = arith.constant 0 : index
    %get3A_29 = arith.constant 0 : index
    %get3A_30 = vector.load %arg4[%get3A_28, %get3A_29] : memref<16x256xf32, #tpu.memory_space<vmem>>, vector<16x256xf32>
    %dot_general3A = arith.constant dense<0.000000e+00> : vector<512x256xf32>
    %dot_general3A_31 = tpu.matmul %get3A_27, %get3A_30, %dot_general3A {dimension_numbers = #tpu.dot_dimension_numbers<[1], [0], [0], [1], [0, 0, 1, 1], [], []>, transpose_lhs_hint = false} : vector<512x16xf32>, vector<16x256xf32>, vector<512x256xf32> -> vector<512x256xf32>
    %add3A_32 = arith.addf %get3A_24, %dot_general3A_31 : vector<512x256xf32>
    %mul3A_33 = vector.broadcast %mul3A_16 : vector<1x256xf32> to vector<512x256xf32>
    %mul3A_34 = arith.mulf %add3A_32, %mul3A_33 : vector<512x256xf32>
    %add3A_35 = vector.broadcast %sub3A_21 : vector<1x256xf32> to vector<512x256xf32>
    %add3A_36 = arith.addf %mul3A_34, %add3A_35 : vector<512x256xf32>
    %slice3A = vector.extract_strided_slice %add3A_36 {offsets = [0, 0], sizes = [512, 128], strides = [1, 1]} : vector<512x256xf32> to vector<512x128xf32>
    %slice3A_37 = vector.extract_strided_slice %add3A_36 {offsets = [0, 128], sizes = [512, 128], strides = [1, 1]} : vector<512x256xf32> to vector<512x128xf32>
    %logistic3A = arith.negf %slice3A : vector<512x128xf32>
    %logistic3A_38 = math.exp %logistic3A : vector<512x128xf32>
    %logistic3A_39 = arith.constant 1.000000e+00 : f32
    %logistic3A_40 = vector.broadcast %logistic3A_39 : f32 to vector<512x128xf32>
    %logistic3A_41 = arith.addf %logistic3A_40, %logistic3A_38 : vector<512x128xf32>
    %logistic3A_42 = arith.divf %logistic3A_40, %logistic3A_41 : vector<512x128xf32>
    %gt3A = arith.constant 0.000000e+00 : f32
    %gt3A_43 = vector.broadcast %gt3A : f32 to vector<512x128xf32>
    %gt3A_44 = arith.cmpf ogt, %slice3A_37, %gt3A_43 : vector<512x128xf32>
    %min3A = arith.constant 0.000000e+00 : f32
    %min3A_45 = vector.broadcast %min3A : f32 to vector<512x128xf32>
    %min3A_46 = arith.minimumf %slice3A_37, %min3A_45 : vector<512x128xf32>
    %exp3A = math.exp %min3A_46 : vector<512x128xf32>
    %sub3A_47 = arith.constant 1.000000e+00 : f32
    %sub3A_48 = vector.broadcast %sub3A_47 : f32 to vector<512x128xf32>
    %sub3A_49 = arith.subf %exp3A, %sub3A_48 : vector<512x128xf32>
    %select_n3A = arith.select %gt3A_44, %slice3A_37, %sub3A_49 : vector<512x128xi1>, vector<512x128xf32>
    %mul3A_50 = arith.mulf %logistic3A_42, %select_n3A : vector<512x128xf32>
    %get3A_51 = arith.constant 0 : index
    %get3A_52 = arith.constant 0 : index
    %get3A_53 = vector.load %arg7[%get3A_51, %get3A_52] : memref<128x1xf32, #tpu.memory_space<vmem>>, vector<128x1xf32>
    %dot_general3A_54 = arith.constant dense<0.000000e+00> : vector<512x1xf32>
    %dot_general3A_55 = tpu.matmul %mul3A_50, %get3A_53, %dot_general3A_54 {dimension_numbers = #tpu.dot_dimension_numbers<[1], [0], [0], [1], [0, 0, 1, 1], [], []>, transpose_lhs_hint = false} : vector<512x128xf32>, vector<128x1xf32>, vector<512x1xf32> -> vector<512x1xf32>
    %get3A_56 = arith.constant 2 : index
    %get3A_57 = arith.constant 0 : index
    %get3A_58 = vector.load %arg6[%get3A_56, %get3A_57] : memref<8x256xf32, #tpu.memory_space<vmem>>, vector<1x1xf32>
    %add3A_59 = vector.broadcast %get3A_58 : vector<1x1xf32> to vector<512x1xf32>
    %add3A_60 = arith.addf %dot_general3A_55, %add3A_59 : vector<512x1xf32>
    %get3A_61 = arith.constant 0 : index
    %get3A_62 = arith.constant 0 : index
    %get3A_63 = vector.load %arg3[%get3A_61, %get3A_62] : memref<512x1xf32, #tpu.memory_space<vmem>>, vector<512x1xf32>
    %min3A_64 = arith.constant 5.000000e+01 : f32
    %min3A_65 = vector.broadcast %min3A_64 : f32 to vector<512x1xf32>
    %min3A_66 = arith.minimumf %add3A_60, %min3A_65 : vector<512x1xf32>
    %exp3A_67 = math.exp %min3A_66 : vector<512x1xf32>
    %mul3A_68 = arith.mulf %get3A_63, %exp3A_67 : vector<512x1xf32>
    %broadcast_in_dim3A = arith.constant 0.000000e+00 : f32
    %broadcast_in_dim3A_69 = vector.broadcast %broadcast_in_dim3A : f32 to vector<512x15xf32>
    %mul3A_70 = vector.broadcast %mul3A_68 : vector<512x1xf32> to vector<512x128xf32>
    %mul3A_71 = arith.mulf %mul3A_70, %mul3A_50 : vector<512x128xf32>
    %concatenate3A = tpu.concatenate %mul3A_71, %mul3A_68, %broadcast_in_dim3A_69 in 1 : vector<512x128xf32>, vector<512x1xf32>, vector<512x15xf32> -> vector<512x144xf32>
    %swap3A = arith.constant 0 : index
    %swap3A_72 = arith.constant 0 : index
    %swap3A_73 = vector.load %arg8[%swap3A, %swap3A_72] : memref<512x144xf32, #tpu.memory_space<vmem>>, vector<512x144xf32>
    tpu.vector_store %arg8[%swap3A, %swap3A_72], %concatenate3A {strides = array<i32>} : memref<512x144xf32, #tpu.memory_space<vmem>>, vector<512x144xf32>,
    return
  }
  func.func @transform_0(%arg0: i32) -> (i32, i32) {
    %c0_i32 = arith.constant 0 : i32
    %c0_i32_0 = arith.constant 0 : i32
    return %arg0, %c0_i32 : i32, i32
  }
  func.func @transform_1(%arg0: i32) -> (i32, i32) {
    %c0_i32 = arith.constant 0 : i32
    %c0_i32_0 = arith.constant 0 : i32
    return %arg0, %c0_i32 : i32, i32
  }
  func.func @transform_2(%arg0: i32) -> (i32, i32) {
    %c0_i32 = arith.constant 0 : i32
    %c0_i32_0 = arith.constant 0 : i32
    return %arg0, %c0_i32 : i32, i32
  }
  func.func @transform_3(%arg0: i32) -> (i32, i32) {
    %c0_i32 = arith.constant 0 : i32
    %c0_i32_0 = arith.constant 0 : i32
    %c0_i32_1 = arith.constant 0 : i32
    return %c0_i32, %c0_i32_0 : i32, i32
  }
  func.func @transform_4(%arg0: i32) -> (i32, i32) {
    %c0_i32 = arith.constant 0 : i32
    %c0_i32_0 = arith.constant 0 : i32
    %c0_i32_1 = arith.constant 0 : i32
    return %c0_i32, %c0_i32_0 : i32, i32
  }
  func.func @transform_5(%arg0: i32) -> (i32, i32) {
    %c0_i32 = arith.constant 0 : i32
    %c0_i32_0 = arith.constant 0 : i32
    %c0_i32_1 = arith.constant 0 : i32
    return %c0_i32, %c0_i32_0 : i32, i32
  }
  func.func @transform_6(%arg0: i32) -> (i32, i32) {
    %c0_i32 = arith.constant 0 : i32
    %c0_i32_0 = arith.constant 0 : i32
    %c0_i32_1 = arith.constant 0 : i32
    return %c0_i32, %c0_i32_0 : i32, i32
  }
  func.func @transform_7(%arg0: i32) -> (i32, i32) {
    %c0_i32 = arith.constant 0 : i32
    %c0_i32_0 = arith.constant 0 : i32
    return %arg0, %c0_i32 : i32, i32
  }
}

</mosaic_0001>

<sc_bundles>
// kernel: kernel.11.cloned.1.call-start
scs
__scs_entry_jumppad:
0x0: {  	(pc) =	sbr.rel $0x88, $3  }
0x1: {  	(tag) =	ssettag $0x0;
	lr =	simm.s32 $0x1  }
0x2: {  	[smem:$0x3F94] =	sst lr;
	_ =	strace $0xD0000000  }
0x3: {  	_ = 	snop  }
0x4: {  	_ = 	snop  }
0x5: {  	_ = 	snop  }
0x6: {  	_ = 	snop  }
0x7: {  	_ = 	snop  }
__scs_overlays_trampoline_lowered:
0x8: {  	[smem:$0x3FA3] =	sst s0  }
0x9: {  	[smem:$0x3FA4] =	sst s1  }
0xa: {  	[smem:$0x3FA5] =	sst s2  }
0xb: {  	[smem:$0x3FA6] =	sst s3  }
0xc: {  	[smem:$0x3FA7] =	sst s4  }
0xd: {  	[smem:$0x3FA8] =	sst s5  }
0xe: {  	[smem:$0x3FA9] =	sst s6  }
0xf: {  	[smem:$0x3FAA] =	sst s7  }
0x10: {  	[smem:$0x3FAB] =	sst s8  }
0x11: {  	[smem:$0x3FAC] =	sst s9;
	s0 =	simm.s32 @!p0 $0x0  }
0x12: {  	s1 =	sld [smem:$0x3F92];
	s0 =	simm.s32 @p0 $0x1  }
0x13: {  	[smem:$0x3FAD] =	sst s0;
	s0 =	simm.s32 @!p1 $0x0  }
0x14: {  	s2 =	sld [smem:$0x3F91];
	s0 =	simm.s32 @p1 $0x1  }
0x15: {  	[smem:$0x3FAE] =	sst s0;
	s0 =	simm.s32 @!p2 $0x0  }
0x16: {  	s3 =	sld [smem:$0x3FDB];
	s0 =	simm.s32 @p2 $0x1  }
0x17: {  	s4 =	simm.s32 $0x1BF5;
	[smem:$0x3FB0] =	sst s0  }
0x18: {  	s0 =	sld [smem:$0x3F93];
	_ =	swait.ge [sflag:s4], $0x0  }
0x19: {  	s7 =	sld [smem:$0x3F94]  }
0x1a: {  	s8 =	sadd.s32 $0xFFFFE003, lr  }
0x1b: {  	s9 =	sadd.s32 $0xFFFFFEF7, lr;
	s5 =	simm.s32 $0xFFFFFFFF;
	p2 =	slt.u32 s8, $0xFFFFF086  }
0x1c: {  	p1 =	slt.u32 s9, $0xF7A;
	s5 =	simm.s32 @!p2 $0x0  }
0x1d: {  	s5 =	simm.s32 @p1 $0x1;
	p0 =	seq.s32 s7, s2  }
0x1e: {  	s7 =	smul.u32 @!p0 $0xF7A, s2;
	p2 =	seq.s32 @!p0 s5, $0x0  }
0x1f: {  	s9 =	smul.u32 $0xF7A, s1;
	s8 =	simm.s32 @!p0 $0x1BF5;
	p2 =	por !p2, p0  }
0x20: {  	[sflag:s8] =	ssyncset.s32 @!p0 $0xFFFFF086;
	s6 =	sadd.s32 @!p0 s3, s7;
	s7 =	simm.s32 @!p0 $0x108  }
0x21: {  	s3 =	sadd.s32 s3, s9;
	s6 =	sadd.s32 @!p0 $0x88, s6;
	s7 =	simm.s32 @p2 $0x1082  }
0x22: {  	[simem:s7], [sflag:s8] =	dma.local @!p0 [hbm:s6], $0xF7A  }
0x23: {  	s9 =	sor.u32 $0xD0000000, s2;
	s6 =	simm.s32 $0x108;
	_ =	swait.ge @!p0 [sflag:s8], $0x0  }
0x24: {  	s3 =	sadd.s32 $0x88, s3;
	s6 =	simm.s32 @!p1 $0x1082;
	[sflag:s4] =	ssyncset.s32 $0xFFFFF086  }
0x25: {  	[simem:s6], [sflag:s4] =	dma.local [hbm:s3], $0xF7A  }
0x26: {  	[smem:$0x3F94] =	sst s1;
	(tag) =	ssettag s2;
	_ =	strace s9  }
0x27: {  	s1 =	sld [smem:$0x3FA4]  }
0x28: {  	s2 =	sld [smem:$0x3FA5]  }
0x29: {  	s4 =	sld [smem:$0x3FA7]  }
0x2a: {  	p0 =	seq.s32 s5, $0x0;
	s5 =	sld [smem:$0x3FA8]  }
0x2b: {  	s6 =	sld [smem:$0x3FA9]  }
0x2c: {  	s7 =	sld [smem:$0x3FAA]  }
0x2d: {  	s3 =	simm.s32 $0x108;
	s8 =	sld [smem:$0x3FAB]  }
0x2e: {  	s3 =	simm.s32 @!p0 $0x1082;
	s9 =	sld [smem:$0x3FAC]  }
0x2f: {  	lr =	sadd.s32 s0, s3;
	s0 =	sld [smem:$0x3FA3]  }
0x30: {  	s3 =	sld [smem:$0x3FA6]  }
0x31: {  	[smem:$0x3FAF] =	sst s10  }
0x32: {  	s10 =	sld [smem:$0x3FAD];
	_ =	sdelay $0x3  }
0x33: {  	p0 =	seq.s32 s10, $0x1;
	s10 =	sld [smem:$0x3FAF];
	_ =	sdelay $0x3  }
0x34: {  	[smem:$0x3FAF] =	sst s10  }
0x35: {  	s10 =	sld [smem:$0x3FAE];
	_ =	sdelay $0x3  }
0x36: {  	p1 =	seq.s32 s10, $0x1;
	s10 =	sld [smem:$0x3FAF];
	_ =	sdelay $0x3  }
0x37: {  	[smem:$0x3FAF] =	sst s10  }
0x38: {  	s10 =	sld [smem:$0x3FB0]  }
0x39: {  	_ = 	snop;
	(pc) =	sbr.ind lr, $3  }
0x3a: {  	_ = 	snop  }
0x3b: {  	_ = 	snop  }
0x3c: {  	p2 =	seq.s32 s10, $0x1;
	s10 =	sld [smem:$0x3FAF]  }
0x3d: {  	_ =	shalt  }
0x3e: {  	_ =	shalt  }
0x3f: {  	_ =	shalt  }
0x40: {  	_ =	shalt  }
0x41: {  	_ =	shalt  }
0x42: {  	_ =	shalt  }
0x43: {  	_ =	shalt  }
0x44: {  	_ =	shalt  }
0x45: {  	_ =	shalt  }
0x46: {  	_ =	shalt  }
0x47: {  	_ =	shalt  }
0x48: {  	_ =	shalt  }
0x49: {  	_ =	shalt  }
0x4a: {  	_ =	shalt  }
0x4b: {  	_ =	shalt  }
0x4c: {  	_ =	shalt  }
0x4d: {  	_ =	shalt  }
0x4e: {  	_ =	shalt  }
0x4f: {  	_ =	shalt  }
0x50: {  	_ =	shalt  }
0x51: {  	_ =	shalt  }
0x52: {  	_ =	shalt  }
0x53: {  	_ =	shalt  }
0x54: {  	_ =	shalt  }
0x55: {  	_ =	shalt  }
0x56: {  	_ =	shalt  }
0x57: {  	_ =	shalt  }
0x58: {  	_ =	shalt  }
0x59: {  	_ =	shalt  }
0x5a: {  	_ =	shalt  }
0x5b: {  	_ =	shalt  }
0x5c: {  	_ =	shalt  }
0x5d: {  	_ =	shalt  }
0x5e: {  	_ =	shalt  }
0x5f: {  	_ =	shalt  }
0x60: {  	_ =	shalt  }
0x61: {  	_ =	shalt  }
0x62: {  	_ =	shalt  }
0x63: {  	_ =	shalt  }
0x64: {  	_ =	shalt  }
0x65: {  	_ =	shalt  }
0x66: {  	_ =	shalt  }
0x67: {  	_ =	shalt  }
0x68: {  	_ =	shalt  }
0x69: {  	_ =	shalt  }
0x6a: {  	_ =	shalt  }
0x6b: {  	_ =	shalt  }
0x6c: {  	_ =	shalt  }
0x6d: {  	_ =	shalt  }
0x6e: {  	_ =	shalt  }
0x6f: {  	_ =	shalt  }
0x70: {  	_ =	shalt  }
0x71: {  	_ =	shalt  }
0x72: {  	_ =	shalt  }
0x73: {  	_ =	shalt  }
0x74: {  	_ =	shalt  }
0x75: {  	_ =	shalt  }
0x76: {  	_ =	shalt  }
0x77: {  	_ =	shalt  }
0x78: {  	_ =	shalt  }
0x79: {  	_ =	shalt  }
0x7a: {  	_ =	shalt  }
0x7b: {  	_ =	shalt  }
0x7c: {  	_ =	shalt  }
0x7d: {  	_ =	shalt  }
0x7e: {  	_ =	shalt  }
0x7f: {  	_ =	shalt  }
0x80: {  	_ =	shalt  }
0x81: {  	_ =	shalt  }
0x82: {  	_ =	shalt  }
0x83: {  	_ =	shalt  }
0x84: {  	_ =	shalt  }
0x85: {  	_ =	shalt  }
0x86: {  	_ =	shalt  }
0x87: {  	_ =	shalt  }
.Lfunc_end0:
.L_simem_size_0:
called_computation.1_lowered:
.L_overlay_start_0:
0x88: {  	s2 =	sld [smem:$0x3FD9]  }
0x89: {  	s3 =	sld [smem:$0x3FFE];
	_ =	sdelay $0x1  }
0x8a: {  	s1 =	srdreg.scid  }
0x8b: {  	s0 =	sand.u32 $0x1, s1  }
0x8c: {  	s17 =	sshll.u32 s0, $0xA;
	s2 =	sadd.s32 s3, s2  }
0x8d: {  	s2 =	sadd.s32 s2, s17  }
0x8e: {  	[smem:$0x3FBB] =	sst s2  }
0x8f: {  	_ = 	snop  }
0x90: {  	s2 =	sld [smem:$0x3FC6];
	(tm) =	ssettm $0x1  }
0x91: {  	s18 =	sld [smem:$0x3FFB];
	_ =	sdelay $0x3  }
0x92: {  	_ =	strace s18  }
0x93: {  	s3 =	sld [smem:$0x3FFC];
	_ =	sdelay $0x3  }
0x94: {  	_ =	strace s3  }
0x95: {  	s3 =	sld [smem:$0x3FFD];
	_ =	sdelay $0x3  }
0x96: {  	_ =	strace s3  }
0x97: {  	_ =	strace $0x8FFFFFFF  }
0x98: {  	s19 =	sld [smem:$0x3FDB];
	_ =	sdelay $0x1  }
0x99: {  	s4 =	simm.s32 $_scs_section_size  }
0x9a: {  	s5 =	simm.s32 $_size__tile_overlayer_lowered;
	s6 =	simm.s32 $_tile_overlayer_lowered  }
0x9b: {  	s22 =	simm.s32 $0x1BFF;
	s21 =	sshll.u32 s6, $0x1;
	s3 =	sadd.s32 s4, s19  }
0x9c: {  	s7 =	simm.s32 $0x0;
	s20 =	sshll.u32 s5, $0x1;
	s5 =	sadd.s32 s21, s3  }
0x9d: {  	[timem:s7], [sflag:s22] =	dma.local [hbm:s5], s20  }
0x9e: {  	_ =	swait.ge [sflag:s22], s20  }
0x9f: {  	s4 =	ssub.s32 $0x0, s20;
	[sflag:s22] =	ssyncset.done $0x0  }
0xa0: {  	[sflag:s22] =	ssyncadd.s32 s4;
	_ =	sdelay $0x1  }
0xa1: {  	s23 =	simm.s32 $0x1B8B  }
0xa2: {  	_ =	swait.ge [sflag:s23], $0x1  }
0xa3: {  	[sflag:s23] =	ssyncset.done $0x0  }
0xa4: {  	s25 =	simm.s32 $0x1B8E;
	s24 =	sld [smem:$0x3FFE];
	[sflag:s23] =	ssyncadd.s32 $0xFFFFFFFF  }
0xa5: {  	s26 =	simm.s32 $execute0_lowered;
	[smem:$0x3FD2] =	sst s25  }
0xa6: {  	s5 =	sshll.u32 s26, $0x1;
	_ =	strace $0x80000049;
	[dreg:$0x1] =	wrdreg $0xFFFFFFFF  }
0xa7: {  	s28 =	simm.s32 $_size_execute0_lowered;
	s3 =	sadd.s32 s3, s5;
	[dreg:$0x0] =	wrdreg $0x0  }
0xa8: {  	s5 =	sshll.u32 s28, $0x1;
	[dreg:$0x2] =	wrdreg s3  }
0xa9: {  	[dreg:$0x3] =	wrdreg s5  }
0xaa: {  	[dreg:$0x4] =	wrdreg $0xC0  }
0xab: {  	_ =	task [dreg:s7], $0x5FFFF  }
0xac: {  	[dreg:$0x1] =	wrdreg $0xFFFFFFFF  }
0xad: {  	[dreg:$0x0] =	wrdreg $0x60  }
0xae: {  	[dreg:$0x2] =	wrdreg s24  }
0xaf: {  	[dreg:$0x3] =	wrdreg s2  }
0xb0: {  	[dreg:$0x4] =	wrdreg $0x9  }
0xb1: {  	_ =	task.clear_ibuf [dreg:s7], $0x5FFFF;
	_ =	strace $0x90000049  }
0xb2: {  	s29 =	simm.s32 $0x9;
	_ =	strace $0x8000004B  }
0xb3: {  	_ =	swait.ge [sflag:s29], $0x1  }
0xb4: {  	[sflag:s29] =	ssyncadd.s32 $0xFFFFFFFF  }
0xb5: {  	_ =	strace $0x9000004B  }
0xb6: {  	_ =	sfence  }
0xb7: {  	s30 =	sld [smem:$0x0];
	_ =	sdelay $0x2  }
0xb8: {  	s31 =	sshll.u32 s1, $0xD;
	s1 =	sshrl.u32 s1, $0x2  }
0xb9: {  	s3 =	sand.u32 $0x4000, s31;
	s1 =	sadd.s32 s1, s30  }
0xba: {  	s0 =	sor.u32 s3, s0;
	s1 =	sshll.u32 s1, $0x11  }
0xbb: {  	s0 =	sor.u32 s1, s0  }
0xbc: {  	s0 =	sadd.s32 $0x8F2B, s0  }
0xbd: {  	[sflag:s0] =	ssyncadd.remote.s32 $0x1  }
0xbe: {  	_ =	sfence.sel $0xFFFF  }
0xbf: {  	[dreg:$0x0] =	wrdreg $0xFFFFFFFF;
	(pc) =	sbr.abs _section_cstart, $3  }
0xc0: {  	[dreg:$0x1] =	wrdreg $0xFFFFFFFF  }
0xc1: {  	_ =	task.clear_ibuf [dreg:s7], $0x2FFFF;
	_ =	strace $0x9FFFFFFF  }
0xc2: {  	(tm) =	ssettm $0x7FFFFFFF  }
0xc3: {  	_ =	shalt  }
tec
execute0_lowered:
.L_overlay_start_1:
0x0: {  	(tag) =	ssettag $0x1  }
0x1: {  	s0 =	srdreg.scid;
	s6 =	rddreg [dreg:$0x0]  }
0x2: {  	s2 =	rddreg [dreg:$0x1];
	s5 =	sand.u32 $0x1, s0  }
0x3: {  	s4 =	simm.s32 $0x0;
	s0 =	stileid.u32;
	s1 =	sshll.u32 s5, $0x4  }
0x4: {  	s12 =	simm.s32 $0x5000;
	s13 =	simm.s32 $0x1;
	s7 =	sor.u32 s0, s1  }
0x5: {  	v1 =	vimm.f32 $0.0e+00;
	s14 =	simm.s32 $0x5680;
	s15 =	simm.s32 $0xA680;
	s3 =	smul.u32 $0x140, s7  }
0x6: {  	vm0 =	vmmov $0x1;
	v2 =	vlaneseq.u32;
	vm1 =	vcmask $0x308;
	s16 =	simm.s32 $0xF680;
	s17 =	simm.s32 $0x14680;
	s7 =	smul.u32 $0x2800, s7  }
.Ltmp0:
0x7: {  	vm2 =	vcmask $0x70C;
	vm3 =	vcmask $0xB10;
	vm4 =	vcmask $0xF14;
	[smem:$0x7FF] =	sst s4;
	s8 =	ssub.s32 $0x2, s5;
	(pc) =	sbr.rel .LBB2_1-.Ltmp0, $4  }
0x8: {  	vm5 =	vcmask $0x1318;
	vm6 =	vcmask $0x171C;
	vm7 =	vcmask $0x1B20;
	s18 =	simm.s32 $0x0;
	_ =	strace $0x8000004A;
	s9 =	sshrl.u32 s8, $0x1  }
0x9: {  	vm8 =	vcmask $0x1F24;
	vm9 =	vcmask $0x2328;
	vm10 =	vcmask $0x272C;
	s5 =	sadd.s32 $0x1429000, s6;
	s8 =	ssub.s32 s8, s9;
	s11 =	sadd.s32 s7, s6  }
0xa: {  	vm11 =	vcmask $0x2B30;
	vm12 =	vcmask $0x2F34;
	vm13 =	vcmask $0x3338;
	s8 =	smax.u32 s8, $0x1;
	s6 =	sadd.s32 $0x140, s3;
	s7 =	sadd.s32 $0x3C00, s11  }
0xb: {  	vm14 =	vcmask $0x373C;
	vm15 =	vmmov $0x7fff;
	v0 =	vmov s3;
	s9 =	sadd.s32 $0x4600, s11;
	s10 =	sadd.s32 $0x5000, s11;
	s11 =	sadd.s32 $0x5A00, s11  }
.LBB2_42:
0xc: {  	[hbm4b:s7+s4] =	stream.linear.scatter [tilespmem:s14], [sflag:$0x1], $0x5000, $0x38;
	[tilespmem:$0x19E80] =	vst v63  }
0xd: {  	_ =	swait.ge [sflag:s13], $0x5000  }
0xe: {  	[sflag:s13] =	ssyncset.done $0x0  }
0xf: {  	[sflag:s13] =	ssyncadd.s32 $0xFFFFB000  }
0x10: {  	[hbm4b:s9+s4] =	stream.linear.scatter [tilespmem:s15], [sflag:$0x1], $0x5000, $0x38;
	[tilespmem:$0x19E80] =	vst v63  }
0x11: {  	_ =	swait.ge [sflag:s13], $0x5000  }
0x12: {  	[sflag:s13] =	ssyncset.done $0x0  }
0x13: {  	[sflag:s13] =	ssyncadd.s32 $0xFFFFB000  }
0x14: {  	[hbm4b:s10+s4] =	stream.linear.scatter [tilespmem:s16], [sflag:$0x1], $0x5000, $0x38;
	[tilespmem:$0x19E80] =	vst v63  }
0x15: {  	s18 =	sadd.s32 $0x1, s18;
	_ =	swait.ge [sflag:s13], $0x5000  }
0x16: {  	p0 =	seq.s32 s18, s8;
	[sflag:s13] =	ssyncset.done $0x0  }
.Ltmp1:
0x17: {  	[sflag:s13] =	ssyncadd.s32 $0xFFFFB000;
	(pc) =	sbr.rel @p0 .LBB2_43-.Ltmp1, $4  }
0x18: {  	[hbm4b:s11+s4] =	stream.linear.scatter [tilespmem:s17], [sflag:$0x1], $0x5000, $0x38;
	[tilespmem:$0x19E80] =	vst v63  }
0x19: {  	_ =	swait.ge [sflag:s13], $0x5000  }
0x1a: {  	[sflag:s13] =	ssyncset.done $0x0  }
0x1b: {  	[sflag:s13] =	ssyncadd.s32 $0xFFFFB000  }
.LBB2_1:
0x1c: {  	s19 =	sand.u32 $0x1F800, s4;
	s20 =	sand.u32 $0x380, s4  }
0x1d: {  	s19 =	sor.u32 s20, s19  }
0x1e: {  	[tilespmem:s19+$0x5A80] =	vst v1  }
0x1f: {  	[tilespmem:s19+$0x5680] =	vst v1  }
0x20: {  	[tilespmem:s19+$0x5690] =	vst v1  }
0x21: {  	[tilespmem:s19+$0x56A0] =	vst v1  }
0x22: {  	[tilespmem:s19+$0x56B0] =	vst v1  }
0x23: {  	[tilespmem:s19+$0x56C0] =	vst v1  }
0x24: {  	s21 =	simm.s32 $0x100;
	s20 =	simm.s32 $0x80;
	[tilespmem:s19+$0x56D0] =	vst v1  }
0x25: {  	s22 =	sand.u32 $0x1F800, s21;
	s21 =	simm.s32 $0x200;
	s23 =	sand.u32 $0x380, s20;
	[tilespmem:s19+$0x56E0] =	vst v1  }
.LBB2_2:
0x26: {  	p0 =	seq.s32 s21, $0x14700;
	[tilespmem:s19+$0x56F0] =	vst v1;
	s19 =	sor.u32 s23, s22  }
0x27: {  	[tilespmem:s19+$0x5A80] =	vst v1  }
0x28: {  	[tilespmem:s19+$0x5680] =	vst v1  }
0x29: {  	[tilespmem:s19+$0x5690] =	vst v1  }
.Ltmp2:
0x2a: {  	[tilespmem:s19+$0x56A0] =	vst v1;
	(pc) =	sbr.rel @!p0 .LBB2_2-.Ltmp2, $4  }
0x2b: {  	[tilespmem:s19+$0x56B0] =	vst v1  }
0x2c: {  	[tilespmem:s19+$0x56C0] =	vst v1  }
0x2d: {  	s20 =	sadd.s32 $0x80, s20;
	[tilespmem:s19+$0x56D0] =	vst v1  }
0x2e: {  	s22 =	sand.u32 $0x1F800, s21;
	s21 =	sadd.s32 $0x100, s21;
	s23 =	sand.u32 $0x380, s20;
	[tilespmem:s19+$0x56E0] =	vst v1  }
0x2f: {  	s20 =	sor.u32 s23, s22;
	[tilespmem:s19+$0x56F0] =	vst v1  }
0x30: {  	[tilespmem:s20+$0x5A80] =	vst v1  }
0x31: {  	[tilespmem:s20+$0x5680] =	vst v1  }
0x32: {  	[tilespmem:s20+$0x5690] =	vst v1  }
0x33: {  	[tilespmem:s20+$0x56A0] =	vst v1  }
.Ltmp3:
0x34: {  	[tilespmem:s20+$0x56B0] =	vst v1;
	(pc) =	sbr.rel .LBB2_4-.Ltmp3, $4  }
0x35: {  	[tilespmem:s20+$0x56C0] =	vst v1  }
0x36: {  	[tilespmem:s20+$0x56D0] =	vst v1  }
0x37: {  	[tilespmem:s20+$0x56E0] =	vst v1  }
0x38: {  	s19 =	simm.s32 $0x0;
	[tilespmem:s20+$0x56F0] =	vst v1;
	s20 =	simm.s32 $0x0  }
.LBB2_41:
0x39: {  	s20 =	sadd.s32 $0x1, s20  }
0x3a: {  	p0 =	seq.s32 s20, $0xC8  }
.Ltmp4:
0x3b: {  	_ = 	snop;
	(pc) =	sbr.rel @p0 .LBB2_42-.Ltmp4, $1  }
0x3c: {  	_ =	sdelay $0x3  }
.LBB2_4:
0x3d: {  	s21 =	smul.u32 $0x640, s20;
	_ =	sdelay $0x1  }
0x3e: {  	s22 =	sshrl.u32 s21, $0x3  }
0x3f: {  	s22 =	sadd.s32 s2, s22  }
0x40: {  	[tilespmem:s12], [sflag:$0x1] =	stream.linear.gather [hbm4b:s22+s19], $0x640, $0x38;
	[tilespmem:$0x19E80] =	vst v63  }
0x41: {  	_ =	swait.ge [sflag:s13], $0x640  }
0x42: {  	[sflag:s13] =	ssyncset.done $0x0  }
0x43: {  	[sflag:s13] =	ssyncadd.s32 $0xFFFFF9C0  }
0x44: {  	v3 =	vld [tilespmem:$0x5000]  }
0x45: {  	v4 =	vld [tilespmem:$0x5630];
	_ =	sdelay $0x3  }
0x46: {  	v3 =	vxor.u32 $0x80000000, v3  }
0x47: {  	(xrf0) =	vmin.scan.msk.u32 $0xffff, v3;
	v3 =	vxor.u32 $0x80000000, v4  }
0x48: {  	(xrf0) =	vmax.scan.msk.u32 $0xffff, v3;
	_ =	sdelay $0x4  }
0x49: {  	v3, _, _ =	vpop (xrf0)  }
0x4a: {  	(v2sf) =	vpush v3, $0xF;
	v3, _, _ =	vpop (xrf0)  }
0x4b: {  	(v2sf) =	vpush v3, $0xF;
	_ =	sdelay $0xd  }
0x4c: {  	s31 =	spop (v2sf)  }
0x4d: {  	s22 =	sxor.u32 $0x80000000, s31;
	s23 =	spop (v2sf)  }
0x4e: {  	s23 =	sxor.u32 $0x80000000, s23;
	p0 =	sge.s32 s22, s6  }
0x4f: {  	p1 =	slt.s32 @!p0 s23, s3  }
0x50: {  	p0 =	por p0, p1  }
.Ltmp5:
0x51: {  	_ = 	snop;
	(pc) =	sbr.rel @!p0 .LBB2_5-.Ltmp5, $4  }
.Ltmp6:
0x52: {  	_ = 	snop;
	(pc) =	sbr.rel @p0 .LBB2_41-.Ltmp6, $4  }
0x53: {  	_ = 	snop  }
0x54: {  	_ = 	snop  }
0x55: {  	s22 =	simm.s32 $0x0  }
0x56: {  	_ = 	snop  }
.LBB2_40:
0x57: {  	s22 =	sadd.s32 $0x1, s22  }
0x58: {  	p0 =	sne.s32 s22, $0x14  }
.Ltmp7:
0x59: {  	_ = 	snop;
	(pc) =	sbr.rel @!p0 .LBB2_41-.Ltmp7, $1  }
0x5a: {  	_ =	sdelay $0x3  }
.LBB2_5:
0x5b: {  	s24 =	smul.u32 $0x50, s22;
	_ =	sdelay $0x1  }
0x5c: {  	v3 =	vld [tilespmem:s24+$0x5000]  }
0x5d: {  	v4 =	vld [tilespmem:s24+$0x5040];
	_ =	sdelay $0x3  }
0x5e: {  	v3 =	vxor.u32 $0x80000000, v3  }
0x5f: {  	(xrf0) =	vmin.scan.msk.u32 $0xffff, v3;
	v3 =	vxor.u32 $0x80000000, v4  }
0x60: {  	(xrf0) =	vmax.scan.msk.u32 $0xffff, v3;
	_ =	sdelay $0x4  }
0x61: {  	v3, _, _ =	vpop (xrf0)  }
0x62: {  	(v2sf) =	vpush v3, $0xF;
	v3, _, _ =	vpop (xrf0)  }
0x63: {  	(v2sf) =	vpush v3, $0xF;
	_ =	sdelay $0xd  }
0x64: {  	s23 =	spop (v2sf)  }
0x65: {  	s23 =	sxor.u32 $0x80000000, s23;
	s25 =	spop (v2sf)  }
0x66: {  	s25 =	sxor.u32 $0x80000000, s25;
	p0 =	sge.s32 s23, s6  }
0x67: {  	p1 =	slt.s32 @!p0 s25, s3  }
0x68: {  	p0 =	por p0, p1  }
.Ltmp8:
0x69: {  	_ = 	snop;
	(pc) =	sbr.rel @p0 .LBB2_40-.Ltmp8, $1  }
0x6a: {  	_ =	sdelay $0x3  }
0x6b: {  	s23 =	sadd.s32 s21, s24  }
0x6c: {  	s23 =	sshll.u32 s23, $0x5  }
0x6d: {  	s25 =	sadd.s32 s5, s23;
	s23 =	simm.s32 $0x0  }
0x6e: {  	[tilespmem:s23], [sflag:$0x1] =	stream.linear.gather [hbm4b:s25+s23], $0x5000, $0x38;
	[tilespmem:$0x19E80] =	vst v63  }
0x6f: {  	_ =	swait.ge [sflag:s13], $0x5000  }
0x70: {  	s31 =	sadd.s32 $0x5000, s24;
	[sflag:s13] =	ssyncset.done $0x0  }
0x71: {  	s24 =	simm.s32 $0x0;
	v3 =	vmov s31;
	[sflag:s13] =	ssyncadd.s32 $0xFFFFB000  }
.LBB2_7:
0x72: {  	_ =	sdelay $0x1  }
0x73: {  	s25 =	sshll.u32 s24, $0x4  }
0x74: {  	s25 =	sand.u32 $0x3FFFFFF0, s25  }
0x75: {  	v4 =	vld.idx.msk [tilespmem:v3+s25+$0x0 ss:$0x1], $0xffff;
	_ =	sdelay $0x4  }
0x76: {  	v4 =	vsub.s32 v4, v0  }
0x77: {  	v4 =	vmin.u32 v4, $0x140  }
0x78: {  	v5 =	vnsel vm0, $0x0, v4  }
0x79: {  	(xrf0) =	vadd.scan.msk.s32 $0xffff, v5;
	_ =	sdelay $0x5  }
0x7a: {  	v5, _, _ =	vpop (xrf0)  }
0x7b: {  	v5 =	vbroadcast v5, $0xF;
	_ =	sdelay $0x1  }
0x7c: {  	s31 =	sshll.u32 s24, $0xC;
	v7 =	vmov s23;
	v6 =	vshll.u32 v5, $0x8;
	v5 =	vshll.u32 v5, $0x7  }
0x7d: {  	s26 =	sand.u32 $0x400, s23;
	v8 =	vshll.u32 v7, $0x3;
	s25 =	sand.u32 $0x3FFFF000, s31;
	v6 =	vand.u32 $0xFFFFF800, v6;
	v5 =	vand.u32 $0x380, v5  }
0x7e: {  	s28 =	sand.u32 $0x70, s23;
	s26 =	sadd.s32 s26, s25;
	v7 =	vor.u32 v6, v5;
	v5 =	vor.u32 s23, v2;
	v6 =	vand.u32 $0x400, v8  }
0x7f: {  	s28 =	sadd.s32 s28, s26;
	v8 =	vand.u32 $0x7F, v5;
	v6 =	vor.u32 v6, v7  }
0x80: {  	s26 =	simm.s32 $0x10;
	v5 =	vld [tilespmem:s28+$0x0];
	s28 =	simm.s32 $0x0;
	v6 =	vor.u32 v8, v6  }
.LBB2_8:
0x81: {  	p0 =	sne.s32 s26, $0x80;
	s28 =	sadd.s32 $0x80, s28  }
.Ltmp9:
0x82: {  	v8 =	vmov s26;
	s29 =	smov.u32 s26;
	s26 =	sadd.s32 $0x10, s26;
	(pc) =	sbr.rel @p0 .LBB2_8-.Ltmp9, $4  }
0x83: {  	s30 =	sand.u32 $0x400, s28;
	v8 =	vshll.u32 v8, $0x3  }
0x84: {  	s31 =	sand.u32 $0x70, s29;
	v9 =	vor.u32 s29, v2;
	s30 =	sadd.s32 s30, s25;
	v8 =	vand.u32 $0x400, v8  }
0x85: {  	v9 =	vand.u32 $0x7F, v9;
	s29 =	sadd.s32 s31, s30;
	v8 =	vor.u32 v8, v7;
	[tilespmem:v6+s14+$0x0] =	vst.idx.add.f32.msk $0xffff, v5  }
0x86: {  	v6 =	vor.u32 v9, v8;
	v5 =	vld [tilespmem:s29+$0x0]  }
0x87: {  	v7 =	vsel vm1, $0x0, v4  }
0x88: {  	(xrf0) =	vadd.scan.msk.s32 $0xffff, v7;
	_ =	sdelay $0x5  }
0x89: {  	v7, _, _ =	vpop (xrf0)  }
0x8a: {  	v7 =	vbroadcast v7, $0xF  }
0x8b: {  	s26 =	simm.s32 $0x0  }
0x8c: {  	v9 =	vmov s26;
	v8 =	vshll.u32 v7, $0x8;
	v7 =	vshll.u32 v7, $0x7  }
0x8d: {  	s28 =	sand.u32 $0x400, s26;
	v9 =	vshll.u32 v9, $0x3;
	v8 =	vand.u32 $0xFFFFF800, v8;
	v7 =	vand.u32 $0x380, v7  }
0x8e: {  	s29 =	sand.u32 $0x70, s26;
	s28 =	sadd.s32 s28, s25;
	v9 =	vand.u32 $0x400, v9;
	v7 =	vor.u32 v8, v7;
	v8 =	vor.u32 s26, v2  }
0x8f: {  	s29 =	sadd.s32 s29, s28;
	[tilespmem:v6+s14+$0x0] =	vst.idx.add.f32.msk $0xffff, v5;
	v6 =	vand.u32 $0x7F, v8;
	v8 =	vor.u32 v9, v7  }
0x90: {  	s28 =	simm.s32 $0x10;
	v5 =	vld [tilespmem:s29+$0x80];
	v6 =	vor.u32 v6, v8  }
.LBB2_10:
0x91: {  	p0 =	sne.s32 s28, $0x80;
	s26 =	sadd.s32 $0x80, s26  }
.Ltmp10:
0x92: {  	v8 =	vmov s28;
	s29 =	smov.u32 s28;
	s28 =	sadd.s32 $0x10, s28;
	(pc) =	sbr.rel @p0 .LBB2_10-.Ltmp10, $4  }
0x93: {  	s30 =	sand.u32 $0x400, s26;
	v8 =	vshll.u32 v8, $0x3  }
0x94: {  	s31 =	sand.u32 $0x70, s29;
	v9 =	vor.u32 s29, v2;
	s30 =	sadd.s32 s30, s25;
	v8 =	vand.u32 $0x400, v8  }
0x95: {  	v9 =	vand.u32 $0x7F, v9;
	s29 =	sadd.s32 s31, s30;
	v8 =	vor.u32 v8, v7;
	[tilespmem:v6+s14+$0x0] =	vst.idx.add.f32.msk $0xffff, v5  }
0x96: {  	v6 =	vor.u32 v9, v8;
	v5 =	vld [tilespmem:s29+$0x80]  }
0x97: {  	v7 =	vsel vm2, $0x0, v4  }
0x98: {  	(xrf0) =	vadd.scan.msk.s32 $0xffff, v7;
	_ =	sdelay $0x5  }
0x99: {  	v7, _, _ =	vpop (xrf0)  }
0x9a: {  	v7 =	vbroadcast v7, $0xF  }
0x9b: {  	s26 =	simm.s32 $0x0  }
0x9c: {  	v9 =	vmov s26;
	v8 =	vshll.u32 v7, $0x8;
	v7 =	vshll.u32 v7, $0x7  }
0x9d: {  	s28 =	sand.u32 $0x400, s26;
	v9 =	vshll.u32 v9, $0x3;
	v8 =	vand.u32 $0xFFFFF800, v8;
	v7 =	vand.u32 $0x380, v7  }
0x9e: {  	s29 =	sand.u32 $0x70, s26;
	s28 =	sadd.s32 s28, s25;
	v9 =	vand.u32 $0x400, v9;
	v7 =	vor.u32 v8, v7;
	v8 =	vor.u32 s26, v2  }
0x9f: {  	s29 =	sadd.s32 s29, s28;
	[tilespmem:v6+s14+$0x0] =	vst.idx.add.f32.msk $0xffff, v5;
	v6 =	vand.u32 $0x7F, v8;
	v8 =	vor.u32 v9, v7  }
0xa0: {  	s28 =	simm.s32 $0x10;
	v5 =	vld [tilespmem:s29+$0x100];
	v6 =	vor.u32 v6, v8  }
.LBB2_12:
0xa1: {  	p0 =	sne.s32 s28, $0x80;
	s26 =	sadd.s32 $0x80, s26  }
.Ltmp11:
0xa2: {  	v8 =	vmov s28;
	s29 =	smov.u32 s28;
	s28 =	sadd.s32 $0x10, s28;
	(pc) =	sbr.rel @p0 .LBB2_12-.Ltmp11, $4  }
0xa3: {  	s30 =	sand.u32 $0x400, s26;
	v8 =	vshll.u32 v8, $0x3  }
0xa4: {  	s31 =	sand.u32 $0x70, s29;
	v9 =	vor.u32 s29, v2;
	s30 =	sadd.s32 s30, s25;
	v8 =	vand.u32 $0x400, v8  }
0xa5: {  	v9 =	vand.u32 $0x7F, v9;
	s29 =	sadd.s32 s31, s30;
	v8 =	vor.u32 v8, v7;
	[tilespmem:v6+s14+$0x0] =	vst.idx.add.f32.msk $0xffff, v5  }
0xa6: {  	v6 =	vor.u32 v9, v8;
	v5 =	vld [tilespmem:s29+$0x100]  }
0xa7: {  	v7 =	vsel vm3, $0x0, v4  }
0xa8: {  	(xrf0) =	vadd.scan.msk.s32 $0xffff, v7;
	_ =	sdelay $0x5  }
0xa9: {  	v7, _, _ =	vpop (xrf0)  }
0xaa: {  	v7 =	vbroadcast v7, $0xF  }
0xab: {  	s26 =	simm.s32 $0x0  }
0xac: {  	v9 =	vmov s26;
	v8 =	vshll.u32 v7, $0x8;
	v7 =	vshll.u32 v7, $0x7  }
0xad: {  	s28 =	sand.u32 $0x400, s26;
	v9 =	vshll.u32 v9, $0x3;
	v8 =	vand.u32 $0xFFFFF800, v8;
	v7 =	vand.u32 $0x380, v7  }
0xae: {  	s29 =	sand.u32 $0x70, s26;
	s28 =	sadd.s32 s28, s25;
	v9 =	vand.u32 $0x400, v9;
	v7 =	vor.u32 v8, v7;
	v8 =	vor.u32 s26, v2  }
0xaf: {  	s29 =	sadd.s32 s29, s28;
	[tilespmem:v6+s14+$0x0] =	vst.idx.add.f32.msk $0xffff, v5;
	v6 =	vand.u32 $0x7F, v8;
	v8 =	vor.u32 v9, v7  }
0xb0: {  	s28 =	simm.s32 $0x10;
	v5 =	vld [tilespmem:s29+$0x180];
	v6 =	vor.u32 v6, v8  }
.LBB2_14:
0xb1: {  	p0 =	sne.s32 s28, $0x80;
	s26 =	sadd.s32 $0x80, s26  }
.Ltmp12:
0xb2: {  	v8 =	vmov s28;
	s29 =	smov.u32 s28;
	s28 =	sadd.s32 $0x10, s28;
	(pc) =	sbr.rel @p0 .LBB2_14-.Ltmp12, $4  }
0xb3: {  	s30 =	sand.u32 $0x400, s26;
	v8 =	vshll.u32 v8, $0x3  }
0xb4: {  	s31 =	sand.u32 $0x70, s29;
	v9 =	vor.u32 s29, v2;
	s30 =	sadd.s32 s30, s25;
	v8 =	vand.u32 $0x400, v8  }
0xb5: {  	v9 =	vand.u32 $0x7F, v9;
	s29 =	sadd.s32 s31, s30;
	v8 =	vor.u32 v8, v7;
	[tilespmem:v6+s14+$0x0] =	vst.idx.add.f32.msk $0xffff, v5  }
0xb6: {  	v6 =	vor.u32 v9, v8;
	v5 =	vld [tilespmem:s29+$0x180]  }
0xb7: {  	v7 =	vsel vm4, $0x0, v4  }
0xb8: {  	(xrf0) =	vadd.scan.msk.s32 $0xffff, v7;
	_ =	sdelay $0x5  }
0xb9: {  	v7, _, _ =	vpop (xrf0)  }
0xba: {  	v7 =	vbroadcast v7, $0xF  }
0xbb: {  	s26 =	simm.s32 $0x0  }
0xbc: {  	v9 =	vmov s26;
	v8 =	vshll.u32 v7, $0x8;
	v7 =	vshll.u32 v7, $0x7  }
0xbd: {  	s28 =	sand.u32 $0x400, s26;
	v9 =	vshll.u32 v9, $0x3;
	v8 =	vand.u32 $0xFFFFF800, v8;
	v7 =	vand.u32 $0x380, v7  }
0xbe: {  	s29 =	sand.u32 $0x70, s26;
	s28 =	sadd.s32 s28, s25;
	v9 =	vand.u32 $0x400, v9;
	v7 =	vor.u32 v8, v7;
	v8 =	vor.u32 s26, v2  }
0xbf: {  	s29 =	sadd.s32 s29, s28;
	[tilespmem:v6+s14+$0x0] =	vst.idx.add.f32.msk $0xffff, v5;
	v6 =	vand.u32 $0x7F, v8;
	v8 =	vor.u32 v9, v7  }
0xc0: {  	s28 =	simm.s32 $0x10;
	v5 =	vld [tilespmem:s29+$0x200];
	v6 =	vor.u32 v6, v8  }
.LBB2_16:
0xc1: {  	p0 =	sne.s32 s28, $0x80;
	s26 =	sadd.s32 $0x80, s26  }
.Ltmp13:
0xc2: {  	v8 =	vmov s28;
	s29 =	smov.u32 s28;
	s28 =	sadd.s32 $0x10, s28;
	(pc) =	sbr.rel @p0 .LBB2_16-.Ltmp13, $4  }
0xc3: {  	s30 =	sand.u32 $0x400, s26;
	v8 =	vshll.u32 v8, $0x3  }
0xc4: {  	s31 =	sand.u32 $0x70, s29;
	v9 =	vor.u32 s29, v2;
	s30 =	sadd.s32 s30, s25;
	v8 =	vand.u32 $0x400, v8  }
0xc5: {  	v9 =	vand.u32 $0x7F, v9;
	s29 =	sadd.s32 s31, s30;
	v8 =	vor.u32 v8, v7;
	[tilespmem:v6+s14+$0x0] =	vst.idx.add.f32.msk $0xffff, v5  }
0xc6: {  	v6 =	vor.u32 v9, v8;
	v5 =	vld [tilespmem:s29+$0x200]  }
0xc7: {  	v7 =	vsel vm5, $0x0, v4  }
0xc8: {  	(xrf0) =	vadd.scan.msk.s32 $0xffff, v7;
	_ =	sdelay $0x5  }
0xc9: {  	v7, _, _ =	vpop (xrf0)  }
0xca: {  	v7 =	vbroadcast v7, $0xF  }
0xcb: {  	s26 =	simm.s32 $0x0  }
0xcc: {  	v9 =	vmov s26;
	v8 =	vshll.u32 v7, $0x8;
	v7 =	vshll.u32 v7, $0x7  }
0xcd: {  	s28 =	sand.u32 $0x400, s26;
	v9 =	vshll.u32 v9, $0x3;
	v8 =	vand.u32 $0xFFFFF800, v8;
	v7 =	vand.u32 $0x380, v7  }
0xce: {  	s29 =	sand.u32 $0x70, s26;
	s28 =	sadd.s32 s28, s25;
	v9 =	vand.u32 $0x400, v9;
	v7 =	vor.u32 v8, v7;
	v8 =	vor.u32 s26, v2  }
0xcf: {  	s29 =	sadd.s32 s29, s28;
	[tilespmem:v6+s14+$0x0] =	vst.idx.add.f32.msk $0xffff, v5;
	v6 =	vand.u32 $0x7F, v8;
	v8 =	vor.u32 v9, v7  }
0xd0: {  	s28 =	simm.s32 $0x10;
	v5 =	vld [tilespmem:s29+$0x280];
	v6 =	vor.u32 v6, v8  }
.LBB2_18:
0xd1: {  	p0 =	sne.s32 s28, $0x80;
	s26 =	sadd.s32 $0x80, s26  }
.Ltmp14:
0xd2: {  	v8 =	vmov s28;
	s29 =	smov.u32 s28;
	s28 =	sadd.s32 $0x10, s28;
	(pc) =	sbr.rel @p0 .LBB2_18-.Ltmp14, $4  }
0xd3: {  	s30 =	sand.u32 $0x400, s26;
	v8 =	vshll.u32 v8, $0x3  }
0xd4: {  	s31 =	sand.u32 $0x70, s29;
	v9 =	vor.u32 s29, v2;
	s30 =	sadd.s32 s30, s25;
	v8 =	vand.u32 $0x400, v8  }
0xd5: {  	v9 =	vand.u32 $0x7F, v9;
	s29 =	sadd.s32 s31, s30;
	v8 =	vor.u32 v8, v7;
	[tilespmem:v6+s14+$0x0] =	vst.idx.add.f32.msk $0xffff, v5  }
0xd6: {  	v6 =	vor.u32 v9, v8;
	v5 =	vld [tilespmem:s29+$0x280]  }
0xd7: {  	v7 =	vsel vm6, $0x0, v4  }
0xd8: {  	(xrf0) =	vadd.scan.msk.s32 $0xffff, v7;
	_ =	sdelay $0x5  }
0xd9: {  	v7, _, _ =	vpop (xrf0)  }
0xda: {  	v7 =	vbroadcast v7, $0xF  }
0xdb: {  	s26 =	simm.s32 $0x0  }
0xdc: {  	v9 =	vmov s26;
	v8 =	vshll.u32 v7, $0x8;
	v7 =	vshll.u32 v7, $0x7  }
0xdd: {  	s28 =	sand.u32 $0x400, s26;
	v9 =	vshll.u32 v9, $0x3;
	v8 =	vand.u32 $0xFFFFF800, v8;
	v7 =	vand.u32 $0x380, v7  }
0xde: {  	s29 =	sand.u32 $0x70, s26;
	s28 =	sadd.s32 s28, s25;
	v9 =	vand.u32 $0x400, v9;
	v7 =	vor.u32 v8, v7;
	v8 =	vor.u32 s26, v2  }
0xdf: {  	s29 =	sadd.s32 s29, s28;
	[tilespmem:v6+s14+$0x0] =	vst.idx.add.f32.msk $0xffff, v5;
	v6 =	vand.u32 $0x7F, v8;
	v8 =	vor.u32 v9, v7  }
0xe0: {  	s28 =	simm.s32 $0x10;
	v5 =	vld [tilespmem:s29+$0x300];
	v6 =	vor.u32 v6, v8  }
.LBB2_20:
0xe1: {  	p0 =	sne.s32 s28, $0x80;
	s26 =	sadd.s32 $0x80, s26  }
.Ltmp15:
0xe2: {  	v8 =	vmov s28;
	s29 =	smov.u32 s28;
	s28 =	sadd.s32 $0x10, s28;
	(pc) =	sbr.rel @p0 .LBB2_20-.Ltmp15, $4  }
0xe3: {  	s30 =	sand.u32 $0x400, s26;
	v8 =	vshll.u32 v8, $0x3  }
0xe4: {  	s31 =	sand.u32 $0x70, s29;
	v9 =	vor.u32 s29, v2;
	s30 =	sadd.s32 s30, s25;
	v8 =	vand.u32 $0x400, v8  }
0xe5: {  	v9 =	vand.u32 $0x7F, v9;
	s29 =	sadd.s32 s31, s30;
	v8 =	vor.u32 v8, v7;
	[tilespmem:v6+s14+$0x0] =	vst.idx.add.f32.msk $0xffff, v5  }
0xe6: {  	v6 =	vor.u32 v9, v8;
	v5 =	vld [tilespmem:s29+$0x300]  }
0xe7: {  	v7 =	vsel vm7, $0x0, v4  }
0xe8: {  	(xrf0) =	vadd.scan.msk.s32 $0xffff, v7;
	_ =	sdelay $0x5  }
0xe9: {  	v7, _, _ =	vpop (xrf0)  }
0xea: {  	v7 =	vbroadcast v7, $0xF  }
0xeb: {  	s26 =	simm.s32 $0x0  }
0xec: {  	v9 =	vmov s26;
	v8 =	vshll.u32 v7, $0x8;
	v7 =	vshll.u32 v7, $0x7  }
0xed: {  	s28 =	sand.u32 $0x400, s26;
	v9 =	vshll.u32 v9, $0x3;
	v8 =	vand.u32 $0xFFFFF800, v8;
	v7 =	vand.u32 $0x380, v7  }
0xee: {  	s29 =	sand.u32 $0x70, s26;
	s28 =	sadd.s32 s28, s25;
	v9 =	vand.u32 $0x400, v9;
	v7 =	vor.u32 v8, v7;
	v8 =	vor.u32 s26, v2  }
0xef: {  	s29 =	sadd.s32 s29, s28;
	[tilespmem:v6+s14+$0x0] =	vst.idx.add.f32.msk $0xffff, v5;
	v6 =	vand.u32 $0x7F, v8;
	v8 =	vor.u32 v9, v7  }
0xf0: {  	s28 =	simm.s32 $0x10;
	v5 =	vld [tilespmem:s29+$0x380];
	v6 =	vor.u32 v6, v8  }
.LBB2_22:
0xf1: {  	p0 =	sne.s32 s28, $0x80;
	s26 =	sadd.s32 $0x80, s26  }
.Ltmp16:
0xf2: {  	v8 =	vmov s28;
	s29 =	smov.u32 s28;
	s28 =	sadd.s32 $0x10, s28;
	(pc) =	sbr.rel @p0 .LBB2_22-.Ltmp16, $4  }
0xf3: {  	s30 =	sand.u32 $0x400, s26;
	v8 =	vshll.u32 v8, $0x3  }
0xf4: {  	s31 =	sand.u32 $0x70, s29;
	v9 =	vor.u32 s29, v2;
	s30 =	sadd.s32 s30, s25;
	v8 =	vand.u32 $0x400, v8  }
0xf5: {  	v9 =	vand.u32 $0x7F, v9;
	s29 =	sadd.s32 s31, s30;
	v8 =	vor.u32 v8, v7;
	[tilespmem:v6+s14+$0x0] =	vst.idx.add.f32.msk $0xffff, v5  }
0xf6: {  	v6 =	vor.u32 v9, v8;
	v5 =	vld [tilespmem:s29+$0x380]  }
0xf7: {  	v7 =	vsel vm8, $0x0, v4  }
0xf8: {  	(xrf0) =	vadd.scan.msk.s32 $0xffff, v7;
	_ =	sdelay $0x5  }
0xf9: {  	v7, _, _ =	vpop (xrf0)  }
0xfa: {  	v7 =	vbroadcast v7, $0xF  }
0xfb: {  	s26 =	simm.s32 $0x0  }
0xfc: {  	v9 =	vmov s26;
	v8 =	vshll.u32 v7, $0x8;
	v7 =	vshll.u32 v7, $0x7  }
0xfd: {  	s28 =	sadd.s32 $0x800, s25;
	s29 =	sand.u32 $0x400, s26;
	v9 =	vshll.u32 v9, $0x3;
	v8 =	vand.u32 $0xFFFFF800, v8;
	v7 =	vand.u32 $0x380, v7  }
0xfe: {  	s30 =	sand.u32 $0x70, s26;
	s29 =	sadd.s32 s29, s28;
	v9 =	vand.u32 $0x400, v9;
	v7 =	vor.u32 v8, v7;
	v8 =	vor.u32 s26, v2  }
0xff: {  	s30 =	sadd.s32 s30, s29;
	[tilespmem:v6+s14+$0x0] =	vst.idx.add.f32.msk $0xffff, v5;
	v6 =	vand.u32 $0x7F, v8;
	v8 =	vor.u32 v9, v7  }
0x100: {  	s29 =	simm.s32 $0x10;
	v5 =	vld [tilespmem:s30+$0x0];
	v6 =	vor.u32 v6, v8  }
.LBB2_24:
0x101: {  	p0 =	sne.s32 s29, $0x80;
	s26 =	sadd.s32 $0x80, s26  }
.Ltmp17:
0x102: {  	v8 =	vmov s29;
	s30 =	smov.u32 s29;
	s29 =	sadd.s32 $0x10, s29;
	(pc) =	sbr.rel @p0 .LBB2_24-.Ltmp17, $4  }
0x103: {  	s31 =	sand.u32 $0x400, s26;
	v8 =	vshll.u32 v8, $0x3  }
0x104: {  	s1 =	sand.u32 $0x70, s30;
	v9 =	vor.u32 s30, v2;
	s31 =	sadd.s32 s31, s28;
	v8 =	vand.u32 $0x400, v8  }
0x105: {  	v9 =	vand.u32 $0x7F, v9;
	s1 =	sadd.s32 s1, s31;
	v8 =	vor.u32 v8, v7;
	[tilespmem:v6+s14+$0x0] =	vst.idx.add.f32.msk $0xffff, v5  }
0x106: {  	v6 =	vor.u32 v9, v8;
	v5 =	vld [tilespmem:s1+$0x0]  }
0x107: {  	v7 =	vsel vm9, $0x0, v4  }
0x108: {  	(xrf0) =	vadd.scan.msk.s32 $0xffff, v7;
	_ =	sdelay $0x5  }
0x109: {  	v7, _, _ =	vpop (xrf0)  }
0x10a: {  	v7 =	vbroadcast v7, $0xF  }
0x10b: {  	s26 =	simm.s32 $0x0  }
0x10c: {  	v9 =	vmov s26;
	v8 =	vshll.u32 v7, $0x8;
	v7 =	vshll.u32 v7, $0x7  }
0x10d: {  	s1 =	sand.u32 $0x400, s26;
	v9 =	vshll.u32 v9, $0x3;
	v8 =	vand.u32 $0xFFFFF800, v8;
	v7 =	vand.u32 $0x380, v7  }
0x10e: {  	s28 =	sand.u32 $0x70, s26;
	s1 =	sadd.s32 s1, s25;
	v9 =	vand.u32 $0x400, v9;
	v7 =	vor.u32 v8, v7;
	v8 =	vor.u32 s26, v2  }
0x10f: {  	s1 =	sadd.s32 s28, s1;
	[tilespmem:v6+s14+$0x0] =	vst.idx.add.f32.msk $0xffff, v5;
	v6 =	vand.u32 $0x7F, v8;
	v8 =	vor.u32 v9, v7  }
0x110: {  	s28 =	simm.s32 $0x10;
	v5 =	vld [tilespmem:s1+$0x880];
	v6 =	vor.u32 v6, v8  }
.LBB2_26:
0x111: {  	p0 =	sne.s32 s28, $0x80;
	s26 =	sadd.s32 $0x80, s26  }
.Ltmp18:
0x112: {  	v8 =	vmov s28;
	s1 =	smov.u32 s28;
	s28 =	sadd.s32 $0x10, s28;
	(pc) =	sbr.rel @p0 .LBB2_26-.Ltmp18, $4  }
0x113: {  	s29 =	sand.u32 $0x400, s26;
	v8 =	vshll.u32 v8, $0x3  }
0x114: {  	s30 =	sand.u32 $0x70, s1;
	v9 =	vor.u32 s1, v2;
	s29 =	sadd.s32 s29, s25;
	v8 =	vand.u32 $0x400, v8  }
0x115: {  	v9 =	vand.u32 $0x7F, v9;
	s1 =	sadd.s32 s30, s29;
	v8 =	vor.u32 v8, v7;
	[tilespmem:v6+s14+$0x0] =	vst.idx.add.f32.msk $0xffff, v5  }
0x116: {  	v6 =	vor.u32 v9, v8;
	v5 =	vld [tilespmem:s1+$0x880]  }
0x117: {  	v7 =	vsel vm10, $0x0, v4  }
0x118: {  	(xrf0) =	vadd.scan.msk.s32 $0xffff, v7;
	_ =	sdelay $0x5  }
0x119: {  	v7, _, _ =	vpop (xrf0)  }
0x11a: {  	v7 =	vbroadcast v7, $0xF  }
0x11b: {  	s26 =	simm.s32 $0x0  }
0x11c: {  	v9 =	vmov s26;
	v8 =	vshll.u32 v7, $0x8;
	v7 =	vshll.u32 v7, $0x7  }
0x11d: {  	s1 =	sand.u32 $0x400, s26;
	v9 =	vshll.u32 v9, $0x3;
	v8 =	vand.u32 $0xFFFFF800, v8;
	v7 =	vand.u32 $0x380, v7  }
0x11e: {  	s28 =	sand.u32 $0x70, s26;
	s1 =	sadd.s32 s1, s25;
	v9 =	vand.u32 $0x400, v9;
	v7 =	vor.u32 v8, v7;
	v8 =	vor.u32 s26, v2  }
0x11f: {  	s1 =	sadd.s32 s28, s1;
	[tilespmem:v6+s14+$0x0] =	vst.idx.add.f32.msk $0xffff, v5;
	v6 =	vand.u32 $0x7F, v8;
	v8 =	vor.u32 v9, v7  }
0x120: {  	s28 =	simm.s32 $0x10;
	v5 =	vld [tilespmem:s1+$0x900];
	v6 =	vor.u32 v6, v8  }
.LBB2_28:
0x121: {  	p0 =	sne.s32 s28, $0x80;
	s26 =	sadd.s32 $0x80, s26  }
.Ltmp19:
0x122: {  	v8 =	vmov s28;
	s1 =	smov.u32 s28;
	s28 =	sadd.s32 $0x10, s28;
	(pc) =	sbr.rel @p0 .LBB2_28-.Ltmp19, $4  }
0x123: {  	s29 =	sand.u32 $0x400, s26;
	v8 =	vshll.u32 v8, $0x3  }
0x124: {  	s30 =	sand.u32 $0x70, s1;
	v9 =	vor.u32 s1, v2;
	s29 =	sadd.s32 s29, s25;
	v8 =	vand.u32 $0x400, v8  }
0x125: {  	v9 =	vand.u32 $0x7F, v9;
	s1 =	sadd.s32 s30, s29;
	v8 =	vor.u32 v8, v7;
	[tilespmem:v6+s14+$0x0] =	vst.idx.add.f32.msk $0xffff, v5  }
0x126: {  	v6 =	vor.u32 v9, v8;
	v5 =	vld [tilespmem:s1+$0x900]  }
0x127: {  	v7 =	vsel vm11, $0x0, v4  }
0x128: {  	(xrf0) =	vadd.scan.msk.s32 $0xffff, v7;
	_ =	sdelay $0x5  }
0x129: {  	v7, _, _ =	vpop (xrf0)  }
0x12a: {  	v7 =	vbroadcast v7, $0xF  }
0x12b: {  	s26 =	simm.s32 $0x0  }
0x12c: {  	v9 =	vmov s26;
	v8 =	vshll.u32 v7, $0x8;
	v7 =	vshll.u32 v7, $0x7  }
0x12d: {  	s1 =	sand.u32 $0x400, s26;
	v9 =	vshll.u32 v9, $0x3;
	v8 =	vand.u32 $0xFFFFF800, v8;
	v7 =	vand.u32 $0x380, v7  }
0x12e: {  	s28 =	sand.u32 $0x70, s26;
	s1 =	sadd.s32 s1, s25;
	v9 =	vand.u32 $0x400, v9;
	v7 =	vor.u32 v8, v7;
	v8 =	vor.u32 s26, v2  }
0x12f: {  	s1 =	sadd.s32 s28, s1;
	[tilespmem:v6+s14+$0x0] =	vst.idx.add.f32.msk $0xffff, v5;
	v6 =	vand.u32 $0x7F, v8;
	v8 =	vor.u32 v9, v7  }
0x130: {  	s28 =	simm.s32 $0x10;
	v5 =	vld [tilespmem:s1+$0x980];
	v6 =	vor.u32 v6, v8  }
.LBB2_30:
0x131: {  	p0 =	sne.s32 s28, $0x80;
	s26 =	sadd.s32 $0x80, s26  }
.Ltmp20:
0x132: {  	v8 =	vmov s28;
	s1 =	smov.u32 s28;
	s28 =	sadd.s32 $0x10, s28;
	(pc) =	sbr.rel @p0 .LBB2_30-.Ltmp20, $4  }
0x133: {  	s29 =	sand.u32 $0x400, s26;
	v8 =	vshll.u32 v8, $0x3  }
0x134: {  	s30 =	sand.u32 $0x70, s1;
	v9 =	vor.u32 s1, v2;
	s29 =	sadd.s32 s29, s25;
	v8 =	vand.u32 $0x400, v8  }
0x135: {  	v9 =	vand.u32 $0x7F, v9;
	s1 =	sadd.s32 s30, s29;
	v8 =	vor.u32 v8, v7;
	[tilespmem:v6+s14+$0x0] =	vst.idx.add.f32.msk $0xffff, v5  }
0x136: {  	v6 =	vor.u32 v9, v8;
	v5 =	vld [tilespmem:s1+$0x980]  }
0x137: {  	v7 =	vsel vm12, $0x0, v4  }
0x138: {  	(xrf0) =	vadd.scan.msk.s32 $0xffff, v7;
	_ =	sdelay $0x5  }
0x139: {  	v7, _, _ =	vpop (xrf0)  }
0x13a: {  	v7 =	vbroadcast v7, $0xF  }
0x13b: {  	s26 =	simm.s32 $0x0  }
0x13c: {  	v9 =	vmov s26;
	v8 =	vshll.u32 v7, $0x8;
	v7 =	vshll.u32 v7, $0x7  }
0x13d: {  	s1 =	sand.u32 $0x400, s26;
	v9 =	vshll.u32 v9, $0x3;
	v8 =	vand.u32 $0xFFFFF800, v8;
	v7 =	vand.u32 $0x380, v7  }
0x13e: {  	s28 =	sand.u32 $0x70, s26;
	s1 =	sadd.s32 s1, s25;
	v9 =	vand.u32 $0x400, v9;
	v7 =	vor.u32 v8, v7;
	v8 =	vor.u32 s26, v2  }
0x13f: {  	s1 =	sadd.s32 s28, s1;
	[tilespmem:v6+s14+$0x0] =	vst.idx.add.f32.msk $0xffff, v5;
	v6 =	vand.u32 $0x7F, v8;
	v8 =	vor.u32 v9, v7  }
0x140: {  	s28 =	simm.s32 $0x10;
	v5 =	vld [tilespmem:s1+$0xA00];
	v6 =	vor.u32 v6, v8  }
.LBB2_32:
0x141: {  	p0 =	sne.s32 s28, $0x80;
	s26 =	sadd.s32 $0x80, s26  }
.Ltmp21:
0x142: {  	v8 =	vmov s28;
	s1 =	smov.u32 s28;
	s28 =	sadd.s32 $0x10, s28;
	(pc) =	sbr.rel @p0 .LBB2_32-.Ltmp21, $4  }
0x143: {  	s29 =	sand.u32 $0x400, s26;
	v8 =	vshll.u32 v8, $0x3  }
0x144: {  	s30 =	sand.u32 $0x70, s1;
	v9 =	vor.u32 s1, v2;
	s29 =	sadd.s32 s29, s25;
	v8 =	vand.u32 $0x400, v8  }
0x145: {  	v9 =	vand.u32 $0x7F, v9;
	s1 =	sadd.s32 s30, s29;
	v8 =	vor.u32 v8, v7;
	[tilespmem:v6+s14+$0x0] =	vst.idx.add.f32.msk $0xffff, v5  }
0x146: {  	v6 =	vor.u32 v9, v8;
	v5 =	vld [tilespmem:s1+$0xA00]  }
0x147: {  	v7 =	vsel vm13, $0x0, v4  }
0x148: {  	(xrf0) =	vadd.scan.msk.s32 $0xffff, v7;
	_ =	sdelay $0x5  }
0x149: {  	v7, _, _ =	vpop (xrf0)  }
0x14a: {  	v7 =	vbroadcast v7, $0xF  }
0x14b: {  	s26 =	simm.s32 $0x0  }
0x14c: {  	v9 =	vmov s26;
	v8 =	vshll.u32 v7, $0x8;
	v7 =	vshll.u32 v7, $0x7  }
0x14d: {  	s1 =	sand.u32 $0x400, s26;
	v9 =	vshll.u32 v9, $0x3;
	v8 =	vand.u32 $0xFFFFF800, v8;
	v7 =	vand.u32 $0x380, v7  }
0x14e: {  	s28 =	sand.u32 $0x70, s26;
	s1 =	sadd.s32 s1, s25;
	v9 =	vand.u32 $0x400, v9;
	v7 =	vor.u32 v8, v7;
	v8 =	vor.u32 s26, v2  }
0x14f: {  	s1 =	sadd.s32 s28, s1;
	[tilespmem:v6+s14+$0x0] =	vst.idx.add.f32.msk $0xffff, v5;
	v6 =	vand.u32 $0x7F, v8;
	v8 =	vor.u32 v9, v7  }
0x150: {  	s28 =	simm.s32 $0x10;
	v5 =	vld [tilespmem:s1+$0xA80];
	v6 =	vor.u32 v6, v8  }
.LBB2_34:
0x151: {  	p0 =	sne.s32 s28, $0x80;
	s26 =	sadd.s32 $0x80, s26  }
.Ltmp22:
0x152: {  	v8 =	vmov s28;
	s1 =	smov.u32 s28;
	s28 =	sadd.s32 $0x10, s28;
	(pc) =	sbr.rel @p0 .LBB2_34-.Ltmp22, $4  }
0x153: {  	s29 =	sand.u32 $0x400, s26;
	v8 =	vshll.u32 v8, $0x3  }
0x154: {  	s30 =	sand.u32 $0x70, s1;
	v9 =	vor.u32 s1, v2;
	s29 =	sadd.s32 s29, s25;
	v8 =	vand.u32 $0x400, v8  }
0x155: {  	v9 =	vand.u32 $0x7F, v9;
	s1 =	sadd.s32 s30, s29;
	v8 =	vor.u32 v8, v7;
	[tilespmem:v6+s14+$0x0] =	vst.idx.add.f32.msk $0xffff, v5  }
0x156: {  	v6 =	vor.u32 v9, v8;
	v5 =	vld [tilespmem:s1+$0xA80]  }
0x157: {  	v7 =	vsel vm14, $0x0, v4  }
0x158: {  	(xrf0) =	vadd.scan.msk.s32 $0xffff, v7;
	_ =	sdelay $0x5  }
0x159: {  	v7, _, _ =	vpop (xrf0)  }
0x15a: {  	v7 =	vbroadcast v7, $0xF  }
0x15b: {  	s26 =	simm.s32 $0x0  }
0x15c: {  	v9 =	vmov s26;
	v8 =	vshll.u32 v7, $0x8;
	v7 =	vshll.u32 v7, $0x7  }
0x15d: {  	s1 =	sand.u32 $0x400, s26;
	v9 =	vshll.u32 v9, $0x3;
	v8 =	vand.u32 $0xFFFFF800, v8;
	v7 =	vand.u32 $0x380, v7  }
0x15e: {  	s28 =	sand.u32 $0x70, s26;
	s1 =	sadd.s32 s1, s25;
	v9 =	vand.u32 $0x400, v9;
	v7 =	vor.u32 v8, v7;
	v8 =	vor.u32 s26, v2  }
0x15f: {  	s1 =	sadd.s32 s28, s1;
	[tilespmem:v6+s14+$0x0] =	vst.idx.add.f32.msk $0xffff, v5;
	v6 =	vand.u32 $0x7F, v8;
	v8 =	vor.u32 v9, v7  }
0x160: {  	s28 =	simm.s32 $0x10;
	v5 =	vld [tilespmem:s1+$0xB00];
	v6 =	vor.u32 v6, v8  }
.LBB2_36:
0x161: {  	p0 =	sne.s32 s28, $0x80;
	s26 =	sadd.s32 $0x80, s26  }
.Ltmp23:
0x162: {  	v8 =	vmov s28;
	s1 =	smov.u32 s28;
	s28 =	sadd.s32 $0x10, s28;
	(pc) =	sbr.rel @p0 .LBB2_36-.Ltmp23, $4  }
0x163: {  	s29 =	sand.u32 $0x400, s26;
	v8 =	vshll.u32 v8, $0x3  }
0x164: {  	s30 =	sand.u32 $0x70, s1;
	v9 =	vor.u32 s1, v2;
	s29 =	sadd.s32 s29, s25;
	v8 =	vand.u32 $0x400, v8  }
0x165: {  	v9 =	vand.u32 $0x7F, v9;
	s1 =	sadd.s32 s30, s29;
	v8 =	vor.u32 v8, v7;
	[tilespmem:v6+s14+$0x0] =	vst.idx.add.f32.msk $0xffff, v5  }
0x166: {  	v6 =	vor.u32 v9, v8;
	v5 =	vld [tilespmem:s1+$0xB00]  }
0x167: {  	v4 =	vsel vm15, $0x0, v4  }
0x168: {  	(xrf0) =	vadd.scan.msk.s32 $0xffff, v4;
	_ =	sdelay $0x5  }
0x169: {  	v4, _, _ =	vpop (xrf0)  }
0x16a: {  	v4 =	vbroadcast v4, $0xF  }
0x16b: {  	s26 =	simm.s32 $0x0  }
0x16c: {  	v8 =	vmov s26;
	v7 =	vshll.u32 v4, $0x8;
	v4 =	vshll.u32 v4, $0x7  }
0x16d: {  	s1 =	sand.u32 $0x400, s26;
	v8 =	vshll.u32 v8, $0x3;
	v7 =	vand.u32 $0xFFFFF800, v7;
	v4 =	vand.u32 $0x380, v4  }
0x16e: {  	s28 =	sand.u32 $0x70, s26;
	s1 =	sadd.s32 s1, s25;
	v8 =	vand.u32 $0x400, v8;
	v4 =	vor.u32 v7, v4;
	v7 =	vor.u32 s26, v2  }
0x16f: {  	s1 =	sadd.s32 s28, s1;
	[tilespmem:v6+s14+$0x0] =	vst.idx.add.f32.msk $0xffff, v5;
	v6 =	vand.u32 $0x7F, v7;
	v7 =	vor.u32 v8, v4  }
0x170: {  	s28 =	simm.s32 $0x10;
	v5 =	vld [tilespmem:s1+$0xB80];
	v6 =	vor.u32 v6, v7  }
.LBB2_38:
0x171: {  	p0 =	sne.s32 s28, $0x80;
	s26 =	sadd.s32 $0x80, s26  }
.Ltmp24:
0x172: {  	v7 =	vmov s28;
	s1 =	smov.u32 s28;
	s28 =	sadd.s32 $0x10, s28;
	(pc) =	sbr.rel @p0 .LBB2_38-.Ltmp24, $4  }
0x173: {  	s29 =	sand.u32 $0x400, s26;
	v7 =	vshll.u32 v7, $0x3  }
0x174: {  	s30 =	sand.u32 $0x70, s1;
	v8 =	vor.u32 s1, v2;
	s29 =	sadd.s32 s29, s25;
	v7 =	vand.u32 $0x400, v7  }
0x175: {  	v8 =	vand.u32 $0x7F, v8;
	s1 =	sadd.s32 s30, s29;
	v7 =	vor.u32 v7, v4;
	[tilespmem:v6+s14+$0x0] =	vst.idx.add.f32.msk $0xffff, v5  }
0x176: {  	v6 =	vor.u32 v8, v7;
	v5 =	vld [tilespmem:s1+$0xB80]  }
0x177: {  	s24 =	sadd.s32 $0x1, s24  }
0x178: {  	p0 =	sne.s32 s24, $0x5  }
.Ltmp25:
0x179: {  	_ = 	snop;
	(pc) =	sbr.rel @p0 .LBB2_7-.Ltmp25, $4  }
.Ltmp26:
0x17a: {  	_ = 	snop;
	(pc) =	sbr.rel @!p0 .LBB2_40-.Ltmp26, $4  }
0x17b: {  	_ = 	snop  }
0x17c: {  	_ = 	snop  }
0x17d: {  	[tilespmem:v6+s14+$0x0] =	vst.idx.add.f32.msk $0xffff, v5  }
0x17e: {  	_ = 	snop  }
.LBB2_43:
0x17f: {  	_ =	sfence.sel $0x180000  }
0x180: {  	[bflag:$0x0] =	sbarrier.arrive $0xFFFF  }
0x181: {  	_ =	strace $0x9000004A  }
0x182: {  	[bflag:$0x2] =	sbarrier.arrive $0xFFFF  }
0x183: {  	p0 =	sne.s32 s0, $0x0;
	s0 =	rddreg [dreg:$0x2]  }
0x184: {  	s0 =	sadd.s32 @!p0 $0x100000, s0  }
0x185: {  	[sflag:s0] =	ssyncadd.tile.s32 @!p0 $0x1;
	_ =	shalt  }
.Lfunc_end2:
_tile_overlayer_lowered:
.L_overlay_start_2:
0x186: {  	(tag) =	ssettag $0x2  }
0x187: {  	s0 =	rddreg [dreg:$0x0];
	s2 =	stileid.u32  }
0x188: {  	s1 =	rddreg [dreg:$0x1];
	p0 =	sne.s32 s2, $0x0  }
0x189: {  	s3 =	rddreg [dreg:$0x2];
	[bflag:$0x3] =	sbarrier.arrive $0xFFFF;
	s2 =	simm.s32 @!p0 $0x1C01  }
0x18a: {  	[timem:s3], [sflag:s2] =	dma.local @!p0 [hbm:s0], s1  }
0x18b: {  	s0 =	simm.s32 @!p0 $0x1  }
0x18c: {  	_ =	swait.ge @!p0 [sflag:s0], s1  }
0x18d: {  	s1 =	ssub.s32 @!p0 $0x0, s1;
	[sflag:s0] =	ssyncset.done @!p0 $0x0  }
0x18e: {  	[sflag:s0] =	ssyncadd.s32 @!p0 s1  }
0x18f: {  	[bflag:$0x3] =	sbarrier.arrive $0xFFFF  }
0x190: {  	_ =	shalt  }

// kernel: kernel.8.cloned.1.call-start
scs
__scs_entry_jumppad:
0x0: {  	(pc) =	sbr.rel $0x88, $3  }
0x1: {  	(tag) =	ssettag $0x0;
	lr =	simm.s32 $0x1  }
0x2: {  	[smem:$0x3F94] =	sst lr;
	_ =	strace $0xD0000000  }
0x3: {  	_ = 	snop  }
0x4: {  	_ = 	snop  }
0x5: {  	_ = 	snop  }
0x6: {  	_ = 	snop  }
0x7: {  	_ = 	snop  }
__scs_overlays_trampoline_lowered:
0x8: {  	[smem:$0x3FA3] =	sst s0  }
0x9: {  	[smem:$0x3FA4] =	sst s1  }
0xa: {  	[smem:$0x3FA5] =	sst s2  }
0xb: {  	[smem:$0x3FA6] =	sst s3  }
0xc: {  	[smem:$0x3FA7] =	sst s4  }
0xd: {  	[smem:$0x3FA8] =	sst s5  }
0xe: {  	[smem:$0x3FA9] =	sst s6  }
0xf: {  	[smem:$0x3FAA] =	sst s7  }
0x10: {  	[smem:$0x3FAB] =	sst s8  }
0x11: {  	[smem:$0x3FAC] =	sst s9;
	s0 =	simm.s32 @!p0 $0x0  }
0x12: {  	s1 =	sld [smem:$0x3F92];
	s0 =	simm.s32 @p0 $0x1  }
0x13: {  	[smem:$0x3FAD] =	sst s0;
	s0 =	simm.s32 @!p1 $0x0  }
0x14: {  	s2 =	sld [smem:$0x3F91];
	s0 =	simm.s32 @p1 $0x1  }
0x15: {  	[smem:$0x3FAE] =	sst s0;
	s0 =	simm.s32 @!p2 $0x0  }
0x16: {  	s3 =	sld [smem:$0x3FDB];
	s0 =	simm.s32 @p2 $0x1  }
0x17: {  	s4 =	simm.s32 $0x1BF5;
	[smem:$0x3FB0] =	sst s0  }
0x18: {  	s0 =	sld [smem:$0x3F93];
	_ =	swait.ge [sflag:s4], $0x0  }
0x19: {  	s7 =	sld [smem:$0x3F94]  }
0x1a: {  	s8 =	sadd.s32 $0xFFFFE003, lr  }
0x1b: {  	s9 =	sadd.s32 $0xFFFFFEF7, lr;
	s5 =	simm.s32 $0xFFFFFFFF;
	p2 =	slt.u32 s8, $0xFFFFF086  }
0x1c: {  	p1 =	slt.u32 s9, $0xF7A;
	s5 =	simm.s32 @!p2 $0x0  }
0x1d: {  	s5 =	simm.s32 @p1 $0x1;
	p0 =	seq.s32 s7, s2  }
0x1e: {  	s7 =	smul.u32 @!p0 $0xF7A, s2;
	p2 =	seq.s32 @!p0 s5, $0x0  }
0x1f: {  	s9 =	smul.u32 $0xF7A, s1;
	s8 =	simm.s32 @!p0 $0x1BF5;
	p2 =	por !p2, p0  }
0x20: {  	[sflag:s8] =	ssyncset.s32 @!p0 $0xFFFFF086;
	s6 =	sadd.s32 @!p0 s3, s7;
	s7 =	simm.s32 @!p0 $0x108  }
0x21: {  	s3 =	sadd.s32 s3, s9;
	s6 =	sadd.s32 @!p0 $0x88, s6;
	s7 =	simm.s32 @p2 $0x1082  }
0x22: {  	[simem:s7], [sflag:s8] =	dma.local @!p0 [hbm:s6], $0xF7A  }
0x23: {  	s9 =	sor.u32 $0xD0000000, s2;
	s6 =	simm.s32 $0x108;
	_ =	swait.ge @!p0 [sflag:s8], $0x0  }
0x24: {  	s3 =	sadd.s32 $0x88, s3;
	s6 =	simm.s32 @!p1 $0x1082;
	[sflag:s4] =	ssyncset.s32 $0xFFFFF086  }
0x25: {  	[simem:s6], [sflag:s4] =	dma.local [hbm:s3], $0xF7A  }
0x26: {  	[smem:$0x3F94] =	sst s1;
	(tag) =	ssettag s2;
	_ =	strace s9  }
0x27: {  	s1 =	sld [smem:$0x3FA4]  }
0x28: {  	s2 =	sld [smem:$0x3FA5]  }
0x29: {  	s4 =	sld [smem:$0x3FA7]  }
0x2a: {  	p0 =	seq.s32 s5, $0x0;
	s5 =	sld [smem:$0x3FA8]  }
0x2b: {  	s6 =	sld [smem:$0x3FA9]  }
0x2c: {  	s7 =	sld [smem:$0x3FAA]  }
0x2d: {  	s3 =	simm.s32 $0x108;
	s8 =	sld [smem:$0x3FAB]  }
0x2e: {  	s3 =	simm.s32 @!p0 $0x1082;
	s9 =	sld [smem:$0x3FAC]  }
0x2f: {  	lr =	sadd.s32 s0, s3;
	s0 =	sld [smem:$0x3FA3]  }
0x30: {  	s3 =	sld [smem:$0x3FA6]  }
0x31: {  	[smem:$0x3FAF] =	sst s10  }
0x32: {  	s10 =	sld [smem:$0x3FAD];
	_ =	sdelay $0x3  }
0x33: {  	p0 =	seq.s32 s10, $0x1;
	s10 =	sld [smem:$0x3FAF];
	_ =	sdelay $0x3  }
0x34: {  	[smem:$0x3FAF] =	sst s10  }
0x35: {  	s10 =	sld [smem:$0x3FAE];
	_ =	sdelay $0x3  }
0x36: {  	p1 =	seq.s32 s10, $0x1;
	s10 =	sld [smem:$0x3FAF];
	_ =	sdelay $0x3  }
0x37: {  	[smem:$0x3FAF] =	sst s10  }
0x38: {  	s10 =	sld [smem:$0x3FB0]  }
0x39: {  	_ = 	snop;
	(pc) =	sbr.ind lr, $3  }
0x3a: {  	_ = 	snop  }
0x3b: {  	_ = 	snop  }
0x3c: {  	p2 =	seq.s32 s10, $0x1;
	s10 =	sld [smem:$0x3FAF]  }
0x3d: {  	_ =	shalt  }
0x3e: {  	_ =	shalt  }
0x3f: {  	_ =	shalt  }
0x40: {  	_ =	shalt  }
0x41: {  	_ =	shalt  }
0x42: {  	_ =	shalt  }
0x43: {  	_ =	shalt  }
0x44: {  	_ =	shalt  }
0x45: {  	_ =	shalt  }
0x46: {  	_ =	shalt  }
0x47: {  	_ =	shalt  }
0x48: {  	_ =	shalt  }
0x49: {  	_ =	shalt  }
0x4a: {  	_ =	shalt  }
0x4b: {  	_ =	shalt  }
0x4c: {  	_ =	shalt  }
0x4d: {  	_ =	shalt  }
0x4e: {  	_ =	shalt  }
0x4f: {  	_ =	shalt  }
0x50: {  	_ =	shalt  }
0x51: {  	_ =	shalt  }
0x52: {  	_ =	shalt  }
0x53: {  	_ =	shalt  }
0x54: {  	_ =	shalt  }
0x55: {  	_ =	shalt  }
0x56: {  	_ =	shalt  }
0x57: {  	_ =	shalt  }
0x58: {  	_ =	shalt  }
0x59: {  	_ =	shalt  }
0x5a: {  	_ =	shalt  }
0x5b: {  	_ =	shalt  }
0x5c: {  	_ =	shalt  }
0x5d: {  	_ =	shalt  }
0x5e: {  	_ =	shalt  }
0x5f: {  	_ =	shalt  }
0x60: {  	_ =	shalt  }
0x61: {  	_ =	shalt  }
0x62: {  	_ =	shalt  }
0x63: {  	_ =	shalt  }
0x64: {  	_ =	shalt  }
0x65: {  	_ =	shalt  }
0x66: {  	_ =	shalt  }
0x67: {  	_ =	shalt  }
0x68: {  	_ =	shalt  }
0x69: {  	_ =	shalt  }
0x6a: {  	_ =	shalt  }
0x6b: {  	_ =	shalt  }
0x6c: {  	_ =	shalt  }
0x6d: {  	_ =	shalt  }
0x6e: {  	_ =	shalt  }
0x6f: {  	_ =	shalt  }
0x70: {  	_ =	shalt  }
0x71: {  	_ =	shalt  }
0x72: {  	_ =	shalt  }
0x73: {  	_ =	shalt  }
0x74: {  	_ =	shalt  }
0x75: {  	_ =	shalt  }
0x76: {  	_ =	shalt  }
0x77: {  	_ =	shalt  }
0x78: {  	_ =	shalt  }
0x79: {  	_ =	shalt  }
0x7a: {  	_ =	shalt  }
0x7b: {  	_ =	shalt  }
0x7c: {  	_ =	shalt  }
0x7d: {  	_ =	shalt  }
0x7e: {  	_ =	shalt  }
0x7f: {  	_ =	shalt  }
0x80: {  	_ =	shalt  }
0x81: {  	_ =	shalt  }
0x82: {  	_ =	shalt  }
0x83: {  	_ =	shalt  }
0x84: {  	_ =	shalt  }
0x85: {  	_ =	shalt  }
0x86: {  	_ =	shalt  }
0x87: {  	_ =	shalt  }
.Lfunc_end0:
.L_simem_size_0:
called_computation_lowered:
.L_overlay_start_0:
0x88: {  	s2 =	sld [smem:$0x3FD9]  }
0x89: {  	s3 =	sld [smem:$0x3FFE];
	_ =	sdelay $0x1  }
0x8a: {  	s1 =	srdreg.scid  }
0x8b: {  	s0 =	sand.u32 $0x1, s1  }
0x8c: {  	s17 =	sshll.u32 s0, $0xA;
	s2 =	sadd.s32 s3, s2  }
0x8d: {  	s2 =	sadd.s32 s2, s17  }
0x8e: {  	[smem:$0x3FBB] =	sst s2  }
0x8f: {  	_ = 	snop  }
0x90: {  	s2 =	sld [smem:$0x3FC6]  }
0x91: {  	s18 =	sld [smem:$0x3FC5]  }
0x92: {  	s4 =	sld [smem:$0x3FD0];
	(tm) =	ssettm $0x1  }
0x93: {  	s5 =	sld [smem:$0x3FFB];
	_ =	sdelay $0x3  }
0x94: {  	_ =	strace s5  }
0x95: {  	s5 =	sld [smem:$0x3FFC];
	_ =	sdelay $0x3  }
0x96: {  	_ =	strace s5  }
0x97: {  	s5 =	sld [smem:$0x3FFD];
	_ =	sdelay $0x3  }
0x98: {  	_ =	strace s5  }
0x99: {  	_ =	strace $0x8FFFFFFF  }
0x9a: {  	s19 =	sld [smem:$0x3FDB];
	_ =	sdelay $0x1  }
0x9b: {  	s6 =	simm.s32 $_scs_section_size  }
0x9c: {  	s7 =	simm.s32 $_size__tile_overlayer_lowered;
	s8 =	simm.s32 $_tile_overlayer_lowered  }
0x9d: {  	s22 =	simm.s32 $0x1BFF;
	s21 =	sshll.u32 s8, $0x1;
	s5 =	sadd.s32 s6, s19  }
0x9e: {  	s9 =	simm.s32 $0x0;
	s20 =	sshll.u32 s7, $0x1;
	s7 =	sadd.s32 s21, s5  }
0x9f: {  	[timem:s9], [sflag:s22] =	dma.local [hbm:s7], s20  }
0xa0: {  	_ =	swait.ge [sflag:s22], s20  }
0xa1: {  	s6 =	ssub.s32 $0x0, s20;
	[sflag:s22] =	ssyncset.done $0x0  }
0xa2: {  	[sflag:s22] =	ssyncadd.s32 s6;
	_ =	sdelay $0x1  }
0xa3: {  	s23 =	simm.s32 $0x1B8B  }
0xa4: {  	_ =	swait.ge [sflag:s23], $0x1  }
0xa5: {  	[sflag:s23] =	ssyncset.done $0x0  }
0xa6: {  	s25 =	simm.s32 $0x1B8E;
	s24 =	sld [smem:$0x3FFE];
	[sflag:s23] =	ssyncadd.s32 $0xFFFFFFFF  }
0xa7: {  	s26 =	simm.s32 $execute0_lowered;
	[smem:$0x3FD2] =	sst s25  }
0xa8: {  	s7 =	sshll.u32 s26, $0x1;
	_ =	strace $0x80000046;
	[dreg:$0x1] =	wrdreg $0xFFFFFFFF  }
0xa9: {  	s28 =	simm.s32 $_size_execute0_lowered;
	s5 =	sadd.s32 s5, s7;
	[dreg:$0x0] =	wrdreg $0x0  }
0xaa: {  	s7 =	sshll.u32 s28, $0x1;
	[dreg:$0x2] =	wrdreg s5  }
0xab: {  	[dreg:$0x3] =	wrdreg s7  }
0xac: {  	[dreg:$0x4] =	wrdreg $0xC0  }
0xad: {  	_ =	task [dreg:s9], $0x5FFFF  }
0xae: {  	[dreg:$0x1] =	wrdreg $0xFFFFFFFF  }
0xaf: {  	[dreg:$0x0] =	wrdreg $0x60  }
0xb0: {  	[dreg:$0x2] =	wrdreg s24  }
0xb1: {  	[dreg:$0x3] =	wrdreg s2  }
0xb2: {  	[dreg:$0x4] =	wrdreg s18  }
0xb3: {  	[dreg:$0x5] =	wrdreg s4  }
0xb4: {  	[dreg:$0x6] =	wrdreg $0x9  }
0xb5: {  	_ =	task.clear_ibuf [dreg:s9], $0x7FFFF;
	_ =	strace $0x90000046  }
0xb6: {  	s29 =	simm.s32 $0x9;
	_ =	strace $0x80000048  }
0xb7: {  	_ =	swait.ge [sflag:s29], $0x1  }
0xb8: {  	[sflag:s29] =	ssyncadd.s32 $0xFFFFFFFF  }
0xb9: {  	_ =	strace $0x90000048  }
0xba: {  	_ =	sfence  }
0xbb: {  	s30 =	sld [smem:$0x0];
	_ =	sdelay $0x2  }
0xbc: {  	s31 =	sshll.u32 s1, $0xD;
	s1 =	sshrl.u32 s1, $0x2  }
0xbd: {  	s3 =	sand.u32 $0x4000, s31;
	s1 =	sadd.s32 s1, s30  }
0xbe: {  	s0 =	sor.u32 s3, s0;
	s1 =	sshll.u32 s1, $0x11  }
0xbf: {  	s0 =	sor.u32 s1, s0  }
0xc0: {  	s0 =	sadd.s32 $0x8F2B, s0  }
0xc1: {  	[sflag:s0] =	ssyncadd.remote.s32 $0x1  }
0xc2: {  	_ =	sfence.sel $0xFFFF  }
0xc3: {  	[dreg:$0x0] =	wrdreg $0xFFFFFFFF;
	(pc) =	sbr.abs _section_cstart, $3  }
0xc4: {  	[dreg:$0x1] =	wrdreg $0xFFFFFFFF  }
0xc5: {  	_ =	task.clear_ibuf [dreg:s9], $0x2FFFF;
	_ =	strace $0x9FFFFFFF  }
0xc6: {  	(tm) =	ssettm $0x7FFFFFFF  }
0xc7: {  	_ =	shalt  }
tec
execute0_lowered:
.L_overlay_start_1:
0x0: {  	(tag) =	ssettag $0x1  }
0x1: {  	s0 =	rddreg [dreg:$0x0];
	s1 =	simm.s32 $0x0;
	s5 =	simm.s32 $0x0  }
0x2: {  	s29 =	srdreg.scid;
	s3 =	stileid.u32;
	s13 =	simm.s32 $0x15800  }
0x3: {  	s14 =	simm.s32 $0x5;
	s26 =	simm.s32 $0x6000;
	s8 =	simm.s32 $0x9800  }
0x4: {  	s12 =	simm.s32 $0xA000;
	s17 =	simm.s32 $0x10000;
	s21 =	simm.s32 $0x14000  }
0x5: {  	s16 =	simm.s32 $0x14800;
	s22 =	simm.s32 $0x1;
	s15 =	simm.s32 $0x2  }
0x6: {  	s23 =	simm.s32 $0x3;
	[smem:$0x7FF] =	sst s1;
	s6 =	sadd.s32 $0x52400, s0  }
0x7: {  	s1 =	sand.u32 $0x1, s29;
	s7 =	sadd.s32 $0x4200, s0;
	s3 =	sshll.u32 s3, $0x1  }
0x8: {  	s4 =	sadd.s32 $0x3C00, s0;
	s9 =	sadd.s32 $0xA0600, s0;
	s0 =	sadd.s32 $0xAF600, s0  }
0x9: {  	_ =	strace $0x80000047;
	s2 =	ssub.s32 $0x2, s1;
	s1 =	sor.u32 s1, s3  }
0xa: {  	[dreg:$0x5] =	wrdreg s4;
	s30 =	sshrl.u32 s2, $0x1;
	s1 =	smul.u32 $0x2710, s1  }
0xb: {  	v2 =	vlaneseq.u32;
	[dreg:$0x7] =	wrdreg s0;
	s3 =	simm.s32 $0x13800;
	s2 =	ssub.s32 s2, s30  }
0xc: {  	vm0 =	vmmov $0xffff;
	v1 =	vshrl.u32 v2, $0x3;
	s4 =	simm.s32 $0x4;
	[dreg:$0x6] =	wrdreg s1;
	s31 =	smax.u32 s2, $0x1  }
0xd: {  	v0 =	vand.u32 $0x7, v2;
	v2 =	vor.u32 $0x8, v2;
	v1 =	vmul.u32 $0x8, v1;
	s1 =	simm.s32 $0xA800;
	s2 =	simm.s32 $0x0;
	[dreg:$0x8] =	wrdreg s31  }
.LBB2_1:
0xe: {  	[dreg:$0x9] =	wrdreg s2  }
0xf: {  	s0 =	rddreg [dreg:$0x5]  }
0x10: {  	[tilespmem:s13], [sflag:$0x5] =	stream.linear.gather [hbm4b:s0+s5], $0x2780, $0x38;
	[tilespmem:$0x17F80] =	vst v63  }
0x11: {  	_ =	swait.ge [sflag:s14], $0x2780  }
0x12: {  	[sflag:s14] =	ssyncset.done $0x0  }
0x13: {  	s0 =	simm.s32 $0x0;
	[sflag:s14] =	ssyncadd.s32 $0xFFFFD880  }
.LBB2_2:
0x14: {  	s31 =	smul.u32 $0x7D0, s0  }
0x15: {  	s2 =	rddreg [dreg:$0x6]  }
0x16: {  	s24 =	sadd.s32 s2, s31  }
0x17: {  	s10 =	rddreg [dreg:$0x1];
	s2 =	sshrl.u32 s24, $0x3  }
0x18: {  	[dreg:$0xa] =	wrdreg s0;
	s25 =	simm.s32 $0x0;
	s0 =	sadd.s32 s10, s2  }
0x19: {  	[tilespmem:s25], [sflag:$0x5] =	stream.linear.gather [hbm4b:s0+s25], $0x7D0, $0x38;
	[tilespmem:$0x17F80] =	vst v63  }
0x1a: {  	_ =	swait.ge [sflag:s14], $0x7D0  }
0x1b: {  	[sflag:s14] =	ssyncset.done $0x0  }
0x1c: {  	[sflag:s14] =	ssyncadd.s32 $0xFFFFF830  }
0x1d: {  	s11 =	rddreg [dreg:$0x2]  }
0x1e: {  	s18 =	simm.s32 $0x800;
	[dreg:$0xb] =	wrdreg s2;
	s0 =	sadd.s32 s11, s2  }
0x1f: {  	[tilespmem:s18], [sflag:$0x5] =	stream.linear.gather [hbm4b:s0+s25], $0x7D0, $0x38;
	[tilespmem:$0x17F80] =	vst v63  }
0x20: {  	_ =	swait.ge [sflag:s14], $0x7D0  }
0x21: {  	[sflag:s14] =	ssyncset.done $0x0  }
0x22: {  	[sflag:s14] =	ssyncadd.s32 $0xFFFFF830  }
0x23: {  	v3 =	vld [tilespmem:$0x0];
	_ =	sdelay $0x4  }
0x24: {  	v4 =	vshll.u32 v3, $0x1  }
0x25: {  	v3 =	vand.u32 $0x7, v3;
	v4 =	vand.u32 $0xFFFFFFF0, v4  }
0x26: {  	v3 =	vor.u32 v3, v4  }
0x27: {  	v4 =	vperm.xlane v3, v0;
	_ =	sdelay $0x1  }
0x28: {  	v3 =	vperm.xlane v3, v2;
	v4 =	vadd.s32 v1, v4;
	_ =	sdelay $0x1  }
0x29: {  	v3 =	vadd.s32 v1, v3;
	_ =	sdelay $0x1  }
0x2a: {  	s19 =	simm.s32 $0x1000  }
0x2b: {  	[tilespmem:s19], [sflag:$0x1] =	stream.indirect_vreg.gather [hbm4b:s6+s25], $0x80, v4, vm0, $0xb8;
	[tilespmem:$0x17F80] =	vst v63  }
0x2c: {  	s20 =	simm.s32 $0x1800  }
0x2d: {  	[tilespmem:s20], [sflag:$0x1] =	stream.indirect_vreg.gather [hbm4b:s6+s25], $0x80, v3, vm0, $0xb8;
	[tilespmem:$0x17F80] =	vst v63  }
0x2e: {  	v3 =	vld [tilespmem:$0x10];
	_ =	sdelay $0x4  }
0x2f: {  	v55 =	vshll.u32 v3, $0x1  }
0x30: {  	v3 =	vand.u32 $0x7, v3;
	v4 =	vand.u32 $0xFFFFFFF0, v55  }
0x31: {  	v3 =	vor.u32 v3, v4  }
0x32: {  	v4 =	vperm.xlane v3, v0;
	_ =	sdelay $0x1  }
0x33: {  	v3 =	vperm.xlane v3, v2;
	v4 =	vadd.s32 v1, v4;
	_ =	sdelay $0x1  }
0x34: {  	v3 =	vadd.s32 v1, v3;
	_ =	sdelay $0x1  }
0x35: {  	s28 =	simm.s32 $0x2000  }
0x36: {  	[tilespmem:s28], [sflag:$0x1] =	stream.indirect_vreg.gather [hbm4b:s6+s25], $0x80, v4, vm0, $0xb8;
	[tilespmem:$0x17F80] =	vst v63  }
0x37: {  	s29 =	simm.s32 $0x2800  }
0x38: {  	[tilespmem:s29], [sflag:$0x1] =	stream.indirect_vreg.gather [hbm4b:s6+s25], $0x80, v3, vm0, $0xb8;
	[tilespmem:$0x17F80] =	vst v63  }
0x39: {  	v3 =	vld [tilespmem:$0x20];
	_ =	sdelay $0x4  }
0x3a: {  	v56 =	vshll.u32 v3, $0x1  }
0x3b: {  	v3 =	vand.u32 $0x7, v3;
	v4 =	vand.u32 $0xFFFFFFF0, v56  }
0x3c: {  	v3 =	vor.u32 v3, v4  }
0x3d: {  	v4 =	vperm.xlane v3, v0;
	_ =	sdelay $0x1  }
0x3e: {  	v3 =	vperm.xlane v3, v2;
	v4 =	vadd.s32 v1, v4;
	_ =	sdelay $0x1  }
0x3f: {  	v3 =	vadd.s32 v1, v3;
	_ =	sdelay $0x1  }
0x40: {  	s30 =	simm.s32 $0x3000  }
0x41: {  	[tilespmem:s30], [sflag:$0x1] =	stream.indirect_vreg.gather [hbm4b:s6+s25], $0x80, v4, vm0, $0xb8;
	[tilespmem:$0x17F80] =	vst v63  }
0x42: {  	s31 =	simm.s32 $0x3800  }
0x43: {  	[tilespmem:s31], [sflag:$0x1] =	stream.indirect_vreg.gather [hbm4b:s6+s25], $0x80, v3, vm0, $0xb8;
	[tilespmem:$0x17F80] =	vst v63  }
0x44: {  	v3 =	vld [tilespmem:$0x30];
	_ =	sdelay $0x4  }
0x45: {  	v57 =	vshll.u32 v3, $0x1  }
0x46: {  	v3 =	vand.u32 $0x7, v3;
	v4 =	vand.u32 $0xFFFFFFF0, v57  }
0x47: {  	v3 =	vor.u32 v3, v4  }
0x48: {  	v4 =	vperm.xlane v3, v0;
	_ =	sdelay $0x1  }
0x49: {  	v3 =	vperm.xlane v3, v2;
	v4 =	vadd.s32 v1, v4;
	_ =	sdelay $0x1  }
0x4a: {  	v3 =	vadd.s32 v1, v3;
	_ =	sdelay $0x1  }
0x4b: {  	s2 =	simm.s32 $0x4000  }
0x4c: {  	[tilespmem:s2], [sflag:$0x1] =	stream.indirect_vreg.gather [hbm4b:s6+s25], $0x80, v4, vm0, $0xb8;
	[tilespmem:$0x17F80] =	vst v63  }
0x4d: {  	s10 =	simm.s32 $0x4800  }
0x4e: {  	[tilespmem:s10], [sflag:$0x1] =	stream.indirect_vreg.gather [hbm4b:s6+s25], $0x80, v3, vm0, $0xb8;
	[tilespmem:$0x17F80] =	vst v63  }
0x4f: {  	v3 =	vld [tilespmem:$0x40];
	_ =	sdelay $0x4  }
0x50: {  	v58 =	vshll.u32 v3, $0x1  }
0x51: {  	v3 =	vand.u32 $0x7, v3;
	v4 =	vand.u32 $0xFFFFFFF0, v58  }
0x52: {  	v3 =	vor.u32 v3, v4  }
0x53: {  	v4 =	vperm.xlane v3, v0;
	_ =	sdelay $0x1  }
0x54: {  	v3 =	vperm.xlane v3, v2;
	v4 =	vadd.s32 v1, v4;
	_ =	sdelay $0x1  }
0x55: {  	v3 =	vadd.s32 v1, v3;
	_ =	sdelay $0x1  }
0x56: {  	s11 =	simm.s32 $0x5000  }
0x57: {  	[tilespmem:s11], [sflag:$0x1] =	stream.indirect_vreg.gather [hbm4b:s6+s25], $0x80, v4, vm0, $0xb8;
	[tilespmem:$0x17F80] =	vst v63  }
0x58: {  	s18 =	simm.s32 $0x5800  }
0x59: {  	[tilespmem:s18], [sflag:$0x1] =	stream.indirect_vreg.gather [hbm4b:s6+s25], $0x80, v3, vm0, $0xb8;
	[tilespmem:$0x17F80] =	vst v63  }
0x5a: {  	v3 =	vld [tilespmem:$0x800];
	_ =	sdelay $0x4  }
0x5b: {  	v59 =	vshll.u32 v3, $0x1  }
0x5c: {  	v3 =	vand.u32 $0x7, v3;
	v4 =	vand.u32 $0xFFFFFFF0, v59  }
0x5d: {  	v3 =	vor.u32 v3, v4  }
0x5e: {  	v4 =	vperm.xlane v3, v0;
	_ =	sdelay $0x1  }
0x5f: {  	v3 =	vperm.xlane v3, v2;
	v4 =	vadd.s32 v1, v4;
	_ =	sdelay $0x1  }
0x60: {  	v3 =	vadd.s32 v1, v3;
	_ =	sdelay $0x2  }
0x61: {  	[tilespmem:s26], [sflag:$0x2] =	stream.indirect_vreg.gather [hbm4b:s7+s25], $0x80, v4, vm0, $0xb8;
	[tilespmem:$0x17F80] =	vst v63  }
0x62: {  	s19 =	simm.s32 $0x6800  }
0x63: {  	[tilespmem:s19], [sflag:$0x2] =	stream.indirect_vreg.gather [hbm4b:s7+s25], $0x80, v3, vm0, $0xb8;
	[tilespmem:$0x17F80] =	vst v63  }
0x64: {  	v3 =	vld [tilespmem:$0x810];
	_ =	sdelay $0x4  }
0x65: {  	v60 =	vshll.u32 v3, $0x1  }
0x66: {  	v3 =	vand.u32 $0x7, v3;
	v4 =	vand.u32 $0xFFFFFFF0, v60  }
0x67: {  	v3 =	vor.u32 v3, v4  }
0x68: {  	v4 =	vperm.xlane v3, v0;
	_ =	sdelay $0x1  }
0x69: {  	v3 =	vperm.xlane v3, v2;
	v4 =	vadd.s32 v1, v4;
	_ =	sdelay $0x1  }
0x6a: {  	v3 =	vadd.s32 v1, v3;
	_ =	sdelay $0x1  }
0x6b: {  	s20 =	simm.s32 $0x7000  }
0x6c: {  	[tilespmem:s20], [sflag:$0x2] =	stream.indirect_vreg.gather [hbm4b:s7+s25], $0x80, v4, vm0, $0xb8;
	[tilespmem:$0x17F80] =	vst v63  }
0x6d: {  	s28 =	simm.s32 $0x7800  }
0x6e: {  	[tilespmem:s28], [sflag:$0x2] =	stream.indirect_vreg.gather [hbm4b:s7+s25], $0x80, v3, vm0, $0xb8;
	[tilespmem:$0x17F80] =	vst v63  }
0x6f: {  	v3 =	vld [tilespmem:$0x820];
	_ =	sdelay $0x4  }
0x70: {  	v61 =	vshll.u32 v3, $0x1  }
0x71: {  	v3 =	vand.u32 $0x7, v3;
	v4 =	vand.u32 $0xFFFFFFF0, v61  }
0x72: {  	v3 =	vor.u32 v3, v4  }
0x73: {  	v4 =	vperm.xlane v3, v0;
	_ =	sdelay $0x1  }
0x74: {  	v3 =	vperm.xlane v3, v2;
	v4 =	vadd.s32 v1, v4;
	_ =	sdelay $0x1  }
0x75: {  	v3 =	vadd.s32 v1, v3;
	_ =	sdelay $0x1  }
0x76: {  	s29 =	simm.s32 $0x8000  }
0x77: {  	[tilespmem:s29], [sflag:$0x2] =	stream.indirect_vreg.gather [hbm4b:s7+s25], $0x80, v4, vm0, $0xb8;
	[tilespmem:$0x17F80] =	vst v63  }
0x78: {  	s30 =	simm.s32 $0x8800  }
0x79: {  	[tilespmem:s30], [sflag:$0x2] =	stream.indirect_vreg.gather [hbm4b:s7+s25], $0x80, v3, vm0, $0xb8;
	[tilespmem:$0x17F80] =	vst v63  }
0x7a: {  	v3 =	vld [tilespmem:$0x830];
	_ =	sdelay $0x4  }
0x7b: {  	v62 =	vshll.u32 v3, $0x1  }
0x7c: {  	v3 =	vand.u32 $0x7, v3;
	v4 =	vand.u32 $0xFFFFFFF0, v62  }
0x7d: {  	v3 =	vor.u32 v3, v4  }
0x7e: {  	v4 =	vperm.xlane v3, v0;
	_ =	sdelay $0x1  }
0x7f: {  	v3 =	vperm.xlane v3, v2;
	v4 =	vadd.s32 v1, v4;
	_ =	sdelay $0x1  }
0x80: {  	v3 =	vadd.s32 v1, v3;
	_ =	sdelay $0x1  }
0x81: {  	s31 =	simm.s32 $0x9000  }
0x82: {  	[tilespmem:s31], [sflag:$0x2] =	stream.indirect_vreg.gather [hbm4b:s7+s25], $0x80, v4, vm0, $0xb8;
	[tilespmem:$0x17F80] =	vst v63  }
0x83: {  	_ = 	snop  }
0x84: {  	[tilespmem:s8], [sflag:$0x2] =	stream.indirect_vreg.gather [hbm4b:s7+s25], $0x80, v3, vm0, $0xb8;
	[tilespmem:$0x17F80] =	vst v63  }
0x85: {  	v3 =	vld [tilespmem:$0x840];
	_ =	sdelay $0x4  }
0x86: {  	v63 =	vshll.u32 v3, $0x1  }
0x87: {  	v3 =	vand.u32 $0x7, v3;
	v4 =	vand.u32 $0xFFFFFFF0, v63  }
0x88: {  	v3 =	vor.u32 v3, v4  }
0x89: {  	v4 =	vperm.xlane v3, v0;
	_ =	sdelay $0x1  }
0x8a: {  	v3 =	vperm.xlane v3, v2;
	v4 =	vadd.s32 v1, v4;
	_ =	sdelay $0x1  }
0x8b: {  	v3 =	vadd.s32 v1, v3;
	_ =	sdelay $0x2  }
0x8c: {  	[tilespmem:s12], [sflag:$0x2] =	stream.indirect_vreg.gather [hbm4b:s7+s25], $0x80, v4, vm0, $0xb8;
	[tilespmem:$0x17F80] =	vst v63  }
0x8d: {  	s10 =	simm.s32 $0x0  }
0x8e: {  	[tilespmem:s1], [sflag:$0x2] =	stream.indirect_vreg.gather [hbm4b:s7+s25], $0x80, v3, vm0, $0xb8;
	[tilespmem:$0x17F80] =	vst v63  }
.LBB2_3:
0x8f: {  	s28 =	smul.u32 $0xA0, s10;
	_ =	sdelay $0x1  }
0x90: {  	v3 =	vld [tilespmem:s28+$0x50];
	_ =	sdelay $0x4  }
0x91: {  	v4 =	vshll.u32 v3, $0x1  }
0x92: {  	v3 =	vand.u32 $0x7, v3;
	v4 =	vand.u32 $0xFFFFFFF0, v4  }
0x93: {  	v3 =	vor.u32 v3, v4  }
0x94: {  	v4 =	vperm.xlane v3, v0;
	_ =	sdelay $0x1  }
0x95: {  	v3 =	vperm.xlane v3, v2;
	v4 =	vadd.s32 v1, v4;
	_ =	sdelay $0x1  }
0x96: {  	v3 =	vadd.s32 v1, v3;
	_ =	sdelay $0x1  }
0x97: {  	s0 =	simm.s32 $0xB000  }
0x98: {  	[tilespmem:s0], [sflag:$0x3] =	stream.indirect_vreg.gather [hbm4b:s6+s25], $0x80, v4, vm0, $0xb8;
	[tilespmem:$0x17F80] =	vst v63  }
0x99: {  	s31 =	simm.s32 $0xB800  }
0x9a: {  	[tilespmem:s31], [sflag:$0x3] =	stream.indirect_vreg.gather [hbm4b:s6+s25], $0x80, v3, vm0, $0xb8;
	[tilespmem:$0x17F80] =	vst v63  }
0x9b: {  	v3 =	vld [tilespmem:s28+$0x60];
	_ =	sdelay $0x4  }
0x9c: {  	v55 =	vshll.u32 v3, $0x1  }
0x9d: {  	v3 =	vand.u32 $0x7, v3;
	v4 =	vand.u32 $0xFFFFFFF0, v55  }
0x9e: {  	v3 =	vor.u32 v3, v4  }
0x9f: {  	v4 =	vperm.xlane v3, v0;
	_ =	sdelay $0x1  }
0xa0: {  	v3 =	vperm.xlane v3, v2;
	v4 =	vadd.s32 v1, v4;
	_ =	sdelay $0x1  }
0xa1: {  	v3 =	vadd.s32 v1, v3;
	_ =	sdelay $0x1  }
0xa2: {  	s2 =	simm.s32 $0xC000  }
0xa3: {  	[tilespmem:s2], [sflag:$0x3] =	stream.indirect_vreg.gather [hbm4b:s6+s25], $0x80, v4, vm0, $0xb8;
	[tilespmem:$0x17F80] =	vst v63  }
0xa4: {  	s11 =	simm.s32 $0xC800  }
0xa5: {  	[tilespmem:s11], [sflag:$0x3] =	stream.indirect_vreg.gather [hbm4b:s6+s25], $0x80, v3, vm0, $0xb8;
	[tilespmem:$0x17F80] =	vst v63  }
0xa6: {  	v3 =	vld [tilespmem:s28+$0x70];
	_ =	sdelay $0x4  }
0xa7: {  	v56 =	vshll.u32 v3, $0x1  }
0xa8: {  	v3 =	vand.u32 $0x7, v3;
	v4 =	vand.u32 $0xFFFFFFF0, v56  }
0xa9: {  	v3 =	vor.u32 v3, v4  }
0xaa: {  	v4 =	vperm.xlane v3, v0;
	_ =	sdelay $0x1  }
0xab: {  	v3 =	vperm.xlane v3, v2;
	v4 =	vadd.s32 v1, v4;
	_ =	sdelay $0x1  }
0xac: {  	v3 =	vadd.s32 v1, v3;
	_ =	sdelay $0x1  }
0xad: {  	s18 =	simm.s32 $0xD000  }
0xae: {  	[tilespmem:s18], [sflag:$0x3] =	stream.indirect_vreg.gather [hbm4b:s6+s25], $0x80, v4, vm0, $0xb8;
	[tilespmem:$0x17F80] =	vst v63  }
0xaf: {  	s19 =	simm.s32 $0xD800  }
0xb0: {  	[tilespmem:s19], [sflag:$0x3] =	stream.indirect_vreg.gather [hbm4b:s6+s25], $0x80, v3, vm0, $0xb8;
	[tilespmem:$0x17F80] =	vst v63  }
0xb1: {  	v3 =	vld [tilespmem:s28+$0x80];
	_ =	sdelay $0x4  }
0xb2: {  	v57 =	vshll.u32 v3, $0x1  }
0xb3: {  	v3 =	vand.u32 $0x7, v3;
	v4 =	vand.u32 $0xFFFFFFF0, v57  }
0xb4: {  	v3 =	vor.u32 v3, v4  }
0xb5: {  	v4 =	vperm.xlane v3, v0;
	_ =	sdelay $0x1  }
0xb6: {  	v3 =	vperm.xlane v3, v2;
	v4 =	vadd.s32 v1, v4;
	_ =	sdelay $0x1  }
0xb7: {  	v3 =	vadd.s32 v1, v3;
	_ =	sdelay $0x1  }
0xb8: {  	s20 =	simm.s32 $0xE000  }
0xb9: {  	[tilespmem:s20], [sflag:$0x3] =	stream.indirect_vreg.gather [hbm4b:s6+s25], $0x80, v4, vm0, $0xb8;
	[tilespmem:$0x17F80] =	vst v63  }
0xba: {  	s30 =	simm.s32 $0xE800  }
0xbb: {  	[tilespmem:s30], [sflag:$0x3] =	stream.indirect_vreg.gather [hbm4b:s6+s25], $0x80, v3, vm0, $0xb8;
	[tilespmem:$0x17F80] =	vst v63  }
0xbc: {  	v3 =	vld [tilespmem:s28+$0x90];
	_ =	sdelay $0x4  }
0xbd: {  	v58 =	vshll.u32 v3, $0x1  }
0xbe: {  	v3 =	vand.u32 $0x7, v3;
	v4 =	vand.u32 $0xFFFFFFF0, v58  }
0xbf: {  	v3 =	vor.u32 v3, v4  }
0xc0: {  	v4 =	vperm.xlane v3, v0;
	_ =	sdelay $0x1  }
0xc1: {  	v3 =	vperm.xlane v3, v2;
	v4 =	vadd.s32 v1, v4;
	_ =	sdelay $0x1  }
0xc2: {  	v3 =	vadd.s32 v1, v3;
	_ =	sdelay $0x1  }
0xc3: {  	s31 =	simm.s32 $0xF000  }
0xc4: {  	[tilespmem:s31], [sflag:$0x3] =	stream.indirect_vreg.gather [hbm4b:s6+s25], $0x80, v4, vm0, $0xb8;
	[tilespmem:$0x17F80] =	vst v63  }
0xc5: {  	s2 =	simm.s32 $0xF800  }
0xc6: {  	[tilespmem:s2], [sflag:$0x3] =	stream.indirect_vreg.gather [hbm4b:s6+s25], $0x80, v3, vm0, $0xb8;
	[tilespmem:$0x17F80] =	vst v63  }
0xc7: {  	v3 =	vld [tilespmem:s28+$0x850];
	_ =	sdelay $0x4  }
0xc8: {  	v59 =	vshll.u32 v3, $0x1  }
0xc9: {  	v3 =	vand.u32 $0x7, v3;
	v4 =	vand.u32 $0xFFFFFFF0, v59  }
0xca: {  	v3 =	vor.u32 v3, v4  }
0xcb: {  	v4 =	vperm.xlane v3, v0;
	_ =	sdelay $0x1  }
0xcc: {  	v3 =	vperm.xlane v3, v2;
	v4 =	vadd.s32 v1, v4;
	_ =	sdelay $0x1  }
0xcd: {  	v3 =	vadd.s32 v1, v3;
	_ =	sdelay $0x2  }
0xce: {  	[tilespmem:s17], [sflag:$0x4] =	stream.indirect_vreg.gather [hbm4b:s7+s25], $0x80, v4, vm0, $0xb8;
	[tilespmem:$0x17F80] =	vst v63  }
0xcf: {  	s11 =	simm.s32 $0x10800  }
0xd0: {  	[tilespmem:s11], [sflag:$0x4] =	stream.indirect_vreg.gather [hbm4b:s7+s25], $0x80, v3, vm0, $0xb8;
	[tilespmem:$0x17F80] =	vst v63  }
0xd1: {  	v3 =	vld [tilespmem:s28+$0x860];
	_ =	sdelay $0x4  }
0xd2: {  	v60 =	vshll.u32 v3, $0x1  }
0xd3: {  	v3 =	vand.u32 $0x7, v3;
	v4 =	vand.u32 $0xFFFFFFF0, v60  }
0xd4: {  	v3 =	vor.u32 v3, v4  }
0xd5: {  	v4 =	vperm.xlane v3, v0;
	_ =	sdelay $0x1  }
0xd6: {  	v3 =	vperm.xlane v3, v2;
	v4 =	vadd.s32 v1, v4;
	_ =	sdelay $0x1  }
0xd7: {  	v3 =	vadd.s32 v1, v3;
	_ =	sdelay $0x1  }
0xd8: {  	s18 =	simm.s32 $0x11000  }
0xd9: {  	[tilespmem:s18], [sflag:$0x4] =	stream.indirect_vreg.gather [hbm4b:s7+s25], $0x80, v4, vm0, $0xb8;
	[tilespmem:$0x17F80] =	vst v63  }
0xda: {  	s19 =	simm.s32 $0x11800  }
0xdb: {  	[tilespmem:s19], [sflag:$0x4] =	stream.indirect_vreg.gather [hbm4b:s7+s25], $0x80, v3, vm0, $0xb8;
	[tilespmem:$0x17F80] =	vst v63  }
0xdc: {  	v3 =	vld [tilespmem:s28+$0x870];
	_ =	sdelay $0x4  }
0xdd: {  	v61 =	vshll.u32 v3, $0x1  }
0xde: {  	v3 =	vand.u32 $0x7, v3;
	v4 =	vand.u32 $0xFFFFFFF0, v61  }
0xdf: {  	v3 =	vor.u32 v3, v4  }
0xe0: {  	v4 =	vperm.xlane v3, v0;
	_ =	sdelay $0x1  }
0xe1: {  	v3 =	vperm.xlane v3, v2;
	v4 =	vadd.s32 v1, v4;
	_ =	sdelay $0x1  }
0xe2: {  	v3 =	vadd.s32 v1, v3;
	_ =	sdelay $0x1  }
0xe3: {  	s20 =	simm.s32 $0x12000  }
0xe4: {  	[tilespmem:s20], [sflag:$0x4] =	stream.indirect_vreg.gather [hbm4b:s7+s25], $0x80, v4, vm0, $0xb8;
	[tilespmem:$0x17F80] =	vst v63  }
0xe5: {  	s30 =	simm.s32 $0x12800  }
0xe6: {  	[tilespmem:s30], [sflag:$0x4] =	stream.indirect_vreg.gather [hbm4b:s7+s25], $0x80, v3, vm0, $0xb8;
	[tilespmem:$0x17F80] =	vst v63  }
0xe7: {  	v3 =	vld [tilespmem:s28+$0x880];
	_ =	sdelay $0x4  }
0xe8: {  	v62 =	vshll.u32 v3, $0x1  }
0xe9: {  	v3 =	vand.u32 $0x7, v3;
	v4 =	vand.u32 $0xFFFFFFF0, v62  }
0xea: {  	v3 =	vor.u32 v3, v4  }
0xeb: {  	v4 =	vperm.xlane v3, v0;
	_ =	sdelay $0x1  }
0xec: {  	v3 =	vperm.xlane v3, v2;
	v4 =	vadd.s32 v1, v4;
	_ =	sdelay $0x1  }
0xed: {  	v3 =	vadd.s32 v1, v3;
	_ =	sdelay $0x1  }
0xee: {  	s31 =	simm.s32 $0x13000  }
0xef: {  	[tilespmem:s31], [sflag:$0x4] =	stream.indirect_vreg.gather [hbm4b:s7+s25], $0x80, v4, vm0, $0xb8;
	[tilespmem:$0x17F80] =	vst v63  }
0xf0: {  	_ = 	snop  }
0xf1: {  	[tilespmem:s3], [sflag:$0x4] =	stream.indirect_vreg.gather [hbm4b:s7+s25], $0x80, v3, vm0, $0xb8;
	[tilespmem:$0x17F80] =	vst v63  }
0xf2: {  	v3 =	vld [tilespmem:s28+$0x890];
	_ =	sdelay $0x4  }
0xf3: {  	v63 =	vshll.u32 v3, $0x1  }
0xf4: {  	v3 =	vand.u32 $0x7, v3;
	v4 =	vand.u32 $0xFFFFFFF0, v63  }
0xf5: {  	v3 =	vor.u32 v3, v4  }
0xf6: {  	v4 =	vperm.xlane v3, v0;
	_ =	sdelay $0x1  }
0xf7: {  	v3 =	vperm.xlane v3, v2;
	v4 =	vadd.s32 v1, v4;
	_ =	sdelay $0x1  }
0xf8: {  	v3 =	vadd.s32 v1, v3;
	_ =	sdelay $0x2  }
0xf9: {  	[tilespmem:s21], [sflag:$0x4] =	stream.indirect_vreg.gather [hbm4b:s7+s25], $0x80, v4, vm0, $0xb8;
	[tilespmem:$0x17F80] =	vst v63  }
0xfa: {  	_ = 	snop  }
0xfb: {  	[tilespmem:s16], [sflag:$0x4] =	stream.indirect_vreg.gather [hbm4b:s7+s25], $0x80, v3, vm0, $0xb8;
	[tilespmem:$0x17F80] =	vst v63  }
0xfc: {  	_ =	swait.ge [sflag:s22], $0x5000  }
0xfd: {  	[sflag:s22] =	ssyncset.done $0x0  }
0xfe: {  	[sflag:s22] =	ssyncadd.s32 $0xFFFFB000  }
0xff: {  	_ =	swait.ge [sflag:s15], $0x5000  }
0x100: {  	[sflag:s15] =	ssyncset.done $0x0  }
0x101: {  	s29 =	simm.s32 $0x0;
	s18 =	sadd.s32 $0x50, s28;
	[sflag:s15] =	ssyncadd.s32 $0xFFFFB000  }
.LBB2_4:
0x102: {  	s0 =	sshll.u32 s29, $0x8;
	s2 =	sshll.u32 s29, $0x7  }
0x103: {  	s19 =	simm.s32 $0x0;
	s0 =	sand.u32 $0x7800, s0;
	s2 =	sand.u32 $0x380, s2  }
0x104: {  	s11 =	sor.u32 s0, s2;
	s2 =	sand.u32 $0x400, s19  }
0x105: {  	s20 =	sand.u32 $0x70, s19;
	s0 =	sor.u32 s2, s11  }
0x106: {  	s30 =	sor.u32 s20, s0  }
0x107: {  	v3 =	vld [tilespmem:s30+$0x1000]  }
0x108: {  	v4 =	vld [tilespmem:s30+$0x6000];
	_ =	sdelay $0x2  }
0x109: {  	s19 =	simm.s32 $0x80  }
0x10a: {  	s2 =	simm.s32 $0x10;
	s20 =	sand.u32 $0x400, s19  }
0x10b: {  	s31 =	simm.s32 $0x20;
	s2 =	sand.u32 $0x70, s2;
	s0 =	sor.u32 s20, s11;
	v3 =	vadd.f32 v3, v4  }
.LBB2_5:
0x10c: {  	p0 =	sne.s32 s31, $0xF0;
	s0 =	sor.u32 s2, s0  }
0x10d: {  	v4 =	vld [tilespmem:s0+$0x1000];
	[tilespmem:s30+$0x6000] =	vst v3;
	s30 =	smov.u32 s0  }
0x10e: {  	v3 =	vld [tilespmem:s30+$0x6000]  }
.Ltmp0:
0x10f: {  	(pc) =	sbr.rel @p0 .LBB2_5-.Ltmp0, $4  }
0x110: {  	_ = 	snop  }
0x111: {  	s19 =	sadd.s32 $0x80, s19  }
0x112: {  	s0 =	sand.u32 $0x400, s19  }
0x113: {  	s2 =	sand.u32 $0x70, s31;
	s31 =	sadd.s32 $0x10, s31;
	s0 =	sor.u32 s0, s11;
	v3 =	vadd.f32 v4, v3  }
0x114: {  	s0 =	sor.u32 s2, s0  }
0x115: {  	v4 =	vld [tilespmem:s0+$0x1000];
	[tilespmem:s30+$0x6000] =	vst v3  }
0x116: {  	v3 =	vld [tilespmem:s0+$0x6000]  }
0x117: {  	s29 =	sadd.s32 $0x1, s29  }
0x118: {  	p0 =	sne.s32 s29, $0x50  }
.Ltmp1:
0x119: {  	_ = 	snop;
	(pc) =	sbr.rel @p0 .LBB2_4-.Ltmp1, $3  }
0x11a: {  	_ = 	snop  }
0x11b: {  	v3 =	vadd.f32 v4, v3;
	_ =	sdelay $0x1  }
0x11c: {  	[tilespmem:s0+$0x6000] =	vst v3  }
0x11d: {  	v3 =	vld [tilespmem:s28+$0x800];
	_ =	sdelay $0x5  }
0x11e: {  	v4 =	vld [tilespmem:s28+$0x810];
	_ =	sdelay $0x1  }
0x11f: {  	v3 =	vld.idx.msk [tilespmem:v3+s13+$0x0], $0xffff;
	_ =	sdelay $0x3  }
0x120: {  	v5 =	vld [tilespmem:s28+$0x820]  }
0x121: {  	[tilespmem:s28+$0x15000] =	vst v3  }
0x122: {  	v3 =	vld.idx.msk [tilespmem:v4+s13+$0x0], $0xffff;
	_ =	sdelay $0x3  }
0x123: {  	v52 =	vld [tilespmem:s28+$0x830]  }
0x124: {  	[tilespmem:s28+$0x15010] =	vst v3  }
0x125: {  	v3 =	vld.idx.msk [tilespmem:v5+s13+$0x0], $0xffff;
	_ =	sdelay $0x3  }
0x126: {  	v53 =	vld [tilespmem:s28+$0x840]  }
0x127: {  	[tilespmem:s28+$0x15020] =	vst v3  }
0x128: {  	v3 =	vld.idx.msk [tilespmem:v52+s13+$0x0], $0xffff;
	_ =	sdelay $0x4  }
0x129: {  	[tilespmem:s28+$0x15030] =	vst v3  }
0x12a: {  	v3 =	vld.idx.msk [tilespmem:v53+s13+$0x0], $0xffff;
	_ =	sdelay $0x2  }
0x12b: {  	s0 =	sadd.s32 s24, s28  }
0x12c: {  	s0 =	sshll.u32 s0, $0x5  }
0x12d: {  	s29 =	simm.s32 $0x0;
	s0 =	sadd.s32 s9, s0;
	[tilespmem:s28+$0x15040] =	vst v3  }
0x12e: {  	[hbm4b:s0+s29] =	stream.linear.scatter [tilespmem:s26], [sflag:$0x5], $0x5000, $0x38;
	[tilespmem:$0x17F80] =	vst v63  }
0x12f: {  	_ =	swait.ge [sflag:s14], $0x5000  }
0x130: {  	[sflag:s14] =	ssyncset.done $0x0  }
0x131: {  	[sflag:s14] =	ssyncadd.s32 $0xFFFFB000  }
0x132: {  	v3 =	vld [tilespmem:s28+$0xA0];
	_ =	sdelay $0x4  }
0x133: {  	v54 =	vshll.u32 v3, $0x1  }
0x134: {  	v3 =	vand.u32 $0x7, v3;
	v4 =	vand.u32 $0xFFFFFFF0, v54  }
0x135: {  	v3 =	vor.u32 v3, v4  }
0x136: {  	v4 =	vperm.xlane v3, v0;
	_ =	sdelay $0x1  }
0x137: {  	v3 =	vperm.xlane v3, v2;
	v4 =	vadd.s32 v1, v4;
	_ =	sdelay $0x1  }
0x138: {  	v3 =	vadd.s32 v1, v3;
	_ =	sdelay $0x1  }
0x139: {  	s19 =	simm.s32 $0x1000  }
0x13a: {  	[tilespmem:s19], [sflag:$0x1] =	stream.indirect_vreg.gather [hbm4b:s6+s29], $0x80, v4, vm0, $0xb8;
	[tilespmem:$0x17F80] =	vst v63  }
0x13b: {  	s20 =	simm.s32 $0x1800  }
0x13c: {  	[tilespmem:s20], [sflag:$0x1] =	stream.indirect_vreg.gather [hbm4b:s6+s29], $0x80, v3, vm0, $0xb8;
	[tilespmem:$0x17F80] =	vst v63  }
0x13d: {  	v3 =	vld [tilespmem:s28+$0xB0];
	_ =	sdelay $0x4  }
0x13e: {  	v55 =	vshll.u32 v3, $0x1  }
0x13f: {  	v3 =	vand.u32 $0x7, v3;
	v4 =	vand.u32 $0xFFFFFFF0, v55  }
0x140: {  	v3 =	vor.u32 v3, v4  }
0x141: {  	v4 =	vperm.xlane v3, v0;
	_ =	sdelay $0x1  }
0x142: {  	v3 =	vperm.xlane v3, v2;
	v4 =	vadd.s32 v1, v4;
	_ =	sdelay $0x1  }
0x143: {  	v3 =	vadd.s32 v1, v3;
	_ =	sdelay $0x1  }
0x144: {  	s30 =	simm.s32 $0x2000  }
0x145: {  	[tilespmem:s30], [sflag:$0x1] =	stream.indirect_vreg.gather [hbm4b:s6+s29], $0x80, v4, vm0, $0xb8;
	[tilespmem:$0x17F80] =	vst v63  }
0x146: {  	s31 =	simm.s32 $0x2800  }
0x147: {  	[tilespmem:s31], [sflag:$0x1] =	stream.indirect_vreg.gather [hbm4b:s6+s29], $0x80, v3, vm0, $0xb8;
	[tilespmem:$0x17F80] =	vst v63  }
0x148: {  	v3 =	vld [tilespmem:s28+$0xC0];
	_ =	sdelay $0x4  }
0x149: {  	v56 =	vshll.u32 v3, $0x1  }
0x14a: {  	v3 =	vand.u32 $0x7, v3;
	v4 =	vand.u32 $0xFFFFFFF0, v56  }
0x14b: {  	v3 =	vor.u32 v3, v4  }
0x14c: {  	v4 =	vperm.xlane v3, v0;
	_ =	sdelay $0x1  }
0x14d: {  	v3 =	vperm.xlane v3, v2;
	v4 =	vadd.s32 v1, v4;
	_ =	sdelay $0x1  }
0x14e: {  	v3 =	vadd.s32 v1, v3;
	_ =	sdelay $0x1  }
0x14f: {  	s2 =	simm.s32 $0x3000  }
0x150: {  	[tilespmem:s2], [sflag:$0x1] =	stream.indirect_vreg.gather [hbm4b:s6+s29], $0x80, v4, vm0, $0xb8;
	[tilespmem:$0x17F80] =	vst v63  }
0x151: {  	s11 =	simm.s32 $0x3800  }
0x152: {  	[tilespmem:s11], [sflag:$0x1] =	stream.indirect_vreg.gather [hbm4b:s6+s29], $0x80, v3, vm0, $0xb8;
	[tilespmem:$0x17F80] =	vst v63  }
0x153: {  	v3 =	vld [tilespmem:s28+$0xD0];
	_ =	sdelay $0x4  }
0x154: {  	v57 =	vshll.u32 v3, $0x1  }
0x155: {  	v3 =	vand.u32 $0x7, v3;
	v4 =	vand.u32 $0xFFFFFFF0, v57  }
0x156: {  	v3 =	vor.u32 v3, v4  }
0x157: {  	v4 =	vperm.xlane v3, v0;
	_ =	sdelay $0x1  }
0x158: {  	v3 =	vperm.xlane v3, v2;
	v4 =	vadd.s32 v1, v4;
	_ =	sdelay $0x1  }
0x159: {  	v3 =	vadd.s32 v1, v3;
	_ =	sdelay $0x1  }
0x15a: {  	s19 =	simm.s32 $0x4000  }
0x15b: {  	[tilespmem:s19], [sflag:$0x1] =	stream.indirect_vreg.gather [hbm4b:s6+s29], $0x80, v4, vm0, $0xb8;
	[tilespmem:$0x17F80] =	vst v63  }
0x15c: {  	s20 =	simm.s32 $0x4800  }
0x15d: {  	[tilespmem:s20], [sflag:$0x1] =	stream.indirect_vreg.gather [hbm4b:s6+s29], $0x80, v3, vm0, $0xb8;
	[tilespmem:$0x17F80] =	vst v63  }
0x15e: {  	v3 =	vld [tilespmem:s28+$0xE0];
	_ =	sdelay $0x4  }
0x15f: {  	v58 =	vshll.u32 v3, $0x1  }
0x160: {  	v3 =	vand.u32 $0x7, v3;
	v4 =	vand.u32 $0xFFFFFFF0, v58  }
0x161: {  	v3 =	vor.u32 v3, v4  }
0x162: {  	v4 =	vperm.xlane v3, v0;
	_ =	sdelay $0x1  }
0x163: {  	v3 =	vperm.xlane v3, v2;
	v4 =	vadd.s32 v1, v4;
	_ =	sdelay $0x1  }
0x164: {  	v3 =	vadd.s32 v1, v3;
	_ =	sdelay $0x1  }
0x165: {  	s30 =	simm.s32 $0x5000  }
0x166: {  	[tilespmem:s30], [sflag:$0x1] =	stream.indirect_vreg.gather [hbm4b:s6+s29], $0x80, v4, vm0, $0xb8;
	[tilespmem:$0x17F80] =	vst v63  }
0x167: {  	s31 =	simm.s32 $0x5800  }
0x168: {  	[tilespmem:s31], [sflag:$0x1] =	stream.indirect_vreg.gather [hbm4b:s6+s29], $0x80, v3, vm0, $0xb8;
	[tilespmem:$0x17F80] =	vst v63  }
0x169: {  	v3 =	vld [tilespmem:s28+$0x8A0];
	_ =	sdelay $0x4  }
0x16a: {  	v59 =	vshll.u32 v3, $0x1  }
0x16b: {  	v3 =	vand.u32 $0x7, v3;
	v4 =	vand.u32 $0xFFFFFFF0, v59  }
0x16c: {  	v3 =	vor.u32 v3, v4  }
0x16d: {  	v4 =	vperm.xlane v3, v0;
	_ =	sdelay $0x1  }
0x16e: {  	v3 =	vperm.xlane v3, v2;
	v4 =	vadd.s32 v1, v4;
	_ =	sdelay $0x1  }
0x16f: {  	v3 =	vadd.s32 v1, v3;
	_ =	sdelay $0x2  }
0x170: {  	[tilespmem:s26], [sflag:$0x2] =	stream.indirect_vreg.gather [hbm4b:s7+s29], $0x80, v4, vm0, $0xb8;
	[tilespmem:$0x17F80] =	vst v63  }
0x171: {  	s2 =	simm.s32 $0x6800  }
0x172: {  	[tilespmem:s2], [sflag:$0x2] =	stream.indirect_vreg.gather [hbm4b:s7+s29], $0x80, v3, vm0, $0xb8;
	[tilespmem:$0x17F80] =	vst v63  }
0x173: {  	v3 =	vld [tilespmem:s28+$0x8B0];
	_ =	sdelay $0x4  }
0x174: {  	v60 =	vshll.u32 v3, $0x1  }
0x175: {  	v3 =	vand.u32 $0x7, v3;
	v4 =	vand.u32 $0xFFFFFFF0, v60  }
0x176: {  	v3 =	vor.u32 v3, v4  }
0x177: {  	v4 =	vperm.xlane v3, v0;
	_ =	sdelay $0x1  }
0x178: {  	v3 =	vperm.xlane v3, v2;
	v4 =	vadd.s32 v1, v4;
	_ =	sdelay $0x1  }
0x179: {  	v3 =	vadd.s32 v1, v3;
	_ =	sdelay $0x1  }
0x17a: {  	s11 =	simm.s32 $0x7000  }
0x17b: {  	[tilespmem:s11], [sflag:$0x2] =	stream.indirect_vreg.gather [hbm4b:s7+s29], $0x80, v4, vm0, $0xb8;
	[tilespmem:$0x17F80] =	vst v63  }
0x17c: {  	s19 =	simm.s32 $0x7800  }
0x17d: {  	[tilespmem:s19], [sflag:$0x2] =	stream.indirect_vreg.gather [hbm4b:s7+s29], $0x80, v3, vm0, $0xb8;
	[tilespmem:$0x17F80] =	vst v63  }
0x17e: {  	v3 =	vld [tilespmem:s28+$0x8C0];
	_ =	sdelay $0x4  }
0x17f: {  	v61 =	vshll.u32 v3, $0x1  }
0x180: {  	v3 =	vand.u32 $0x7, v3;
	v4 =	vand.u32 $0xFFFFFFF0, v61  }
0x181: {  	v3 =	vor.u32 v3, v4  }
0x182: {  	v4 =	vperm.xlane v3, v0;
	_ =	sdelay $0x1  }
0x183: {  	v3 =	vperm.xlane v3, v2;
	v4 =	vadd.s32 v1, v4;
	_ =	sdelay $0x1  }
0x184: {  	v3 =	vadd.s32 v1, v3;
	_ =	sdelay $0x1  }
0x185: {  	s20 =	simm.s32 $0x8000  }
0x186: {  	[tilespmem:s20], [sflag:$0x2] =	stream.indirect_vreg.gather [hbm4b:s7+s29], $0x80, v4, vm0, $0xb8;
	[tilespmem:$0x17F80] =	vst v63  }
0x187: {  	s30 =	simm.s32 $0x8800  }
0x188: {  	[tilespmem:s30], [sflag:$0x2] =	stream.indirect_vreg.gather [hbm4b:s7+s29], $0x80, v3, vm0, $0xb8;
	[tilespmem:$0x17F80] =	vst v63  }
0x189: {  	v3 =	vld [tilespmem:s28+$0x8D0];
	_ =	sdelay $0x4  }
0x18a: {  	v62 =	vshll.u32 v3, $0x1  }
0x18b: {  	v3 =	vand.u32 $0x7, v3;
	v4 =	vand.u32 $0xFFFFFFF0, v62  }
0x18c: {  	v3 =	vor.u32 v3, v4  }
0x18d: {  	v4 =	vperm.xlane v3, v0;
	_ =	sdelay $0x1  }
0x18e: {  	v3 =	vperm.xlane v3, v2;
	v4 =	vadd.s32 v1, v4;
	_ =	sdelay $0x1  }
0x18f: {  	v3 =	vadd.s32 v1, v3;
	_ =	sdelay $0x1  }
0x190: {  	s31 =	simm.s32 $0x9000  }
0x191: {  	[tilespmem:s31], [sflag:$0x2] =	stream.indirect_vreg.gather [hbm4b:s7+s29], $0x80, v4, vm0, $0xb8;
	[tilespmem:$0x17F80] =	vst v63  }
0x192: {  	_ = 	snop  }
0x193: {  	[tilespmem:s8], [sflag:$0x2] =	stream.indirect_vreg.gather [hbm4b:s7+s29], $0x80, v3, vm0, $0xb8;
	[tilespmem:$0x17F80] =	vst v63  }
0x194: {  	v3 =	vld [tilespmem:s28+$0x8E0];
	_ =	sdelay $0x4  }
0x195: {  	v63 =	vshll.u32 v3, $0x1  }
0x196: {  	v3 =	vand.u32 $0x7, v3;
	v4 =	vand.u32 $0xFFFFFFF0, v63  }
0x197: {  	v3 =	vor.u32 v3, v4  }
0x198: {  	v4 =	vperm.xlane v3, v0;
	_ =	sdelay $0x1  }
0x199: {  	v3 =	vperm.xlane v3, v2;
	v4 =	vadd.s32 v1, v4;
	_ =	sdelay $0x1  }
0x19a: {  	v3 =	vadd.s32 v1, v3;
	_ =	sdelay $0x2  }
0x19b: {  	[tilespmem:s12], [sflag:$0x2] =	stream.indirect_vreg.gather [hbm4b:s7+s29], $0x80, v4, vm0, $0xb8;
	[tilespmem:$0x17F80] =	vst v63  }
0x19c: {  	_ = 	snop  }
0x19d: {  	[tilespmem:s1], [sflag:$0x2] =	stream.indirect_vreg.gather [hbm4b:s7+s29], $0x80, v3, vm0, $0xb8;
	[tilespmem:$0x17F80] =	vst v63  }
0x19e: {  	_ =	swait.ge [sflag:s23], $0x5000  }
0x19f: {  	[sflag:s23] =	ssyncset.done $0x0  }
0x1a0: {  	[sflag:s23] =	ssyncadd.s32 $0xFFFFB000  }
0x1a1: {  	_ =	swait.ge [sflag:s4], $0x5000  }
0x1a2: {  	[sflag:s4] =	ssyncset.done $0x0  }
0x1a3: {  	s11 =	simm.s32 $0x0;
	[sflag:s4] =	ssyncadd.s32 $0xFFFFB000  }
.LBB2_8:
0x1a4: {  	s0 =	sshll.u32 s11, $0x8;
	s2 =	sshll.u32 s11, $0x7  }
0x1a5: {  	s0 =	sand.u32 $0x7800, s0;
	s2 =	sand.u32 $0x380, s2  }
0x1a6: {  	s19 =	sand.u32 $0x400, s29;
	s30 =	sor.u32 s0, s2  }
0x1a7: {  	s20 =	sand.u32 $0x70, s29;
	s0 =	sor.u32 s19, s30  }
0x1a8: {  	s19 =	sor.u32 s20, s0  }
0x1a9: {  	v3 =	vld [tilespmem:s19+$0xB000]  }
0x1aa: {  	v4 =	vld [tilespmem:s19+$0x10000];
	_ =	sdelay $0x2  }
0x1ab: {  	s31 =	simm.s32 $0x80  }
0x1ac: {  	s2 =	simm.s32 $0x10;
	s20 =	sand.u32 $0x400, s31  }
0x1ad: {  	s0 =	sand.u32 $0x70, s2;
	s2 =	simm.s32 $0x20;
	s20 =	sor.u32 s20, s30;
	v3 =	vadd.f32 v3, v4  }
.LBB2_9:
0x1ae: {  	p0 =	sne.s32 s2, $0xF0;
	s0 =	sor.u32 s0, s20  }
0x1af: {  	v4 =	vld [tilespmem:s0+$0xB000];
	[tilespmem:s19+$0x10000] =	vst v3;
	s19 =	smov.u32 s0  }
0x1b0: {  	v3 =	vld [tilespmem:s19+$0x10000]  }
.Ltmp2:
0x1b1: {  	(pc) =	sbr.rel @p0 .LBB2_9-.Ltmp2, $4  }
0x1b2: {  	_ = 	snop  }
0x1b3: {  	s31 =	sadd.s32 $0x80, s31  }
0x1b4: {  	s20 =	sand.u32 $0x400, s31  }
0x1b5: {  	s0 =	sand.u32 $0x70, s2;
	s2 =	sadd.s32 $0x10, s2;
	s20 =	sor.u32 s20, s30;
	v3 =	vadd.f32 v4, v3  }
0x1b6: {  	s0 =	sor.u32 s0, s20  }
0x1b7: {  	v4 =	vld [tilespmem:s0+$0xB000];
	[tilespmem:s19+$0x10000] =	vst v3  }
0x1b8: {  	v3 =	vld [tilespmem:s0+$0x10000]  }
0x1b9: {  	s11 =	sadd.s32 $0x1, s11  }
0x1ba: {  	p0 =	sne.s32 s11, $0x50  }
.Ltmp3:
0x1bb: {  	_ = 	snop;
	(pc) =	sbr.rel @p0 .LBB2_8-.Ltmp3, $3  }
0x1bc: {  	_ = 	snop  }
0x1bd: {  	v3 =	vadd.f32 v4, v3;
	_ =	sdelay $0x1  }
0x1be: {  	[tilespmem:s0+$0x10000] =	vst v3  }
0x1bf: {  	v3 =	vld [tilespmem:s18+$0x800];
	_ =	sdelay $0x7  }
0x1c0: {  	v3 =	vld.idx.msk [tilespmem:v3+s13+$0x0], $0xffff;
	_ =	sdelay $0x4  }
0x1c1: {  	[tilespmem:s18+$0x15000] =	vst v3  }
0x1c2: {  	v3 =	vld [tilespmem:s28+$0x860];
	_ =	sdelay $0x5  }
0x1c3: {  	v4 =	vld [tilespmem:s28+$0x870];
	_ =	sdelay $0x1  }
0x1c4: {  	v3 =	vld.idx.msk [tilespmem:v3+s13+$0x0], $0xffff;
	_ =	sdelay $0x3  }
0x1c5: {  	v5 =	vld [tilespmem:s28+$0x880]  }
0x1c6: {  	[tilespmem:s28+$0x15060] =	vst v3  }
0x1c7: {  	v3 =	vld.idx.msk [tilespmem:v4+s13+$0x0], $0xffff;
	_ =	sdelay $0x3  }
0x1c8: {  	v63 =	vld [tilespmem:s28+$0x890]  }
0x1c9: {  	[tilespmem:s28+$0x15070] =	vst v3  }
0x1ca: {  	v3 =	vld.idx.msk [tilespmem:v5+s13+$0x0], $0xffff;
	_ =	sdelay $0x4  }
0x1cb: {  	[tilespmem:s28+$0x15080] =	vst v3  }
0x1cc: {  	v3 =	vld.idx.msk [tilespmem:v63+s13+$0x0], $0xffff;
	_ =	sdelay $0x2  }
0x1cd: {  	s0 =	sadd.s32 s24, s18;
	s10 =	sadd.s32 $0x1, s10  }
0x1ce: {  	s0 =	sshll.u32 s0, $0x5;
	p0 =	sne.s32 s10, $0xC  }
.Ltmp4:
0x1cf: {  	s0 =	sadd.s32 s9, s0;
	[tilespmem:s28+$0x15090] =	vst v3;
	(pc) =	sbr.rel @p0 .LBB2_3-.Ltmp4, $4  }
0x1d0: {  	[hbm4b:s0+s5] =	stream.linear.scatter [tilespmem:s17], [sflag:$0x5], $0x5000, $0x38;
	[tilespmem:$0x17F80] =	vst v63  }
0x1d1: {  	_ =	swait.ge [sflag:s14], $0x5000  }
0x1d2: {  	[sflag:s14] =	ssyncset.done $0x0  }
0x1d3: {  	[sflag:s14] =	ssyncadd.s32 $0xFFFFB000  }
0x1d4: {  	_ =	swait.ge [sflag:s22], $0x5000  }
0x1d5: {  	[sflag:s22] =	ssyncset.done $0x0  }
0x1d6: {  	[sflag:s22] =	ssyncadd.s32 $0xFFFFB000  }
0x1d7: {  	_ =	swait.ge [sflag:s15], $0x5000  }
0x1d8: {  	[sflag:s15] =	ssyncset.done $0x0  }
0x1d9: {  	s10 =	simm.s32 $0x0;
	s11 =	simm.s32 $0x0;
	[sflag:s15] =	ssyncadd.s32 $0xFFFFB000  }
.LBB2_13:
0x1da: {  	s0 =	sshll.u32 s11, $0x8;
	s2 =	sshll.u32 s11, $0x7  }
0x1db: {  	s0 =	sand.u32 $0x7800, s0;
	s2 =	sand.u32 $0x380, s2  }
0x1dc: {  	s28 =	sand.u32 $0x400, s10;
	s18 =	sor.u32 s0, s2  }
0x1dd: {  	s29 =	sand.u32 $0x70, s10;
	s0 =	sor.u32 s28, s18  }
0x1de: {  	s19 =	sor.u32 s29, s0  }
0x1df: {  	v3 =	vld [tilespmem:s19+$0x1000]  }
0x1e0: {  	v4 =	vld [tilespmem:s19+$0x6000];
	_ =	sdelay $0x2  }
0x1e1: {  	s25 =	simm.s32 $0x80  }
0x1e2: {  	s30 =	simm.s32 $0x10;
	s31 =	sand.u32 $0x400, s25  }
0x1e3: {  	s2 =	simm.s32 $0x20;
	s20 =	sor.u32 s31, s18;
	s0 =	sand.u32 $0x70, s30;
	v3 =	vadd.f32 v3, v4  }
.LBB2_14:
0x1e4: {  	p0 =	sne.s32 s2, $0xF0;
	s0 =	sor.u32 s0, s20  }
0x1e5: {  	v4 =	vld [tilespmem:s0+$0x1000];
	[tilespmem:s19+$0x6000] =	vst v3;
	s19 =	smov.u32 s0  }
0x1e6: {  	v3 =	vld [tilespmem:s19+$0x6000]  }
.Ltmp5:
0x1e7: {  	(pc) =	sbr.rel @p0 .LBB2_14-.Ltmp5, $4  }
0x1e8: {  	_ = 	snop  }
0x1e9: {  	s25 =	sadd.s32 $0x80, s25  }
0x1ea: {  	s20 =	sand.u32 $0x400, s25  }
0x1eb: {  	s0 =	sand.u32 $0x70, s2;
	s2 =	sadd.s32 $0x10, s2;
	s20 =	sor.u32 s20, s18;
	v3 =	vadd.f32 v4, v3  }
0x1ec: {  	s0 =	sor.u32 s0, s20  }
0x1ed: {  	v4 =	vld [tilespmem:s0+$0x1000];
	[tilespmem:s19+$0x6000] =	vst v3  }
0x1ee: {  	v3 =	vld [tilespmem:s0+$0x6000]  }
0x1ef: {  	s11 =	sadd.s32 $0x1, s11  }
0x1f0: {  	p0 =	sne.s32 s11, $0x50  }
.Ltmp6:
0x1f1: {  	_ = 	snop;
	(pc) =	sbr.rel @p0 .LBB2_13-.Ltmp6, $3  }
0x1f2: {  	_ = 	snop  }
0x1f3: {  	v3 =	vadd.f32 v4, v3;
	_ =	sdelay $0x1  }
0x1f4: {  	[tilespmem:s0+$0x6000] =	vst v3  }
0x1f5: {  	v3 =	vld [tilespmem:$0xF80];
	_ =	sdelay $0x5  }
0x1f6: {  	v4 =	vld [tilespmem:$0xF90];
	_ =	sdelay $0x1  }
0x1f7: {  	v3 =	vld.idx.msk [tilespmem:v3+s13+$0x0], $0xffff;
	_ =	sdelay $0x3  }
0x1f8: {  	v5 =	vld [tilespmem:$0xFA0]  }
0x1f9: {  	[tilespmem:$0x15780] =	vst v3  }
0x1fa: {  	v3 =	vld.idx.msk [tilespmem:v4+s13+$0x0], $0xffff;
	_ =	sdelay $0x3  }
0x1fb: {  	v62 =	vld [tilespmem:$0xFB0]  }
0x1fc: {  	[tilespmem:$0x15790] =	vst v3  }
0x1fd: {  	v3 =	vld.idx.msk [tilespmem:v5+s13+$0x0], $0xffff;
	_ =	sdelay $0x3  }
0x1fe: {  	v63 =	vld [tilespmem:$0xFC0]  }
0x1ff: {  	[tilespmem:$0x157A0] =	vst v3  }
0x200: {  	v3 =	vld.idx.msk [tilespmem:v62+s13+$0x0], $0xffff;
	_ =	sdelay $0x4  }
0x201: {  	[tilespmem:$0x157B0] =	vst v3  }
0x202: {  	v3 =	vld.idx.msk [tilespmem:v63+s13+$0x0], $0xffff;
	_ =	sdelay $0x3  }
0x203: {  	s0 =	sshll.u32 s24, $0x5;
	s2 =	rddreg [dreg:$0x7]  }
0x204: {  	s29 =	simm.s32 $0x0;
	s0 =	sadd.s32 s0, s2;
	[tilespmem:$0x157C0] =	vst v3  }
0x205: {  	[hbm4b:s0+s29] =	stream.linear.scatter [tilespmem:s26], [sflag:$0x5], $0x5000, $0x38;
	[tilespmem:$0x17F80] =	vst v63  }
0x206: {  	_ =	swait.ge [sflag:s14], $0x5000  }
0x207: {  	[sflag:s14] =	ssyncset.done $0x0  }
0x208: {  	s5 =	rddreg [dreg:$0xb];
	[sflag:s14] =	ssyncadd.s32 $0xFFFFB000  }
0x209: {  	s30 =	rddreg [dreg:$0x3]  }
0x20a: {  	s10 =	simm.s32 $0x15000;
	s0 =	sadd.s32 s30, s5  }
0x20b: {  	[hbm4b:s0+s29] =	stream.linear.scatter [tilespmem:s10], [sflag:$0x5], $0x7D0, $0x38;
	[tilespmem:$0x17F80] =	vst v63  }
0x20c: {  	_ =	swait.ge [sflag:s14], $0x7D0  }
0x20d: {  	s31 =	rddreg [dreg:$0xa]  }
0x20e: {  	s0 =	sadd.s32 $0x1, s31  }
0x20f: {  	p0 =	sne.s32 s0, $0x5  }
.Ltmp7:
0x210: {  	_ = 	snop;
	(pc) =	sbr.rel @p0 .LBB2_2-.Ltmp7, $3  }
0x211: {  	_ =	sdelay $0x1  }
0x212: {  	[sflag:s14] =	ssyncset.done $0x0  }
0x213: {  	s5 =	simm.s32 $0x0;
	[sflag:s14] =	ssyncadd.s32 $0xFFFFF830  }
0x214: {  	s2 =	rddreg [dreg:$0x9]  }
0x215: {  	s0 =	rddreg [dreg:$0x8];
	s2 =	sadd.s32 $0x1, s2  }
0x216: {  	p0 =	sne.s32 s2, s0  }
.Ltmp8:
0x217: {  	_ = 	snop;
	(pc) =	sbr.rel @p0 .LBB2_1-.Ltmp8, $1  }
0x218: {  	_ =	sdelay $0x3  }
0x219: {  	_ =	sfence.sel $0x180000  }
0x21a: {  	[bflag:$0x0] =	sbarrier.arrive $0xFFFF  }
0x21b: {  	_ =	strace $0x90000047  }
0x21c: {  	s0 =	stileid.u32;
	[bflag:$0x2] =	sbarrier.arrive $0xFFFF  }
0x21d: {  	p0 =	sne.s32 s0, $0x0;
	s0 =	rddreg [dreg:$0x4]  }
0x21e: {  	s0 =	sadd.s32 @!p0 $0x100000, s0  }
0x21f: {  	[sflag:s0] =	ssyncadd.tile.s32 @!p0 $0x1;
	_ =	shalt  }
.Lfunc_end2:
_tile_overlayer_lowered:
.L_overlay_start_2:
0x220: {  	(tag) =	ssettag $0x2  }
0x221: {  	s0 =	rddreg [dreg:$0x0];
	s2 =	stileid.u32  }
0x222: {  	s1 =	rddreg [dreg:$0x1];
	p0 =	sne.s32 s2, $0x0  }
0x223: {  	s3 =	rddreg [dreg:$0x2];
	[bflag:$0x3] =	sbarrier.arrive $0xFFFF;
	s2 =	simm.s32 @!p0 $0x1C05  }
0x224: {  	[timem:s3], [sflag:s2] =	dma.local @!p0 [hbm:s0], s1  }
0x225: {  	s0 =	simm.s32 @!p0 $0x5  }
0x226: {  	_ =	swait.ge @!p0 [sflag:s0], s1  }
0x227: {  	s1 =	ssub.s32 @!p0 $0x0, s1;
	[sflag:s0] =	ssyncset.done @!p0 $0x0  }
0x228: {  	[sflag:s0] =	ssyncadd.s32 @!p0 s1  }
0x229: {  	[bflag:$0x3] =	sbarrier.arrive $0xFFFF  }
0x22a: {  	_ =	shalt  }

</sc_bundles>
